<compile_context>
chip_gen: v7x
topology: tpu7x:2x2x1
jax: 0.10.2.dev20260603
libtpu: 0.0.44.dev20260713+nightly
codegen_flags: <defaults>
</compile_context>

<pallas_src>
import functools

import jax
import jax.numpy as jnp
from jax import lax
from jax.experimental import pallas as pl
from jax.experimental.pallas import tpu as pltpu
from jax.experimental.pallas import tpu_sc as plsc

NC, NS = 2, 16
NW = NC * NS
NSPLIT = 2


def _tc_preproject(h, W1e):
    N, D = h.shape
    H = W1e.shape[1]

    def body(h_ref, w1_ref, hs_ref, ht_ref):
        w1 = w1_ref[...]
        hv = h_ref[...]
        hs_ref[...] = jnp.dot(hv, w1[0:D], preferred_element_type=jnp.float32)
        ht_ref[...] = jnp.dot(hv, w1[D:2 * D], preferred_element_type=jnp.float32)

    return pl.pallas_call(
        body,
        grid=(1,),
        in_specs=[
            pl.BlockSpec((N, D), lambda i: (0, 0)),
            pl.BlockSpec(W1e.shape, lambda i: (0, 0)),
        ],
        out_specs=[
            pl.BlockSpec((N, H), lambda i: (0, 0)),
            pl.BlockSpec((N, H), lambda i: (0, 0)),
        ],
        out_shape=[jax.ShapeDtypeStruct((N, H), jnp.float32),
                   jax.ShapeDtypeStruct((N, H), jnp.float32)],
    )(h, W1e)


def _sc_gather(hs, ht, rowcol, E, off, Eh):
    N, D2 = hs.shape
    epw = Eh // NW
    CH = 200
    nchunk = epw // CH
    npair = nchunk // 2
    mesh = plsc.VectorSubcoreMesh(core_axis_name="c", subcore_axis_name="s")

    bufs = [pltpu.VMEM((CH,), jnp.int32), pltpu.VMEM((CH,), jnp.int32),
            pltpu.VMEM((CH, D2), jnp.int32), pltpu.VMEM((CH, D2), jnp.int32)]

    @functools.partial(
        pl.kernel,
        mesh=mesh,
        out_type=jax.ShapeDtypeStruct((Eh, 2 * D2), jnp.int32),
        scratch_types=bufs + bufs + [pltpu.SemaphoreType.DMA] * 12,
        compiler_params=pltpu.CompilerParams(use_tc_tiling_on_sc=False),
    )
    def k(hs_hbm, ht_hbm, ei_hbm, st_hbm,
          riA, ciA, srA, tgA, riB, ciB, srB, tgB, *sems):
        wid = lax.axis_index("s") * NC + lax.axis_index("c")
        base0 = wid * epw

        def idx_start(i, ri, ci, sms):
            base = off + base0 + i * CH
            return (pltpu.async_copy(ei_hbm.at[pl.ds(base, CH)], ri, sms[0]),
                    pltpu.async_copy(ei_hbm.at[pl.ds(E + base, CH)], ci,
                                     sms[1]))

        def gat_start(ri, ci, sr, tg, sms):
            return (pltpu.async_copy(hs_hbm.at[ri], sr, sms[2]),
                    pltpu.async_copy(ht_hbm.at[ci], tg, sms[3]))

        def out_start(i, sr, tg, sms):
            base = base0 + i * CH
            return (pltpu.async_copy(
                        sr, st_hbm.at[pl.ds(base, CH), pl.ds(0, D2)], sms[4]),
                    pltpu.async_copy(
                        tg, st_hbm.at[pl.ds(base, CH), pl.ds(D2, D2)], sms[5]))

        smA, smB = sems[:6], sems[6:]

        @pl.loop(0, npair)
        def _(j):
            i0 = 2 * j
            ia = idx_start(i0, riA, ciA, smA)
            ib = idx_start(i0 + 1, riB, ciB, smB)
            ia[0].wait()
            ia[1].wait()
            ga = gat_start(riA, ciA, srA, tgA, smA)
            ib[0].wait()
            ib[1].wait()
            ga[0].wait()
            ga[1].wait()
            wa = out_start(i0, srA, tgA, smA)
            gb = gat_start(riB, ciB, srB, tgB, smB)
            gb[0].wait()
            gb[1].wait()
            wb = out_start(i0 + 1, srB, tgB, smB)
            wa[0].wait()
            wa[1].wait()
            wb[0].wait()
            wb[1].wait()

        for i in range(2 * npair, nchunk):
            ia = idx_start(i, riA, ciA, smA)
            ia[0].wait()
            ia[1].wait()
            ga = gat_start(riA, ciA, srA, tgA, smA)
            ga[0].wait()
            ga[1].wait()
            wa = out_start(i, srA, tgA, smA)
            wa[0].wait()
            wa[1].wait()

    return k(hs, ht, rowcol)


def _sc_segment_sum(ef, rowcol, off, zeros):
    Eh, D = ef.shape
    Npad = zeros.shape[0]
    SCH = 40
    epc = Eh // NC
    epw = epc // NS
    nchunk = epw // SCH
    rpt = Npad // NS
    mesh = plsc.VectorSubcoreMesh(core_axis_name="c", subcore_axis_name="s")

    @functools.partial(
        pl.kernel,
        mesh=mesh,
        out_type=jax.ShapeDtypeStruct((NC, Npad, D), jnp.float32),
        scratch_types=[
            pltpu.VMEM((SCH,), jnp.int32),
            pltpu.VMEM((SCH,), jnp.int32),
            pltpu.VMEM((SCH, D), jnp.float32),
            pltpu.VMEM((SCH, D), jnp.float32),
            pltpu.VMEM_SHARED((Npad, D), jnp.float32),
            pltpu.SemaphoreType.DMA,
            pltpu.SemaphoreType.DMA,
            pltpu.SemaphoreType.DMA,
            pltpu.SemaphoreType.DMA,
        ],
    )
    def k(ef_hbm, ei_hbm, zero_hbm, out_hbm, idx0, idx1, ef0, ef1, acc_sh,
          si0, si1, se0, se1):
        c = lax.axis_index("c")
        s = lax.axis_index("s")
        zbase = s * rpt
        pltpu.sync_copy(zero_hbm.at[pl.ds(zbase, rpt)],
                        acc_sh.at[pl.ds(zbase, rpt)])
        plsc.subcore_barrier()

        base0 = c * epc + s * epw

        def start(i, idxb, efb, sib, seb):
            base = base0 + i * SCH
            pltpu.make_async_copy(ei_hbm.at[pl.ds(off + base, SCH)], idxb,
                                  sib).start()
            pltpu.make_async_copy(ef_hbm.at[pl.ds(base, SCH)], efb,
                                  seb).start()

        def flush(i, idxb, efb, sib, seb):
            base = base0 + i * SCH
            pltpu.make_async_copy(ei_hbm.at[pl.ds(off + base, SCH)], idxb,
                                  sib).wait()
            pltpu.make_async_copy(ef_hbm.at[pl.ds(base, SCH)], efb,
                                  seb).wait()
            pltpu.sync_copy(efb, acc_sh.at[idxb], add=True)

        start(0, idx0, ef0, si0, se0)

        @pl.loop(0, (nchunk - 1) // 2)
        def _(j):
            i0 = 2 * j
            start(i0 + 1, idx1, ef1, si1, se1)
            flush(i0, idx0, ef0, si0, se0)
            start(i0 + 2, idx0, ef0, si0, se0)
            flush(i0 + 1, idx1, ef1, si1, se1)

        flush(nchunk - 1, idx0, ef0, si0, se0)

        plsc.subcore_barrier()
        pltpu.sync_copy(acc_sh.at[pl.ds(zbase, rpt)],
                        out_hbm.at[c, pl.ds(zbase, rpt)])

    return k(ef, rowcol, zeros)


def _unpack_bf16_pair(w):
    u = lax.bitcast_convert_type(w, jnp.uint32)
    lo = lax.bitcast_convert_type((u & 0xFFFF).astype(jnp.uint16),
                                  jnp.bfloat16).astype(jnp.float32)
    hi = lax.bitcast_convert_type((u >> 16).astype(jnp.uint16),
                                  jnp.bfloat16).astype(jnp.float32)
    return jnp.concatenate([lo, hi], axis=1)


def _tc_edge_mlp(st, attr_t, off, W1e, b1e, W2e, b2e):
    E, D = st.shape
    D2 = D // 2
    DE = attr_t.shape[0]
    H = W2e.shape[0]
    BE = 6400
    blk_off = off // BE

    def body(st_ref, attr_ref, w1c_ref, b1_ref, w2_ref, b2_ref, out_ref):
        za = lax.dot_general(attr_ref[...], w1c_ref[...],
                             (((0,), (0,)), ((), ())),
                             preferred_element_type=jnp.float32)
        w = st_ref[...]
        z = (_unpack_bf16_pair(w[:, :D2]) + _unpack_bf16_pair(w[:, D2:])
             + za + b1_ref[...])
        m = z * jax.nn.sigmoid(z)
        y = jnp.dot(m, w2_ref[...],
                    preferred_element_type=jnp.float32) + b2_ref[...]
        out_ref[...] = y * jax.nn.sigmoid(y)

    return pl.pallas_call(
        body,
        grid=(E // BE,),
        in_specs=[
            pl.BlockSpec((BE, D), lambda i: (i, 0)),
            pl.BlockSpec((DE, BE), lambda i: (0, i + blk_off)),
            pl.BlockSpec((DE, H), lambda i: (0, 0)),
            pl.BlockSpec((1, H), lambda i: (0, 0)),
            pl.BlockSpec((H, H), lambda i: (0, 0)),
            pl.BlockSpec((1, H), lambda i: (0, 0)),
        ],
        out_specs=pl.BlockSpec((BE, H), lambda i: (i, 0)),
        out_shape=jax.ShapeDtypeStruct((E, H), jnp.float32),
    )(st, attr_t, W1e[2 * D:2 * D + DE], b1e.reshape(1, H), W2e,
      b2e.reshape(1, H))


def _tc_node_mlp(h, parts, W1n, b1n, W2n, b2n):
    N, D = h.shape
    H = parts[0].shape[1]
    DO = W2n.shape[1]
    BN = 2000

    def body(h_ref, p0_ref, p1_ref, p2_ref, p3_ref, w1_ref, b1_ref, w2_ref,
             b2_ref, out_ref):
        agg = ((p0_ref[...] + p1_ref[...]) + (p2_ref[...] + p3_ref[...]))
        w1 = w1_ref[...]
        z = (jnp.dot(h_ref[...], w1[0:D], preferred_element_type=jnp.float32)
             + jnp.dot(agg, w1[D:D + H], preferred_element_type=jnp.float32)
             + b1_ref[...])
        t = z * jax.nn.sigmoid(z)
        out_ref[...] = jnp.dot(t, w2_ref[...],
                               preferred_element_type=jnp.float32) + b2_ref[...]

    return pl.pallas_call(
        body,
        grid=(N // BN,),
        in_specs=[
            pl.BlockSpec((BN, D), lambda i: (i, 0)),
            pl.BlockSpec((BN, H), lambda i: (i, 0)),
            pl.BlockSpec((BN, H), lambda i: (i, 0)),
            pl.BlockSpec((BN, H), lambda i: (i, 0)),
            pl.BlockSpec((BN, H), lambda i: (i, 0)),
            pl.BlockSpec((D + H, H), lambda i: (0, 0)),
            pl.BlockSpec((1, H), lambda i: (0, 0)),
            pl.BlockSpec((H, DO), lambda i: (0, 0)),
            pl.BlockSpec((1, DO), lambda i: (0, 0)),
        ],
        out_specs=pl.BlockSpec((BN, DO), lambda i: (i, 0)),
        out_shape=jax.ShapeDtypeStruct((N, DO), jnp.float32),
    )(h, *parts, W1n, b1n.reshape(1, H), W2n, b2n.reshape(1, DO))


def kernel(h, edge_index, edge_attr, W1e, b1e, W2e, b2e, W1n, b1n, W2n, b2n):
    N = h.shape[0]
    E = edge_index.shape[1]
    Eh = E // NSPLIT
    attr_t = edge_attr.T
    rowcol = edge_index.reshape(2 * E)
    hs, ht = _tc_preproject(h, W1e)

    def pack(x):
        xb = x.astype(jnp.bfloat16)
        D = x.shape[1]
        lo = lax.bitcast_convert_type(xb[:, :D // 2], jnp.uint16).astype(jnp.uint32)
        hi = lax.bitcast_convert_type(xb[:, D // 2:], jnp.uint16).astype(jnp.uint32)
        return lax.bitcast_convert_type(lo | (hi << 16), jnp.int32)

    hs, ht = pack(hs), pack(ht)
    Npad = ((N + 8 * NS - 1) // (8 * NS)) * (8 * NS)
    zeros = jnp.zeros((Npad, h.shape[1]), jnp.float32)
    parts = []
    for ci in range(NSPLIT):
        lo = ci * Eh
        st = _sc_gather(hs, ht, rowcol, E, lo, Eh)
        ef = _tc_edge_mlp(st, attr_t, lo, W1e, b1e, W2e, b2e)
        p = _sc_segment_sum(ef, rowcol, lo, zeros)
        parts.extend([p[0, :N], p[1, :N]])
    return _tc_node_mlp(h, parts, W1n, b1n, W2n, b2n)

# --- scband reference (transcript-rebuilt; emitter-appended) ---
"""Pipeline reference for scband-gnlayer-34505767256113 (READ-ONLY COPY).

The authoritative reference and input builder live on the scoring server;
editing this copy changes nothing except your own understanding.
"""

import jax, jax.numpy as jnp
import numpy as np

N, E, D, H, DE = 10000, 320000, 128, 128, 4

def setup_inputs(seed: int = 0) -> dict:
    key = jax.random.key(seed)
    ks = jax.random.split(key, 12)
    h = jax.random.normal(ks[0], (N, D), dtype=jnp.float32)
    edge_index = jax.random.randint(ks[1], (2, E), 0, N, dtype=jnp.int32)
    edge_attr = jax.random.normal(ks[2], (E, DE), dtype=jnp.float32)
    s = 0.05
    W1e = jax.random.normal(ks[3], (2 * D + DE, H), dtype=jnp.float32) * s
    b1e = jnp.zeros((H,), dtype=jnp.float32)
    W2e = jax.random.normal(ks[4], (H, H), dtype=jnp.float32) * s
    b2e = jnp.zeros((H,), dtype=jnp.float32)
    W1n = jax.random.normal(ks[5], (H + D, H), dtype=jnp.float32) * s
    b1n = jnp.zeros((H,), dtype=jnp.float32)
    W2n = jax.random.normal(ks[6], (H, D), dtype=jnp.float32) * s
    b2n = jnp.zeros((D,), dtype=jnp.float32)
    return {"h": h, "edge_index": edge_index, "edge_attr": edge_attr,
            "W1e": W1e, "b1e": b1e, "W2e": W2e, "b2e": b2e,
            "W1n": W1n, "b1n": b1n, "W2n": W2n, "b2n": b2n}

def reference(h, edge_index, edge_attr, W1e, b1e, W2e, b2e, W1n, b1n, W2n, b2n):
    row = edge_index[0]
    col = edge_index[1]
    source = jnp.take(h, row, axis=0)
    target = jnp.take(h, col, axis=0)
    e_in = jnp.concatenate([source, target, edge_attr], axis=1)
    m = jax.nn.silu(e_in @ W1e + b1e)
    edge_feat = jax.nn.silu(m @ W2e + b2e)
    agg = jax.ops.segment_sum(edge_feat, row, num_segments=h.shape[0])
    n_in = jnp.concatenate([h, agg], axis=1)
    out = jax.nn.silu(n_in @ W1n + b1n)
    out = out @ W2n + b2n
    return out

if __name__ == "__main__":
    import jax
    _d = setup_inputs()
    print(jax.jit(kernel)(*tuple(_d.values())))

</pallas_src>

<mosaic_0001>
#map = affine_map<(d0, d1) -> (0, 0)>
#map1 = affine_map<(d0, d1) -> (0)>
module attributes {stable_mosaic.version = 14 : i64} {
  func.func @k(%arg0: i32, %arg1: i32, %arg2: memref<10000x64xi32, #tpu.memory_space<hbm>>, %arg3: memref<10000x64xi32, #tpu.memory_space<hbm>>, %arg4: memref<640000xi32, #tpu.memory_space<hbm>>, %arg5: memref<160000x128xi32, #tpu.memory_space<hbm>>, %arg6: memref<200xi32, #tpu.memory_space<vmem>>, %arg7: memref<200xi32, #tpu.memory_space<vmem>>, %arg8: memref<200x64xi32, #tpu.memory_space<vmem>>, %arg9: memref<200x64xi32, #tpu.memory_space<vmem>>, %arg10: memref<200xi32, #tpu.memory_space<vmem>>, %arg11: memref<200xi32, #tpu.memory_space<vmem>>, %arg12: memref<200x64xi32, #tpu.memory_space<vmem>>, %arg13: memref<200x64xi32, #tpu.memory_space<vmem>>, %arg14: memref<!tpu.dma_semaphore, #tpu.memory_space<semaphore_mem>>, %arg15: memref<!tpu.dma_semaphore, #tpu.memory_space<semaphore_mem>>, %arg16: memref<!tpu.dma_semaphore, #tpu.memory_space<semaphore_mem>>, %arg17: memref<!tpu.dma_semaphore, #tpu.memory_space<semaphore_mem>>, %arg18: memref<!tpu.dma_semaphore, #tpu.memory_space<semaphore_mem>>, %arg19: memref<!tpu.dma_semaphore, #tpu.memory_space<semaphore_mem>>, %arg20: memref<!tpu.dma_semaphore, #tpu.memory_space<semaphore_mem>>, %arg21: memref<!tpu.dma_semaphore, #tpu.memory_space<semaphore_mem>>, %arg22: memref<!tpu.dma_semaphore, #tpu.memory_space<semaphore_mem>>, %arg23: memref<!tpu.dma_semaphore, #tpu.memory_space<semaphore_mem>>, %arg24: memref<!tpu.dma_semaphore, #tpu.memory_space<semaphore_mem>>, %arg25: memref<!tpu.dma_semaphore, #tpu.memory_space<semaphore_mem>>) attributes {dimension_semantics = [#tpu.dimension_semantics<core_parallel>, #tpu.dimension_semantics<subcore_parallel>], iteration_bounds = array<i64: 2, 16>, scalar_prefetch = 0 : i64, scratch_operands = 20 : i64, tpu.core_type = #tpu.core_type<sc_vector_subcore>, window_params = [{transform_indices = #map}, {transform_indices = #map}, {transform_indices = #map1}, {transform_indices = #map}]} {
    %mul3A = arith.constant 2 : i32
    %mul3A_0 = arith.muli %arg1, %mul3A : i32
    %add3A = arith.addi %mul3A_0, %arg0 : i32
    %mul3A_1 = arith.constant 5000 : i32
    %mul3A_2 = arith.muli %add3A, %mul3A_1 : i32
    %scan3A = arith.constant 0 : i32
    %scan3A_3 = arith.constant 12 : i32
    %scan3A_4 = arith.addi %scan3A, %scan3A_3 : i32
    %scan3A_5 = arith.constant 1 : i32
    scf.for %scan3A_49 = %scan3A to %scan3A_4 step %scan3A_5  : i32 {
      %mul3A_50 = arith.constant 1 : i32
      %mul3A_51 = arith.muli %scan3A_49, %mul3A_50 : i32
      %add3A_52 = arith.constant 0 : i32
      %add3A_53 = arith.addi %add3A_52, %mul3A_51 : i32
      %mul3A_54 = arith.constant 2 : i32
      %mul3A_55 = arith.muli %mul3A_54, %add3A_53 : i32
      %add3A_56 = arith.constant 0 : i32
      %add3A_57 = arith.addi %add3A_56, %mul3A_2 : i32
      %mul3A_58 = arith.constant 200 : i32
      %mul3A_59 = arith.muli %mul3A_55, %mul3A_58 : i32
      %add3A_60 = arith.addi %add3A_57, %mul3A_59 : i32
      %dma_start3A_61 = tpu.memref_slice %arg4[%add3A_60] : memref<640000xi32, #tpu.memory_space<hbm>> -> memref<200xi32, #tpu.memory_space<hbm>>
      %dma_start3A_62 = tpu.memref_slice %arg4[%add3A_60] : memref<640000xi32, #tpu.memory_space<hbm>> -> memref<200xi32, #tpu.memory_space<hbm>>
      tpu.enqueue_dma source(%dma_start3A_62 : memref<200xi32, #tpu.memory_space<hbm>>) target(%arg6 : memref<200xi32, #tpu.memory_space<vmem>>) target_semaphore(%arg14 : memref<!tpu.dma_semaphore, #tpu.memory_space<semaphore_mem>>)
      %add3A_63 = arith.constant 320000 : i32
      %add3A_64 = arith.addi %add3A_63, %add3A_60 : i32
      %dma_start3A_65 = tpu.memref_slice %arg4[%add3A_64] : memref<640000xi32, #tpu.memory_space<hbm>> -> memref<200xi32, #tpu.memory_space<hbm>>
      %dma_start3A_66 = tpu.memref_slice %arg4[%add3A_64] : memref<640000xi32, #tpu.memory_space<hbm>> -> memref<200xi32, #tpu.memory_space<hbm>>
      tpu.enqueue_dma source(%dma_start3A_66 : memref<200xi32, #tpu.memory_space<hbm>>) target(%arg7 : memref<200xi32, #tpu.memory_space<vmem>>) target_semaphore(%arg15 : memref<!tpu.dma_semaphore, #tpu.memory_space<semaphore_mem>>)
      %add3A_67 = arith.constant 1 : i32
      %add3A_68 = arith.addi %mul3A_55, %add3A_67 : i32
      %add3A_69 = arith.constant 0 : i32
      %add3A_70 = arith.addi %add3A_69, %mul3A_2 : i32
      %mul3A_71 = arith.constant 200 : i32
      %mul3A_72 = arith.muli %add3A_68, %mul3A_71 : i32
      %add3A_73 = arith.addi %add3A_70, %mul3A_72 : i32
      %dma_start3A_74 = tpu.memref_slice %arg4[%add3A_73] : memref<640000xi32, #tpu.memory_space<hbm>> -> memref<200xi32, #tpu.memory_space<hbm>>
      %dma_start3A_75 = tpu.memref_slice %arg4[%add3A_73] : memref<640000xi32, #tpu.memory_space<hbm>> -> memref<200xi32, #tpu.memory_space<hbm>>
      tpu.enqueue_dma source(%dma_start3A_75 : memref<200xi32, #tpu.memory_space<hbm>>) target(%arg10 : memref<200xi32, #tpu.memory_space<vmem>>) target_semaphore(%arg20 : memref<!tpu.dma_semaphore, #tpu.memory_space<semaphore_mem>>)
      %add3A_76 = arith.constant 320000 : i32
      %add3A_77 = arith.addi %add3A_76, %add3A_73 : i32
      %dma_start3A_78 = tpu.memref_slice %arg4[%add3A_77] : memref<640000xi32, #tpu.memory_space<hbm>> -> memref<200xi32, #tpu.memory_space<hbm>>
      %dma_start3A_79 = tpu.memref_slice %arg4[%add3A_77] : memref<640000xi32, #tpu.memory_space<hbm>> -> memref<200xi32, #tpu.memory_space<hbm>>
      tpu.enqueue_dma source(%dma_start3A_79 : memref<200xi32, #tpu.memory_space<hbm>>) target(%arg11 : memref<200xi32, #tpu.memory_space<vmem>>) target_semaphore(%arg21 : memref<!tpu.dma_semaphore, #tpu.memory_space<semaphore_mem>>)
      %dma_wait3A_80 = tpu.memref_slice %arg4[%add3A_60] : memref<640000xi32, #tpu.memory_space<hbm>> -> memref<200xi32, #tpu.memory_space<hbm>>
      %dma_wait3A_81 = tpu.memref_slice %arg4[%add3A_60] : memref<640000xi32, #tpu.memory_space<hbm>> -> memref<200xi32, #tpu.memory_space<hbm>>
      tpu.wait_dma2 semaphore(%arg14 : memref<!tpu.dma_semaphore, #tpu.memory_space<semaphore_mem>>) src(%dma_wait3A_81 : memref<200xi32, #tpu.memory_space<hbm>>) dst(%arg6 : memref<200xi32, #tpu.memory_space<vmem>>)
      %dma_wait3A_82 = tpu.memref_slice %arg4[%add3A_64] : memref<640000xi32, #tpu.memory_space<hbm>> -> memref<200xi32, #tpu.memory_space<hbm>>
      %dma_wait3A_83 = tpu.memref_slice %arg4[%add3A_64] : memref<640000xi32, #tpu.memory_space<hbm>> -> memref<200xi32, #tpu.memory_space<hbm>>
      tpu.wait_dma2 semaphore(%arg15 : memref<!tpu.dma_semaphore, #tpu.memory_space<semaphore_mem>>) src(%dma_wait3A_83 : memref<200xi32, #tpu.memory_space<hbm>>) dst(%arg7 : memref<200xi32, #tpu.memory_space<vmem>>)
      %dma_start3A_84 = arith.constant 0 : i32
      %dma_start3A_85 = arith.constant 0 : i32
      %dma_start3A_86 = tpu.memref_slice %arg2[%dma_start3A_84, %dma_start3A_85] : memref<10000x64xi32, #tpu.memory_space<hbm>> -> memref<10000x64xi32, #tpu.memory_space<hbm>>
      tpu.enqueue_indirect_dma source(%dma_start3A_86 : memref<10000x64xi32, #tpu.memory_space<hbm>>) target(%arg8 : memref<200x64xi32, #tpu.memory_space<vmem>>) offsets(%arg6 : memref<200xi32, #tpu.memory_space<vmem>>) semaphore(%arg16 : memref<!tpu.dma_semaphore, #tpu.memory_space<semaphore_mem>>)
      %dma_start3A_87 = arith.constant 0 : i32
      %dma_start3A_88 = arith.constant 0 : i32
      %dma_start3A_89 = tpu.memref_slice %arg3[%dma_start3A_87, %dma_start3A_88] : memref<10000x64xi32, #tpu.memory_space<hbm>> -> memref<10000x64xi32, #tpu.memory_space<hbm>>
      tpu.enqueue_indirect_dma source(%dma_start3A_89 : memref<10000x64xi32, #tpu.memory_space<hbm>>) target(%arg9 : memref<200x64xi32, #tpu.memory_space<vmem>>) offsets(%arg7 : memref<200xi32, #tpu.memory_space<vmem>>) semaphore(%arg17 : memref<!tpu.dma_semaphore, #tpu.memory_space<semaphore_mem>>)
      %dma_wait3A_90 = tpu.memref_slice %arg4[%add3A_73] : memref<640000xi32, #tpu.memory_space<hbm>> -> memref<200xi32, #tpu.memory_space<hbm>>
      %dma_wait3A_91 = tpu.memref_slice %arg4[%add3A_73] : memref<640000xi32, #tpu.memory_space<hbm>> -> memref<200xi32, #tpu.memory_space<hbm>>
      tpu.wait_dma2 semaphore(%arg20 : memref<!tpu.dma_semaphore, #tpu.memory_space<semaphore_mem>>) src(%dma_wait3A_91 : memref<200xi32, #tpu.memory_space<hbm>>) dst(%arg10 : memref<200xi32, #tpu.memory_space<vmem>>)
      %dma_wait3A_92 = tpu.memref_slice %arg4[%add3A_77] : memref<640000xi32, #tpu.memory_space<hbm>> -> memref<200xi32, #tpu.memory_space<hbm>>
      %dma_wait3A_93 = tpu.memref_slice %arg4[%add3A_77] : memref<640000xi32, #tpu.memory_space<hbm>> -> memref<200xi32, #tpu.memory_space<hbm>>
      tpu.wait_dma2 semaphore(%arg21 : memref<!tpu.dma_semaphore, #tpu.memory_space<semaphore_mem>>) src(%dma_wait3A_93 : memref<200xi32, #tpu.memory_space<hbm>>) dst(%arg11 : memref<200xi32, #tpu.memory_space<vmem>>)
      %dma_wait3A_94 = arith.constant 0 : i32
      %dma_wait3A_95 = arith.constant 0 : i32
      %dma_wait3A_96 = tpu.memref_slice %arg2[%dma_wait3A_94, %dma_wait3A_95] : memref<10000x64xi32, #tpu.memory_space<hbm>> -> memref<10000x64xi32, #tpu.memory_space<hbm>>
      tpu.wait_indirect_dma semaphore(%arg16 : memref<!tpu.dma_semaphore, #tpu.memory_space<semaphore_mem>>) src(%dma_wait3A_96 : memref<10000x64xi32, #tpu.memory_space<hbm>>) dst(%arg8 : memref<200x64xi32, #tpu.memory_space<vmem>>)
      %dma_wait3A_97 = arith.constant 0 : i32
      %dma_wait3A_98 = arith.constant 0 : i32
      %dma_wait3A_99 = tpu.memref_slice %arg3[%dma_wait3A_97, %dma_wait3A_98] : memref<10000x64xi32, #tpu.memory_space<hbm>> -> memref<10000x64xi32, #tpu.memory_space<hbm>>
      tpu.wait_indirect_dma semaphore(%arg17 : memref<!tpu.dma_semaphore, #tpu.memory_space<semaphore_mem>>) src(%dma_wait3A_99 : memref<10000x64xi32, #tpu.memory_space<hbm>>) dst(%arg9 : memref<200x64xi32, #tpu.memory_space<vmem>>)
      %mul3A_100 = arith.constant 200 : i32
      %mul3A_101 = arith.muli %mul3A_55, %mul3A_100 : i32
      %add3A_102 = arith.addi %mul3A_2, %mul3A_101 : i32
      %dma_start3A_103 = arith.constant 0 : i32
      %dma_start3A_104 = tpu.memref_slice %arg5[%add3A_102, %dma_start3A_103] : memref<160000x128xi32, #tpu.memory_space<hbm>> -> memref<200x64xi32, #tpu.memory_space<hbm>>
      %dma_start3A_105 = arith.constant 0 : i32
      %dma_start3A_106 = tpu.memref_slice %arg5[%add3A_102, %dma_start3A_105] : memref<160000x128xi32, #tpu.memory_space<hbm>> -> memref<200x64xi32, #tpu.memory_space<hbm>>
      tpu.enqueue_dma source(%arg8 : memref<200x64xi32, #tpu.memory_space<vmem>>) target(%dma_start3A_106 : memref<200x64xi32, #tpu.memory_space<hbm>>) target_semaphore(%arg18 : memref<!tpu.dma_semaphore, #tpu.memory_space<semaphore_mem>>)
      %dma_start3A_107 = arith.constant 64 : i32
      %dma_start3A_108 = tpu.memref_slice %arg5[%add3A_102, %dma_start3A_107] : memref<160000x128xi32, #tpu.memory_space<hbm>> -> memref<200x64xi32, #tpu.memory_space<hbm>>
      %dma_start3A_109 = arith.constant 64 : i32
      %dma_start3A_110 = tpu.memref_slice %arg5[%add3A_102, %dma_start3A_109] : memref<160000x128xi32, #tpu.memory_space<hbm>> -> memref<200x64xi32, #tpu.memory_space<hbm>>
      tpu.enqueue_dma source(%arg9 : memref<200x64xi32, #tpu.memory_space<vmem>>) target(%dma_start3A_110 : memref<200x64xi32, #tpu.memory_space<hbm>>) target_semaphore(%arg19 : memref<!tpu.dma_semaphore, #tpu.memory_space<semaphore_mem>>)
      %dma_start3A_111 = arith.constant 0 : i32
      %dma_start3A_112 = arith.constant 0 : i32
      %dma_start3A_113 = tpu.memref_slice %arg2[%dma_start3A_111, %dma_start3A_112] : memref<10000x64xi32, #tpu.memory_space<hbm>> -> memref<10000x64xi32, #tpu.memory_space<hbm>>
      tpu.enqueue_indirect_dma source(%dma_start3A_113 : memref<10000x64xi32, #tpu.memory_space<hbm>>) target(%arg12 : memref<200x64xi32, #tpu.memory_space<vmem>>) offsets(%arg10 : memref<200xi32, #tpu.memory_space<vmem>>) semaphore(%arg22 : memref<!tpu.dma_semaphore, #tpu.memory_space<semaphore_mem>>)
      %dma_start3A_114 = arith.constant 0 : i32
      %dma_start3A_115 = arith.constant 0 : i32
      %dma_start3A_116 = tpu.memref_slice %arg3[%dma_start3A_114, %dma_start3A_115] : memref<10000x64xi32, #tpu.memory_space<hbm>> -> memref<10000x64xi32, #tpu.memory_space<hbm>>
      tpu.enqueue_indirect_dma source(%dma_start3A_116 : memref<10000x64xi32, #tpu.memory_space<hbm>>) target(%arg13 : memref<200x64xi32, #tpu.memory_space<vmem>>) offsets(%arg11 : memref<200xi32, #tpu.memory_space<vmem>>) semaphore(%arg23 : memref<!tpu.dma_semaphore, #tpu.memory_space<semaphore_mem>>)
      %dma_wait3A_117 = arith.constant 0 : i32
      %dma_wait3A_118 = arith.constant 0 : i32
      %dma_wait3A_119 = tpu.memref_slice %arg2[%dma_wait3A_117, %dma_wait3A_118] : memref<10000x64xi32, #tpu.memory_space<hbm>> -> memref<10000x64xi32, #tpu.memory_space<hbm>>
      tpu.wait_indirect_dma semaphore(%arg22 : memref<!tpu.dma_semaphore, #tpu.memory_space<semaphore_mem>>) src(%dma_wait3A_119 : memref<10000x64xi32, #tpu.memory_space<hbm>>) dst(%arg12 : memref<200x64xi32, #tpu.memory_space<vmem>>)
      %dma_wait3A_120 = arith.constant 0 : i32
      %dma_wait3A_121 = arith.constant 0 : i32
      %dma_wait3A_122 = tpu.memref_slice %arg3[%dma_wait3A_120, %dma_wait3A_121] : memref<10000x64xi32, #tpu.memory_space<hbm>> -> memref<10000x64xi32, #tpu.memory_space<hbm>>
      tpu.wait_indirect_dma semaphore(%arg23 : memref<!tpu.dma_semaphore, #tpu.memory_space<semaphore_mem>>) src(%dma_wait3A_122 : memref<10000x64xi32, #tpu.memory_space<hbm>>) dst(%arg13 : memref<200x64xi32, #tpu.memory_space<vmem>>)
      %add3A_123 = arith.constant 1 : i32
      %add3A_124 = arith.addi %mul3A_55, %add3A_123 : i32
      %mul3A_125 = arith.constant 200 : i32
      %mul3A_126 = arith.muli %add3A_124, %mul3A_125 : i32
      %add3A_127 = arith.addi %mul3A_2, %mul3A_126 : i32
      %dma_start3A_128 = arith.constant 0 : i32
      %dma_start3A_129 = tpu.memref_slice %arg5[%add3A_127, %dma_start3A_128] : memref<160000x128xi32, #tpu.memory_space<hbm>> -> memref<200x64xi32, #tpu.memory_space<hbm>>
      %dma_start3A_130 = arith.constant 0 : i32
      %dma_start3A_131 = tpu.memref_slice %arg5[%add3A_127, %dma_start3A_130] : memref<160000x128xi32, #tpu.memory_space<hbm>> -> memref<200x64xi32, #tpu.memory_space<hbm>>
      tpu.enqueue_dma source(%arg12 : memref<200x64xi32, #tpu.memory_space<vmem>>) target(%dma_start3A_131 : memref<200x64xi32, #tpu.memory_space<hbm>>) target_semaphore(%arg24 : memref<!tpu.dma_semaphore, #tpu.memory_space<semaphore_mem>>)
      %dma_start3A_132 = arith.constant 64 : i32
      %dma_start3A_133 = tpu.memref_slice %arg5[%add3A_127, %dma_start3A_132] : memref<160000x128xi32, #tpu.memory_space<hbm>> -> memref<200x64xi32, #tpu.memory_space<hbm>>
      %dma_start3A_134 = arith.constant 64 : i32
      %dma_start3A_135 = tpu.memref_slice %arg5[%add3A_127, %dma_start3A_134] : memref<160000x128xi32, #tpu.memory_space<hbm>> -> memref<200x64xi32, #tpu.memory_space<hbm>>
      tpu.enqueue_dma source(%arg13 : memref<200x64xi32, #tpu.memory_space<vmem>>) target(%dma_start3A_135 : memref<200x64xi32, #tpu.memory_space<hbm>>) target_semaphore(%arg25 : memref<!tpu.dma_semaphore, #tpu.memory_space<semaphore_mem>>)
      %dma_wait3A_136 = arith.constant 0 : i32
      %dma_wait3A_137 = tpu.memref_slice %arg5[%add3A_102, %dma_wait3A_136] : memref<160000x128xi32, #tpu.memory_space<hbm>> -> memref<200x64xi32, #tpu.memory_space<hbm>>
      %dma_wait3A_138 = arith.constant 0 : i32
      %dma_wait3A_139 = tpu.memref_slice %arg5[%add3A_102, %dma_wait3A_138] : memref<160000x128xi32, #tpu.memory_space<hbm>> -> memref<200x64xi32, #tpu.memory_space<hbm>>
      tpu.wait_dma2 semaphore(%arg18 : memref<!tpu.dma_semaphore, #tpu.memory_space<semaphore_mem>>) src(%arg8 : memref<200x64xi32, #tpu.memory_space<vmem>>) dst(%dma_wait3A_139 : memref<200x64xi32, #tpu.memory_space<hbm>>)
      %dma_wait3A_140 = arith.constant 64 : i32
      %dma_wait3A_141 = tpu.memref_slice %arg5[%add3A_102, %dma_wait3A_140] : memref<160000x128xi32, #tpu.memory_space<hbm>> -> memref<200x64xi32, #tpu.memory_space<hbm>>
      %dma_wait3A_142 = arith.constant 64 : i32
      %dma_wait3A_143 = tpu.memref_slice %arg5[%add3A_102, %dma_wait3A_142] : memref<160000x128xi32, #tpu.memory_space<hbm>> -> memref<200x64xi32, #tpu.memory_space<hbm>>
      tpu.wait_dma2 semaphore(%arg19 : memref<!tpu.dma_semaphore, #tpu.memory_space<semaphore_mem>>) src(%arg9 : memref<200x64xi32, #tpu.memory_space<vmem>>) dst(%dma_wait3A_143 : memref<200x64xi32, #tpu.memory_space<hbm>>)
      %dma_wait3A_144 = arith.constant 0 : i32
      %dma_wait3A_145 = tpu.memref_slice %arg5[%add3A_127, %dma_wait3A_144] : memref<160000x128xi32, #tpu.memory_space<hbm>> -> memref<200x64xi32, #tpu.memory_space<hbm>>
      %dma_wait3A_146 = arith.constant 0 : i32
      %dma_wait3A_147 = tpu.memref_slice %arg5[%add3A_127, %dma_wait3A_146] : memref<160000x128xi32, #tpu.memory_space<hbm>> -> memref<200x64xi32, #tpu.memory_space<hbm>>
      tpu.wait_dma2 semaphore(%arg24 : memref<!tpu.dma_semaphore, #tpu.memory_space<semaphore_mem>>) src(%arg12 : memref<200x64xi32, #tpu.memory_space<vmem>>) dst(%dma_wait3A_147 : memref<200x64xi32, #tpu.memory_space<hbm>>)
      %dma_wait3A_148 = arith.constant 64 : i32
      %dma_wait3A_149 = tpu.memref_slice %arg5[%add3A_127, %dma_wait3A_148] : memref<160000x128xi32, #tpu.memory_space<hbm>> -> memref<200x64xi32, #tpu.memory_space<hbm>>
      %dma_wait3A_150 = arith.constant 64 : i32
      %dma_wait3A_151 = tpu.memref_slice %arg5[%add3A_127, %dma_wait3A_150] : memref<160000x128xi32, #tpu.memory_space<hbm>> -> memref<200x64xi32, #tpu.memory_space<hbm>>
      tpu.wait_dma2 semaphore(%arg25 : memref<!tpu.dma_semaphore, #tpu.memory_space<semaphore_mem>>) src(%arg13 : memref<200x64xi32, #tpu.memory_space<vmem>>) dst(%dma_wait3A_151 : memref<200x64xi32, #tpu.memory_space<hbm>>)
    }
    %scan3A_6 = arith.constant 12 : i32
    %add3A_7 = arith.constant 0 : i32
    %add3A_8 = arith.addi %add3A_7, %mul3A_2 : i32
    %add3A_9 = arith.constant 4800 : i32
    %add3A_10 = arith.addi %add3A_8, %add3A_9 : i32
    %dma_start3A = tpu.memref_slice %arg4[%add3A_10] : memref<640000xi32, #tpu.memory_space<hbm>> -> memref<200xi32, #tpu.memory_space<hbm>>
    %dma_start3A_11 = tpu.memref_slice %arg4[%add3A_10] : memref<640000xi32, #tpu.memory_space<hbm>> -> memref<200xi32, #tpu.memory_space<hbm>>
    tpu.enqueue_dma source(%dma_start3A_11 : memref<200xi32, #tpu.memory_space<hbm>>) target(%arg6 : memref<200xi32, #tpu.memory_space<vmem>>) target_semaphore(%arg14 : memref<!tpu.dma_semaphore, #tpu.memory_space<semaphore_mem>>)
    %add3A_12 = arith.constant 320000 : i32
    %add3A_13 = arith.addi %add3A_12, %add3A_10 : i32
    %dma_start3A_14 = tpu.memref_slice %arg4[%add3A_13] : memref<640000xi32, #tpu.memory_space<hbm>> -> memref<200xi32, #tpu.memory_space<hbm>>
    %dma_start3A_15 = tpu.memref_slice %arg4[%add3A_13] : memref<640000xi32, #tpu.memory_space<hbm>> -> memref<200xi32, #tpu.memory_space<hbm>>
    tpu.enqueue_dma source(%dma_start3A_15 : memref<200xi32, #tpu.memory_space<hbm>>) target(%arg7 : memref<200xi32, #tpu.memory_space<vmem>>) target_semaphore(%arg15 : memref<!tpu.dma_semaphore, #tpu.memory_space<semaphore_mem>>)
    %dma_wait3A = tpu.memref_slice %arg4[%add3A_10] : memref<640000xi32, #tpu.memory_space<hbm>> -> memref<200xi32, #tpu.memory_space<hbm>>
    %dma_wait3A_16 = tpu.memref_slice %arg4[%add3A_10] : memref<640000xi32, #tpu.memory_space<hbm>> -> memref<200xi32, #tpu.memory_space<hbm>>
    tpu.wait_dma2 semaphore(%arg14 : memref<!tpu.dma_semaphore, #tpu.memory_space<semaphore_mem>>) src(%dma_wait3A_16 : memref<200xi32, #tpu.memory_space<hbm>>) dst(%arg6 : memref<200xi32, #tpu.memory_space<vmem>>)
    %dma_wait3A_17 = tpu.memref_slice %arg4[%add3A_13] : memref<640000xi32, #tpu.memory_space<hbm>> -> memref<200xi32, #tpu.memory_space<hbm>>
    %dma_wait3A_18 = tpu.memref_slice %arg4[%add3A_13] : memref<640000xi32, #tpu.memory_space<hbm>> -> memref<200xi32, #tpu.memory_space<hbm>>
    tpu.wait_dma2 semaphore(%arg15 : memref<!tpu.dma_semaphore, #tpu.memory_space<semaphore_mem>>) src(%dma_wait3A_18 : memref<200xi32, #tpu.memory_space<hbm>>) dst(%arg7 : memref<200xi32, #tpu.memory_space<vmem>>)
    %dma_start3A_19 = arith.constant 0 : i32
    %dma_start3A_20 = arith.constant 0 : i32
    %dma_start3A_21 = tpu.memref_slice %arg2[%dma_start3A_19, %dma_start3A_20] : memref<10000x64xi32, #tpu.memory_space<hbm>> -> memref<10000x64xi32, #tpu.memory_space<hbm>>
    tpu.enqueue_indirect_dma source(%dma_start3A_21 : memref<10000x64xi32, #tpu.memory_space<hbm>>) target(%arg8 : memref<200x64xi32, #tpu.memory_space<vmem>>) offsets(%arg6 : memref<200xi32, #tpu.memory_space<vmem>>) semaphore(%arg16 : memref<!tpu.dma_semaphore, #tpu.memory_space<semaphore_mem>>)
    %dma_start3A_22 = arith.constant 0 : i32
    %dma_start3A_23 = arith.constant 0 : i32
    %dma_start3A_24 = tpu.memref_slice %arg3[%dma_start3A_22, %dma_start3A_23] : memref<10000x64xi32, #tpu.memory_space<hbm>> -> memref<10000x64xi32, #tpu.memory_space<hbm>>
    tpu.enqueue_indirect_dma source(%dma_start3A_24 : memref<10000x64xi32, #tpu.memory_space<hbm>>) target(%arg9 : memref<200x64xi32, #tpu.memory_space<vmem>>) offsets(%arg7 : memref<200xi32, #tpu.memory_space<vmem>>) semaphore(%arg17 : memref<!tpu.dma_semaphore, #tpu.memory_space<semaphore_mem>>)
    %dma_wait3A_25 = arith.constant 0 : i32
    %dma_wait3A_26 = arith.constant 0 : i32
    %dma_wait3A_27 = tpu.memref_slice %arg2[%dma_wait3A_25, %dma_wait3A_26] : memref<10000x64xi32, #tpu.memory_space<hbm>> -> memref<10000x64xi32, #tpu.memory_space<hbm>>
    tpu.wait_indirect_dma semaphore(%arg16 : memref<!tpu.dma_semaphore, #tpu.memory_space<semaphore_mem>>) src(%dma_wait3A_27 : memref<10000x64xi32, #tpu.memory_space<hbm>>) dst(%arg8 : memref<200x64xi32, #tpu.memory_space<vmem>>)
    %dma_wait3A_28 = arith.constant 0 : i32
    %dma_wait3A_29 = arith.constant 0 : i32
    %dma_wait3A_30 = tpu.memref_slice %arg3[%dma_wait3A_28, %dma_wait3A_29] : memref<10000x64xi32, #tpu.memory_space<hbm>> -> memref<10000x64xi32, #tpu.memory_space<hbm>>
    tpu.wait_indirect_dma semaphore(%arg17 : memref<!tpu.dma_semaphore, #tpu.memory_space<semaphore_mem>>) src(%dma_wait3A_30 : memref<10000x64xi32, #tpu.memory_space<hbm>>) dst(%arg9 : memref<200x64xi32, #tpu.memory_space<vmem>>)
    %add3A_31 = arith.constant 4800 : i32
    %add3A_32 = arith.addi %mul3A_2, %add3A_31 : i32
    %dma_start3A_33 = arith.constant 0 : i32
    %dma_start3A_34 = tpu.memref_slice %arg5[%add3A_32, %dma_start3A_33] : memref<160000x128xi32, #tpu.memory_space<hbm>> -> memref<200x64xi32, #tpu.memory_space<hbm>>
    %dma_start3A_35 = arith.constant 0 : i32
    %dma_start3A_36 = tpu.memref_slice %arg5[%add3A_32, %dma_start3A_35] : memref<160000x128xi32, #tpu.memory_space<hbm>> -> memref<200x64xi32, #tpu.memory_space<hbm>>
    tpu.enqueue_dma source(%arg8 : memref<200x64xi32, #tpu.memory_space<vmem>>) target(%dma_start3A_36 : memref<200x64xi32, #tpu.memory_space<hbm>>) target_semaphore(%arg18 : memref<!tpu.dma_semaphore, #tpu.memory_space<semaphore_mem>>)
    %dma_start3A_37 = arith.constant 64 : i32
    %dma_start3A_38 = tpu.memref_slice %arg5[%add3A_32, %dma_start3A_37] : memref<160000x128xi32, #tpu.memory_space<hbm>> -> memref<200x64xi32, #tpu.memory_space<hbm>>
    %dma_start3A_39 = arith.constant 64 : i32
    %dma_start3A_40 = tpu.memref_slice %arg5[%add3A_32, %dma_start3A_39] : memref<160000x128xi32, #tpu.memory_space<hbm>> -> memref<200x64xi32, #tpu.memory_space<hbm>>
    tpu.enqueue_dma source(%arg9 : memref<200x64xi32, #tpu.memory_space<vmem>>) target(%dma_start3A_40 : memref<200x64xi32, #tpu.memory_space<hbm>>) target_semaphore(%arg19 : memref<!tpu.dma_semaphore, #tpu.memory_space<semaphore_mem>>)
    %dma_wait3A_41 = arith.constant 0 : i32
    %dma_wait3A_42 = tpu.memref_slice %arg5[%add3A_32, %dma_wait3A_41] : memref<160000x128xi32, #tpu.memory_space<hbm>> -> memref<200x64xi32, #tpu.memory_space<hbm>>
    %dma_wait3A_43 = arith.constant 0 : i32
    %dma_wait3A_44 = tpu.memref_slice %arg5[%add3A_32, %dma_wait3A_43] : memref<160000x128xi32, #tpu.memory_space<hbm>> -> memref<200x64xi32, #tpu.memory_space<hbm>>
    tpu.wait_dma2 semaphore(%arg18 : memref<!tpu.dma_semaphore, #tpu.memory_space<semaphore_mem>>) src(%arg8 : memref<200x64xi32, #tpu.memory_space<vmem>>) dst(%dma_wait3A_44 : memref<200x64xi32, #tpu.memory_space<hbm>>)
    %dma_wait3A_45 = arith.constant 64 : i32
    %dma_wait3A_46 = tpu.memref_slice %arg5[%add3A_32, %dma_wait3A_45] : memref<160000x128xi32, #tpu.memory_space<hbm>> -> memref<200x64xi32, #tpu.memory_space<hbm>>
    %dma_wait3A_47 = arith.constant 64 : i32
    %dma_wait3A_48 = tpu.memref_slice %arg5[%add3A_32, %dma_wait3A_47] : memref<160000x128xi32, #tpu.memory_space<hbm>> -> memref<200x64xi32, #tpu.memory_space<hbm>>
    tpu.wait_dma2 semaphore(%arg19 : memref<!tpu.dma_semaphore, #tpu.memory_space<semaphore_mem>>) src(%arg9 : memref<200x64xi32, #tpu.memory_space<vmem>>) dst(%dma_wait3A_48 : memref<200x64xi32, #tpu.memory_space<hbm>>)
    return
  }
}

#map = affine_map<(d0, d1) -> (0, 0)>
#map1 = affine_map<(d0, d1) -> (0)>
module attributes {stable_mosaic.version = 14 : i64} {
  func.func @k(%arg0: i32, %arg1: i32, %arg2: memref<10000x64xi32, #tpu.memory_space<hbm>>, %arg3: memref<10000x64xi32, #tpu.memory_space<hbm>>, %arg4: memref<640000xi32, #tpu.memory_space<hbm>>, %arg5: memref<160000x128xi32, #tpu.memory_space<hbm>>, %arg6: memref<200xi32, #tpu.memory_space<vmem>>, %arg7: memref<200xi32, #tpu.memory_space<vmem>>, %arg8: memref<200x64xi32, #tpu.memory_space<vmem>>, %arg9: memref<200x64xi32, #tpu.memory_space<vmem>>, %arg10: memref<200xi32, #tpu.memory_space<vmem>>, %arg11: memref<200xi32, #tpu.memory_space<vmem>>, %arg12: memref<200x64xi32, #tpu.memory_space<vmem>>, %arg13: memref<200x64xi32, #tpu.memory_space<vmem>>, %arg14: memref<!tpu.dma_semaphore, #tpu.memory_space<semaphore_mem>>, %arg15: memref<!tpu.dma_semaphore, #tpu.memory_space<semaphore_mem>>, %arg16: memref<!tpu.dma_semaphore, #tpu.memory_space<semaphore_mem>>, %arg17: memref<!tpu.dma_semaphore, #tpu.memory_space<semaphore_mem>>, %arg18: memref<!tpu.dma_semaphore, #tpu.memory_space<semaphore_mem>>, %arg19: memref<!tpu.dma_semaphore, #tpu.memory_space<semaphore_mem>>, %arg20: memref<!tpu.dma_semaphore, #tpu.memory_space<semaphore_mem>>, %arg21: memref<!tpu.dma_semaphore, #tpu.memory_space<semaphore_mem>>, %arg22: memref<!tpu.dma_semaphore, #tpu.memory_space<semaphore_mem>>, %arg23: memref<!tpu.dma_semaphore, #tpu.memory_space<semaphore_mem>>, %arg24: memref<!tpu.dma_semaphore, #tpu.memory_space<semaphore_mem>>, %arg25: memref<!tpu.dma_semaphore, #tpu.memory_space<semaphore_mem>>) attributes {dimension_semantics = [#tpu.dimension_semantics<core_parallel>, #tpu.dimension_semantics<subcore_parallel>], iteration_bounds = array<i64: 2, 16>, scalar_prefetch = 0 : i64, scratch_operands = 20 : i64, tpu.core_type = #tpu.core_type<sc_vector_subcore>, window_params = [{transform_indices = #map}, {transform_indices = #map}, {transform_indices = #map1}, {transform_indices = #map}]} {
    %mul3A = arith.constant 2 : i32
    %mul3A_0 = arith.muli %arg1, %mul3A : i32
    %add3A = arith.addi %mul3A_0, %arg0 : i32
    %mul3A_1 = arith.constant 5000 : i32
    %mul3A_2 = arith.muli %add3A, %mul3A_1 : i32
    %scan3A = arith.constant 0 : i32
    %scan3A_3 = arith.constant 12 : i32
    %scan3A_4 = arith.addi %scan3A, %scan3A_3 : i32
    %scan3A_5 = arith.constant 1 : i32
    scf.for %scan3A_49 = %scan3A to %scan3A_4 step %scan3A_5  : i32 {
      %mul3A_50 = arith.constant 1 : i32
      %mul3A_51 = arith.muli %scan3A_49, %mul3A_50 : i32
      %add3A_52 = arith.constant 0 : i32
      %add3A_53 = arith.addi %add3A_52, %mul3A_51 : i32
      %mul3A_54 = arith.constant 2 : i32
      %mul3A_55 = arith.muli %mul3A_54, %add3A_53 : i32
      %add3A_56 = arith.constant 160000 : i32
      %add3A_57 = arith.addi %add3A_56, %mul3A_2 : i32
      %mul3A_58 = arith.constant 200 : i32
      %mul3A_59 = arith.muli %mul3A_55, %mul3A_58 : i32
      %add3A_60 = arith.addi %add3A_57, %mul3A_59 : i32
      %dma_start3A_61 = tpu.memref_slice %arg4[%add3A_60] : memref<640000xi32, #tpu.memory_space<hbm>> -> memref<200xi32, #tpu.memory_space<hbm>>
      %dma_start3A_62 = tpu.memref_slice %arg4[%add3A_60] : memref<640000xi32, #tpu.memory_space<hbm>> -> memref<200xi32, #tpu.memory_space<hbm>>
      tpu.enqueue_dma source(%dma_start3A_62 : memref<200xi32, #tpu.memory_space<hbm>>) target(%arg6 : memref<200xi32, #tpu.memory_space<vmem>>) target_semaphore(%arg14 : memref<!tpu.dma_semaphore, #tpu.memory_space<semaphore_mem>>)
      %add3A_63 = arith.constant 320000 : i32
      %add3A_64 = arith.addi %add3A_63, %add3A_60 : i32
      %dma_start3A_65 = tpu.memref_slice %arg4[%add3A_64] : memref<640000xi32, #tpu.memory_space<hbm>> -> memref<200xi32, #tpu.memory_space<hbm>>
      %dma_start3A_66 = tpu.memref_slice %arg4[%add3A_64] : memref<640000xi32, #tpu.memory_space<hbm>> -> memref<200xi32, #tpu.memory_space<hbm>>
      tpu.enqueue_dma source(%dma_start3A_66 : memref<200xi32, #tpu.memory_space<hbm>>) target(%arg7 : memref<200xi32, #tpu.memory_space<vmem>>) target_semaphore(%arg15 : memref<!tpu.dma_semaphore, #tpu.memory_space<semaphore_mem>>)
      %add3A_67 = arith.constant 1 : i32
      %add3A_68 = arith.addi %mul3A_55, %add3A_67 : i32
      %add3A_69 = arith.constant 160000 : i32
      %add3A_70 = arith.addi %add3A_69, %mul3A_2 : i32
      %mul3A_71 = arith.constant 200 : i32
      %mul3A_72 = arith.muli %add3A_68, %mul3A_71 : i32
      %add3A_73 = arith.addi %add3A_70, %mul3A_72 : i32
      %dma_start3A_74 = tpu.memref_slice %arg4[%add3A_73] : memref<640000xi32, #tpu.memory_space<hbm>> -> memref<200xi32, #tpu.memory_space<hbm>>
      %dma_start3A_75 = tpu.memref_slice %arg4[%add3A_73] : memref<640000xi32, #tpu.memory_space<hbm>> -> memref<200xi32, #tpu.memory_space<hbm>>
      tpu.enqueue_dma source(%dma_start3A_75 : memref<200xi32, #tpu.memory_space<hbm>>) target(%arg10 : memref<200xi32, #tpu.memory_space<vmem>>) target_semaphore(%arg20 : memref<!tpu.dma_semaphore, #tpu.memory_space<semaphore_mem>>)
      %add3A_76 = arith.constant 320000 : i32
      %add3A_77 = arith.addi %add3A_76, %add3A_73 : i32
      %dma_start3A_78 = tpu.memref_slice %arg4[%add3A_77] : memref<640000xi32, #tpu.memory_space<hbm>> -> memref<200xi32, #tpu.memory_space<hbm>>
      %dma_start3A_79 = tpu.memref_slice %arg4[%add3A_77] : memref<640000xi32, #tpu.memory_space<hbm>> -> memref<200xi32, #tpu.memory_space<hbm>>
      tpu.enqueue_dma source(%dma_start3A_79 : memref<200xi32, #tpu.memory_space<hbm>>) target(%arg11 : memref<200xi32, #tpu.memory_space<vmem>>) target_semaphore(%arg21 : memref<!tpu.dma_semaphore, #tpu.memory_space<semaphore_mem>>)
      %dma_wait3A_80 = tpu.memref_slice %arg4[%add3A_60] : memref<640000xi32, #tpu.memory_space<hbm>> -> memref<200xi32, #tpu.memory_space<hbm>>
      %dma_wait3A_81 = tpu.memref_slice %arg4[%add3A_60] : memref<640000xi32, #tpu.memory_space<hbm>> -> memref<200xi32, #tpu.memory_space<hbm>>
      tpu.wait_dma2 semaphore(%arg14 : memref<!tpu.dma_semaphore, #tpu.memory_space<semaphore_mem>>) src(%dma_wait3A_81 : memref<200xi32, #tpu.memory_space<hbm>>) dst(%arg6 : memref<200xi32, #tpu.memory_space<vmem>>)
      %dma_wait3A_82 = tpu.memref_slice %arg4[%add3A_64] : memref<640000xi32, #tpu.memory_space<hbm>> -> memref<200xi32, #tpu.memory_space<hbm>>
      %dma_wait3A_83 = tpu.memref_slice %arg4[%add3A_64] : memref<640000xi32, #tpu.memory_space<hbm>> -> memref<200xi32, #tpu.memory_space<hbm>>
      tpu.wait_dma2 semaphore(%arg15 : memref<!tpu.dma_semaphore, #tpu.memory_space<semaphore_mem>>) src(%dma_wait3A_83 : memref<200xi32, #tpu.memory_space<hbm>>) dst(%arg7 : memref<200xi32, #tpu.memory_space<vmem>>)
      %dma_start3A_84 = arith.constant 0 : i32
      %dma_start3A_85 = arith.constant 0 : i32
      %dma_start3A_86 = tpu.memref_slice %arg2[%dma_start3A_84, %dma_start3A_85] : memref<10000x64xi32, #tpu.memory_space<hbm>> -> memref<10000x64xi32, #tpu.memory_space<hbm>>
      tpu.enqueue_indirect_dma source(%dma_start3A_86 : memref<10000x64xi32, #tpu.memory_space<hbm>>) target(%arg8 : memref<200x64xi32, #tpu.memory_space<vmem>>) offsets(%arg6 : memref<200xi32, #tpu.memory_space<vmem>>) semaphore(%arg16 : memref<!tpu.dma_semaphore, #tpu.memory_space<semaphore_mem>>)
      %dma_start3A_87 = arith.constant 0 : i32
      %dma_start3A_88 = arith.constant 0 : i32
      %dma_start3A_89 = tpu.memref_slice %arg3[%dma_start3A_87, %dma_start3A_88] : memref<10000x64xi32, #tpu.memory_space<hbm>> -> memref<10000x64xi32, #tpu.memory_space<hbm>>
      tpu.enqueue_indirect_dma source(%dma_start3A_89 : memref<10000x64xi32, #tpu.memory_space<hbm>>) target(%arg9 : memref<200x64xi32, #tpu.memory_space<vmem>>) offsets(%arg7 : memref<200xi32, #tpu.memory_space<vmem>>) semaphore(%arg17 : memref<!tpu.dma_semaphore, #tpu.memory_space<semaphore_mem>>)
      %dma_wait3A_90 = tpu.memref_slice %arg4[%add3A_73] : memref<640000xi32, #tpu.memory_space<hbm>> -> memref<200xi32, #tpu.memory_space<hbm>>
      %dma_wait3A_91 = tpu.memref_slice %arg4[%add3A_73] : memref<640000xi32, #tpu.memory_space<hbm>> -> memref<200xi32, #tpu.memory_space<hbm>>
      tpu.wait_dma2 semaphore(%arg20 : memref<!tpu.dma_semaphore, #tpu.memory_space<semaphore_mem>>) src(%dma_wait3A_91 : memref<200xi32, #tpu.memory_space<hbm>>) dst(%arg10 : memref<200xi32, #tpu.memory_space<vmem>>)
      %dma_wait3A_92 = tpu.memref_slice %arg4[%add3A_77] : memref<640000xi32, #tpu.memory_space<hbm>> -> memref<200xi32, #tpu.memory_space<hbm>>
      %dma_wait3A_93 = tpu.memref_slice %arg4[%add3A_77] : memref<640000xi32, #tpu.memory_space<hbm>> -> memref<200xi32, #tpu.memory_space<hbm>>
      tpu.wait_dma2 semaphore(%arg21 : memref<!tpu.dma_semaphore, #tpu.memory_space<semaphore_mem>>) src(%dma_wait3A_93 : memref<200xi32, #tpu.memory_space<hbm>>) dst(%arg11 : memref<200xi32, #tpu.memory_space<vmem>>)
      %dma_wait3A_94 = arith.constant 0 : i32
      %dma_wait3A_95 = arith.constant 0 : i32
      %dma_wait3A_96 = tpu.memref_slice %arg2[%dma_wait3A_94, %dma_wait3A_95] : memref<10000x64xi32, #tpu.memory_space<hbm>> -> memref<10000x64xi32, #tpu.memory_space<hbm>>
      tpu.wait_indirect_dma semaphore(%arg16 : memref<!tpu.dma_semaphore, #tpu.memory_space<semaphore_mem>>) src(%dma_wait3A_96 : memref<10000x64xi32, #tpu.memory_space<hbm>>) dst(%arg8 : memref<200x64xi32, #tpu.memory_space<vmem>>)
      %dma_wait3A_97 = arith.constant 0 : i32
      %dma_wait3A_98 = arith.constant 0 : i32
      %dma_wait3A_99 = tpu.memref_slice %arg3[%dma_wait3A_97, %dma_wait3A_98] : memref<10000x64xi32, #tpu.memory_space<hbm>> -> memref<10000x64xi32, #tpu.memory_space<hbm>>
      tpu.wait_indirect_dma semaphore(%arg17 : memref<!tpu.dma_semaphore, #tpu.memory_space<semaphore_mem>>) src(%dma_wait3A_99 : memref<10000x64xi32, #tpu.memory_space<hbm>>) dst(%arg9 : memref<200x64xi32, #tpu.memory_space<vmem>>)
      %mul3A_100 = arith.constant 200 : i32
      %mul3A_101 = arith.muli %mul3A_55, %mul3A_100 : i32
      %add3A_102 = arith.addi %mul3A_2, %mul3A_101 : i32
      %dma_start3A_103 = arith.constant 0 : i32
      %dma_start3A_104 = tpu.memref_slice %arg5[%add3A_102, %dma_start3A_103] : memref<160000x128xi32, #tpu.memory_space<hbm>> -> memref<200x64xi32, #tpu.memory_space<hbm>>
      %dma_start3A_105 = arith.constant 0 : i32
      %dma_start3A_106 = tpu.memref_slice %arg5[%add3A_102, %dma_start3A_105] : memref<160000x128xi32, #tpu.memory_space<hbm>> -> memref<200x64xi32, #tpu.memory_space<hbm>>
      tpu.enqueue_dma source(%arg8 : memref<200x64xi32, #tpu.memory_space<vmem>>) target(%dma_start3A_106 : memref<200x64xi32, #tpu.memory_space<hbm>>) target_semaphore(%arg18 : memref<!tpu.dma_semaphore, #tpu.memory_space<semaphore_mem>>)
      %dma_start3A_107 = arith.constant 64 : i32
      %dma_start3A_108 = tpu.memref_slice %arg5[%add3A_102, %dma_start3A_107] : memref<160000x128xi32, #tpu.memory_space<hbm>> -> memref<200x64xi32, #tpu.memory_space<hbm>>
      %dma_start3A_109 = arith.constant 64 : i32
      %dma_start3A_110 = tpu.memref_slice %arg5[%add3A_102, %dma_start3A_109] : memref<160000x128xi32, #tpu.memory_space<hbm>> -> memref<200x64xi32, #tpu.memory_space<hbm>>
      tpu.enqueue_dma source(%arg9 : memref<200x64xi32, #tpu.memory_space<vmem>>) target(%dma_start3A_110 : memref<200x64xi32, #tpu.memory_space<hbm>>) target_semaphore(%arg19 : memref<!tpu.dma_semaphore, #tpu.memory_space<semaphore_mem>>)
      %dma_start3A_111 = arith.constant 0 : i32
      %dma_start3A_112 = arith.constant 0 : i32
      %dma_start3A_113 = tpu.memref_slice %arg2[%dma_start3A_111, %dma_start3A_112] : memref<10000x64xi32, #tpu.memory_space<hbm>> -> memref<10000x64xi32, #tpu.memory_space<hbm>>
      tpu.enqueue_indirect_dma source(%dma_start3A_113 : memref<10000x64xi32, #tpu.memory_space<hbm>>) target(%arg12 : memref<200x64xi32, #tpu.memory_space<vmem>>) offsets(%arg10 : memref<200xi32, #tpu.memory_space<vmem>>) semaphore(%arg22 : memref<!tpu.dma_semaphore, #tpu.memory_space<semaphore_mem>>)
      %dma_start3A_114 = arith.constant 0 : i32
      %dma_start3A_115 = arith.constant 0 : i32
      %dma_start3A_116 = tpu.memref_slice %arg3[%dma_start3A_114, %dma_start3A_115] : memref<10000x64xi32, #tpu.memory_space<hbm>> -> memref<10000x64xi32, #tpu.memory_space<hbm>>
      tpu.enqueue_indirect_dma source(%dma_start3A_116 : memref<10000x64xi32, #tpu.memory_space<hbm>>) target(%arg13 : memref<200x64xi32, #tpu.memory_space<vmem>>) offsets(%arg11 : memref<200xi32, #tpu.memory_space<vmem>>) semaphore(%arg23 : memref<!tpu.dma_semaphore, #tpu.memory_space<semaphore_mem>>)
      %dma_wait3A_117 = arith.constant 0 : i32
      %dma_wait3A_118 = arith.constant 0 : i32
      %dma_wait3A_119 = tpu.memref_slice %arg2[%dma_wait3A_117, %dma_wait3A_118] : memref<10000x64xi32, #tpu.memory_space<hbm>> -> memref<10000x64xi32, #tpu.memory_space<hbm>>
      tpu.wait_indirect_dma semaphore(%arg22 : memref<!tpu.dma_semaphore, #tpu.memory_space<semaphore_mem>>) src(%dma_wait3A_119 : memref<10000x64xi32, #tpu.memory_space<hbm>>) dst(%arg12 : memref<200x64xi32, #tpu.memory_space<vmem>>)
      %dma_wait3A_120 = arith.constant 0 : i32
      %dma_wait3A_121 = arith.constant 0 : i32
      %dma_wait3A_122 = tpu.memref_slice %arg3[%dma_wait3A_120, %dma_wait3A_121] : memref<10000x64xi32, #tpu.memory_space<hbm>> -> memref<10000x64xi32, #tpu.memory_space<hbm>>
      tpu.wait_indirect_dma semaphore(%arg23 : memref<!tpu.dma_semaphore, #tpu.memory_space<semaphore_mem>>) src(%dma_wait3A_122 : memref<10000x64xi32, #tpu.memory_space<hbm>>) dst(%arg13 : memref<200x64xi32, #tpu.memory_space<vmem>>)
      %add3A_123 = arith.constant 1 : i32
      %add3A_124 = arith.addi %mul3A_55, %add3A_123 : i32
      %mul3A_125 = arith.constant 200 : i32
      %mul3A_126 = arith.muli %add3A_124, %mul3A_125 : i32
      %add3A_127 = arith.addi %mul3A_2, %mul3A_126 : i32
      %dma_start3A_128 = arith.constant 0 : i32
      %dma_start3A_129 = tpu.memref_slice %arg5[%add3A_127, %dma_start3A_128] : memref<160000x128xi32, #tpu.memory_space<hbm>> -> memref<200x64xi32, #tpu.memory_space<hbm>>
      %dma_start3A_130 = arith.constant 0 : i32
      %dma_start3A_131 = tpu.memref_slice %arg5[%add3A_127, %dma_start3A_130] : memref<160000x128xi32, #tpu.memory_space<hbm>> -> memref<200x64xi32, #tpu.memory_space<hbm>>
      tpu.enqueue_dma source(%arg12 : memref<200x64xi32, #tpu.memory_space<vmem>>) target(%dma_start3A_131 : memref<200x64xi32, #tpu.memory_space<hbm>>) target_semaphore(%arg24 : memref<!tpu.dma_semaphore, #tpu.memory_space<semaphore_mem>>)
      %dma_start3A_132 = arith.constant 64 : i32
      %dma_start3A_133 = tpu.memref_slice %arg5[%add3A_127, %dma_start3A_132] : memref<160000x128xi32, #tpu.memory_space<hbm>> -> memref<200x64xi32, #tpu.memory_space<hbm>>
      %dma_start3A_134 = arith.constant 64 : i32
      %dma_start3A_135 = tpu.memref_slice %arg5[%add3A_127, %dma_start3A_134] : memref<160000x128xi32, #tpu.memory_space<hbm>> -> memref<200x64xi32, #tpu.memory_space<hbm>>
      tpu.enqueue_dma source(%arg13 : memref<200x64xi32, #tpu.memory_space<vmem>>) target(%dma_start3A_135 : memref<200x64xi32, #tpu.memory_space<hbm>>) target_semaphore(%arg25 : memref<!tpu.dma_semaphore, #tpu.memory_space<semaphore_mem>>)
      %dma_wait3A_136 = arith.constant 0 : i32
      %dma_wait3A_137 = tpu.memref_slice %arg5[%add3A_102, %dma_wait3A_136] : memref<160000x128xi32, #tpu.memory_space<hbm>> -> memref<200x64xi32, #tpu.memory_space<hbm>>
      %dma_wait3A_138 = arith.constant 0 : i32
      %dma_wait3A_139 = tpu.memref_slice %arg5[%add3A_102, %dma_wait3A_138] : memref<160000x128xi32, #tpu.memory_space<hbm>> -> memref<200x64xi32, #tpu.memory_space<hbm>>
      tpu.wait_dma2 semaphore(%arg18 : memref<!tpu.dma_semaphore, #tpu.memory_space<semaphore_mem>>) src(%arg8 : memref<200x64xi32, #tpu.memory_space<vmem>>) dst(%dma_wait3A_139 : memref<200x64xi32, #tpu.memory_space<hbm>>)
      %dma_wait3A_140 = arith.constant 64 : i32
      %dma_wait3A_141 = tpu.memref_slice %arg5[%add3A_102, %dma_wait3A_140] : memref<160000x128xi32, #tpu.memory_space<hbm>> -> memref<200x64xi32, #tpu.memory_space<hbm>>
      %dma_wait3A_142 = arith.constant 64 : i32
      %dma_wait3A_143 = tpu.memref_slice %arg5[%add3A_102, %dma_wait3A_142] : memref<160000x128xi32, #tpu.memory_space<hbm>> -> memref<200x64xi32, #tpu.memory_space<hbm>>
      tpu.wait_dma2 semaphore(%arg19 : memref<!tpu.dma_semaphore, #tpu.memory_space<semaphore_mem>>) src(%arg9 : memref<200x64xi32, #tpu.memory_space<vmem>>) dst(%dma_wait3A_143 : memref<200x64xi32, #tpu.memory_space<hbm>>)
      %dma_wait3A_144 = arith.constant 0 : i32
      %dma_wait3A_145 = tpu.memref_slice %arg5[%add3A_127, %dma_wait3A_144] : memref<160000x128xi32, #tpu.memory_space<hbm>> -> memref<200x64xi32, #tpu.memory_space<hbm>>
      %dma_wait3A_146 = arith.constant 0 : i32
      %dma_wait3A_147 = tpu.memref_slice %arg5[%add3A_127, %dma_wait3A_146] : memref<160000x128xi32, #tpu.memory_space<hbm>> -> memref<200x64xi32, #tpu.memory_space<hbm>>
      tpu.wait_dma2 semaphore(%arg24 : memref<!tpu.dma_semaphore, #tpu.memory_space<semaphore_mem>>) src(%arg12 : memref<200x64xi32, #tpu.memory_space<vmem>>) dst(%dma_wait3A_147 : memref<200x64xi32, #tpu.memory_space<hbm>>)
      %dma_wait3A_148 = arith.constant 64 : i32
      %dma_wait3A_149 = tpu.memref_slice %arg5[%add3A_127, %dma_wait3A_148] : memref<160000x128xi32, #tpu.memory_space<hbm>> -> memref<200x64xi32, #tpu.memory_space<hbm>>
      %dma_wait3A_150 = arith.constant 64 : i32
      %dma_wait3A_151 = tpu.memref_slice %arg5[%add3A_127, %dma_wait3A_150] : memref<160000x128xi32, #tpu.memory_space<hbm>> -> memref<200x64xi32, #tpu.memory_space<hbm>>
      tpu.wait_dma2 semaphore(%arg25 : memref<!tpu.dma_semaphore, #tpu.memory_space<semaphore_mem>>) src(%arg13 : memref<200x64xi32, #tpu.memory_space<vmem>>) dst(%dma_wait3A_151 : memref<200x64xi32, #tpu.memory_space<hbm>>)
    }
    %scan3A_6 = arith.constant 12 : i32
    %add3A_7 = arith.constant 160000 : i32
    %add3A_8 = arith.addi %add3A_7, %mul3A_2 : i32
    %add3A_9 = arith.constant 4800 : i32
    %add3A_10 = arith.addi %add3A_8, %add3A_9 : i32
    %dma_start3A = tpu.memref_slice %arg4[%add3A_10] : memref<640000xi32, #tpu.memory_space<hbm>> -> memref<200xi32, #tpu.memory_space<hbm>>
    %dma_start3A_11 = tpu.memref_slice %arg4[%add3A_10] : memref<640000xi32, #tpu.memory_space<hbm>> -> memref<200xi32, #tpu.memory_space<hbm>>
    tpu.enqueue_dma source(%dma_start3A_11 : memref<200xi32, #tpu.memory_space<hbm>>) target(%arg6 : memref<200xi32, #tpu.memory_space<vmem>>) target_semaphore(%arg14 : memref<!tpu.dma_semaphore, #tpu.memory_space<semaphore_mem>>)
    %add3A_12 = arith.constant 320000 : i32
    %add3A_13 = arith.addi %add3A_12, %add3A_10 : i32
    %dma_start3A_14 = tpu.memref_slice %arg4[%add3A_13] : memref<640000xi32, #tpu.memory_space<hbm>> -> memref<200xi32, #tpu.memory_space<hbm>>
    %dma_start3A_15 = tpu.memref_slice %arg4[%add3A_13] : memref<640000xi32, #tpu.memory_space<hbm>> -> memref<200xi32, #tpu.memory_space<hbm>>
    tpu.enqueue_dma source(%dma_start3A_15 : memref<200xi32, #tpu.memory_space<hbm>>) target(%arg7 : memref<200xi32, #tpu.memory_space<vmem>>) target_semaphore(%arg15 : memref<!tpu.dma_semaphore, #tpu.memory_space<semaphore_mem>>)
    %dma_wait3A = tpu.memref_slice %arg4[%add3A_10] : memref<640000xi32, #tpu.memory_space<hbm>> -> memref<200xi32, #tpu.memory_space<hbm>>
    %dma_wait3A_16 = tpu.memref_slice %arg4[%add3A_10] : memref<640000xi32, #tpu.memory_space<hbm>> -> memref<200xi32, #tpu.memory_space<hbm>>
    tpu.wait_dma2 semaphore(%arg14 : memref<!tpu.dma_semaphore, #tpu.memory_space<semaphore_mem>>) src(%dma_wait3A_16 : memref<200xi32, #tpu.memory_space<hbm>>) dst(%arg6 : memref<200xi32, #tpu.memory_space<vmem>>)
    %dma_wait3A_17 = tpu.memref_slice %arg4[%add3A_13] : memref<640000xi32, #tpu.memory_space<hbm>> -> memref<200xi32, #tpu.memory_space<hbm>>
    %dma_wait3A_18 = tpu.memref_slice %arg4[%add3A_13] : memref<640000xi32, #tpu.memory_space<hbm>> -> memref<200xi32, #tpu.memory_space<hbm>>
    tpu.wait_dma2 semaphore(%arg15 : memref<!tpu.dma_semaphore, #tpu.memory_space<semaphore_mem>>) src(%dma_wait3A_18 : memref<200xi32, #tpu.memory_space<hbm>>) dst(%arg7 : memref<200xi32, #tpu.memory_space<vmem>>)
    %dma_start3A_19 = arith.constant 0 : i32
    %dma_start3A_20 = arith.constant 0 : i32
    %dma_start3A_21 = tpu.memref_slice %arg2[%dma_start3A_19, %dma_start3A_20] : memref<10000x64xi32, #tpu.memory_space<hbm>> -> memref<10000x64xi32, #tpu.memory_space<hbm>>
    tpu.enqueue_indirect_dma source(%dma_start3A_21 : memref<10000x64xi32, #tpu.memory_space<hbm>>) target(%arg8 : memref<200x64xi32, #tpu.memory_space<vmem>>) offsets(%arg6 : memref<200xi32, #tpu.memory_space<vmem>>) semaphore(%arg16 : memref<!tpu.dma_semaphore, #tpu.memory_space<semaphore_mem>>)
    %dma_start3A_22 = arith.constant 0 : i32
    %dma_start3A_23 = arith.constant 0 : i32
    %dma_start3A_24 = tpu.memref_slice %arg3[%dma_start3A_22, %dma_start3A_23] : memref<10000x64xi32, #tpu.memory_space<hbm>> -> memref<10000x64xi32, #tpu.memory_space<hbm>>
    tpu.enqueue_indirect_dma source(%dma_start3A_24 : memref<10000x64xi32, #tpu.memory_space<hbm>>) target(%arg9 : memref<200x64xi32, #tpu.memory_space<vmem>>) offsets(%arg7 : memref<200xi32, #tpu.memory_space<vmem>>) semaphore(%arg17 : memref<!tpu.dma_semaphore, #tpu.memory_space<semaphore_mem>>)
    %dma_wait3A_25 = arith.constant 0 : i32
    %dma_wait3A_26 = arith.constant 0 : i32
    %dma_wait3A_27 = tpu.memref_slice %arg2[%dma_wait3A_25, %dma_wait3A_26] : memref<10000x64xi32, #tpu.memory_space<hbm>> -> memref<10000x64xi32, #tpu.memory_space<hbm>>
    tpu.wait_indirect_dma semaphore(%arg16 : memref<!tpu.dma_semaphore, #tpu.memory_space<semaphore_mem>>) src(%dma_wait3A_27 : memref<10000x64xi32, #tpu.memory_space<hbm>>) dst(%arg8 : memref<200x64xi32, #tpu.memory_space<vmem>>)
    %dma_wait3A_28 = arith.constant 0 : i32
    %dma_wait3A_29 = arith.constant 0 : i32
    %dma_wait3A_30 = tpu.memref_slice %arg3[%dma_wait3A_28, %dma_wait3A_29] : memref<10000x64xi32, #tpu.memory_space<hbm>> -> memref<10000x64xi32, #tpu.memory_space<hbm>>
    tpu.wait_indirect_dma semaphore(%arg17 : memref<!tpu.dma_semaphore, #tpu.memory_space<semaphore_mem>>) src(%dma_wait3A_30 : memref<10000x64xi32, #tpu.memory_space<hbm>>) dst(%arg9 : memref<200x64xi32, #tpu.memory_space<vmem>>)
    %add3A_31 = arith.constant 4800 : i32
    %add3A_32 = arith.addi %mul3A_2, %add3A_31 : i32
    %dma_start3A_33 = arith.constant 0 : i32
    %dma_start3A_34 = tpu.memref_slice %arg5[%add3A_32, %dma_start3A_33] : memref<160000x128xi32, #tpu.memory_space<hbm>> -> memref<200x64xi32, #tpu.memory_space<hbm>>
    %dma_start3A_35 = arith.constant 0 : i32
    %dma_start3A_36 = tpu.memref_slice %arg5[%add3A_32, %dma_start3A_35] : memref<160000x128xi32, #tpu.memory_space<hbm>> -> memref<200x64xi32, #tpu.memory_space<hbm>>
    tpu.enqueue_dma source(%arg8 : memref<200x64xi32, #tpu.memory_space<vmem>>) target(%dma_start3A_36 : memref<200x64xi32, #tpu.memory_space<hbm>>) target_semaphore(%arg18 : memref<!tpu.dma_semaphore, #tpu.memory_space<semaphore_mem>>)
    %dma_start3A_37 = arith.constant 64 : i32
    %dma_start3A_38 = tpu.memref_slice %arg5[%add3A_32, %dma_start3A_37] : memref<160000x128xi32, #tpu.memory_space<hbm>> -> memref<200x64xi32, #tpu.memory_space<hbm>>
    %dma_start3A_39 = arith.constant 64 : i32
    %dma_start3A_40 = tpu.memref_slice %arg5[%add3A_32, %dma_start3A_39] : memref<160000x128xi32, #tpu.memory_space<hbm>> -> memref<200x64xi32, #tpu.memory_space<hbm>>
    tpu.enqueue_dma source(%arg9 : memref<200x64xi32, #tpu.memory_space<vmem>>) target(%dma_start3A_40 : memref<200x64xi32, #tpu.memory_space<hbm>>) target_semaphore(%arg19 : memref<!tpu.dma_semaphore, #tpu.memory_space<semaphore_mem>>)
    %dma_wait3A_41 = arith.constant 0 : i32
    %dma_wait3A_42 = tpu.memref_slice %arg5[%add3A_32, %dma_wait3A_41] : memref<160000x128xi32, #tpu.memory_space<hbm>> -> memref<200x64xi32, #tpu.memory_space<hbm>>
    %dma_wait3A_43 = arith.constant 0 : i32
    %dma_wait3A_44 = tpu.memref_slice %arg5[%add3A_32, %dma_wait3A_43] : memref<160000x128xi32, #tpu.memory_space<hbm>> -> memref<200x64xi32, #tpu.memory_space<hbm>>
    tpu.wait_dma2 semaphore(%arg18 : memref<!tpu.dma_semaphore, #tpu.memory_space<semaphore_mem>>) src(%arg8 : memref<200x64xi32, #tpu.memory_space<vmem>>) dst(%dma_wait3A_44 : memref<200x64xi32, #tpu.memory_space<hbm>>)
    %dma_wait3A_45 = arith.constant 64 : i32
    %dma_wait3A_46 = tpu.memref_slice %arg5[%add3A_32, %dma_wait3A_45] : memref<160000x128xi32, #tpu.memory_space<hbm>> -> memref<200x64xi32, #tpu.memory_space<hbm>>
    %dma_wait3A_47 = arith.constant 64 : i32
    %dma_wait3A_48 = tpu.memref_slice %arg5[%add3A_32, %dma_wait3A_47] : memref<160000x128xi32, #tpu.memory_space<hbm>> -> memref<200x64xi32, #tpu.memory_space<hbm>>
    tpu.wait_dma2 semaphore(%arg19 : memref<!tpu.dma_semaphore, #tpu.memory_space<semaphore_mem>>) src(%arg9 : memref<200x64xi32, #tpu.memory_space<vmem>>) dst(%dma_wait3A_48 : memref<200x64xi32, #tpu.memory_space<hbm>>)
    return
  }
}

#map = affine_map<(d0, d1) -> (0, 0)>
#map1 = affine_map<(d0, d1) -> (0)>
#map2 = affine_map<(d0, d1) -> (0, 0, 0)>
module attributes {stable_mosaic.version = 14 : i64} {
  func.func @k(%arg0: i32, %arg1: i32, %arg2: memref<160000x128xf32, #tpu.memory_space<hbm>>, %arg3: memref<640000xi32, #tpu.memory_space<hbm>>, %arg4: memref<10112x128xf32, #tpu.memory_space<hbm>>, %arg5: memref<2x10112x128xf32, #tpu.memory_space<hbm>>, %arg6: memref<40xi32, #tpu.memory_space<vmem>>, %arg7: memref<40xi32, #tpu.memory_space<vmem>>, %arg8: memref<40x128xf32, #tpu.memory_space<vmem>>, %arg9: memref<40x128xf32, #tpu.memory_space<vmem>>, %arg10: memref<10112x128xf32, #tpu.memory_space<vmem_shared>>, %arg11: memref<!tpu.dma_semaphore, #tpu.memory_space<semaphore_mem>>, %arg12: memref<!tpu.dma_semaphore, #tpu.memory_space<semaphore_mem>>, %arg13: memref<!tpu.dma_semaphore, #tpu.memory_space<semaphore_mem>>, %arg14: memref<!tpu.dma_semaphore, #tpu.memory_space<semaphore_mem>>) attributes {dimension_semantics = [#tpu.dimension_semantics<core_parallel>, #tpu.dimension_semantics<subcore_parallel>], iteration_bounds = array<i64: 2, 16>, scalar_prefetch = 0 : i64, scratch_operands = 9 : i64, tpu.core_type = #tpu.core_type<sc_vector_subcore>, window_params = [{transform_indices = #map}, {transform_indices = #map1}, {transform_indices = #map}, {transform_indices = #map2}]} {
    %mul3A = arith.constant 632 : i32
    %mul3A_0 = arith.muli %arg1, %mul3A : i32
    "tpu.region"() ({
      %run_scoped3A = tpu.sem_alloc : memref<!tpu.dma_semaphore, #tpu.memory_space<semaphore_mem>>
      %dma_start3A_28 = arith.constant 0 : i32
      %dma_start3A_29 = tpu.memref_slice %arg10[%mul3A_0, %dma_start3A_28] : memref<10112x128xf32, #tpu.memory_space<vmem_shared>> -> memref<632x128xf32, #tpu.memory_space<vmem_shared>>
      %dma_start3A_30 = arith.constant 0 : i32
      %dma_start3A_31 = tpu.memref_slice %arg4[%mul3A_0, %dma_start3A_30] : memref<10112x128xf32, #tpu.memory_space<hbm>> -> memref<632x128xf32, #tpu.memory_space<hbm>>
      tpu.enqueue_dma source(%dma_start3A_31 : memref<632x128xf32, #tpu.memory_space<hbm>>) target(%dma_start3A_29 : memref<632x128xf32, #tpu.memory_space<vmem_shared>>) target_semaphore(%run_scoped3A : memref<!tpu.dma_semaphore, #tpu.memory_space<semaphore_mem>>)
      %dma_wait3A_32 = arith.constant 0 : i32
      %dma_wait3A_33 = tpu.memref_slice %arg10[%mul3A_0, %dma_wait3A_32] : memref<10112x128xf32, #tpu.memory_space<vmem_shared>> -> memref<632x128xf32, #tpu.memory_space<vmem_shared>>
      %dma_wait3A_34 = arith.constant 0 : i32
      %dma_wait3A_35 = tpu.memref_slice %arg4[%mul3A_0, %dma_wait3A_34] : memref<10112x128xf32, #tpu.memory_space<hbm>> -> memref<632x128xf32, #tpu.memory_space<hbm>>
      tpu.wait_dma2 semaphore(%run_scoped3A : memref<!tpu.dma_semaphore, #tpu.memory_space<semaphore_mem>>) src(%dma_wait3A_35 : memref<632x128xf32, #tpu.memory_space<hbm>>) dst(%dma_wait3A_33 : memref<632x128xf32, #tpu.memory_space<vmem_shared>>)
      tpu.yield
    }) : () -> ()
    %barrier3A = arith.constant 0 : index
    tpu.barrier barrier_id(%barrier3A)
    %mul3A_1 = arith.constant 80000 : i32
    %mul3A_2 = arith.muli %arg0, %mul3A_1 : i32
    %mul3A_3 = arith.constant 5000 : i32
    %mul3A_4 = arith.muli %arg1, %mul3A_3 : i32
    %add3A = arith.addi %mul3A_2, %mul3A_4 : i32
    %add3A_5 = arith.constant 0 : i32
    %add3A_6 = arith.addi %add3A, %add3A_5 : i32
    %add3A_7 = arith.constant 160000 : i32
    %add3A_8 = arith.addi %add3A_7, %add3A_6 : i32
    %dma_start3A = tpu.memref_slice %arg3[%add3A_8] : memref<640000xi32, #tpu.memory_space<hbm>> -> memref<40xi32, #tpu.memory_space<hbm>>
    %dma_start3A_9 = tpu.memref_slice %arg3[%add3A_8] : memref<640000xi32, #tpu.memory_space<hbm>> -> memref<40xi32, #tpu.memory_space<hbm>>
    tpu.enqueue_dma source(%dma_start3A_9 : memref<40xi32, #tpu.memory_space<hbm>>) target(%arg6 : memref<40xi32, #tpu.memory_space<vmem>>) target_semaphore(%arg11 : memref<!tpu.dma_semaphore, #tpu.memory_space<semaphore_mem>>)
    %dma_start3A_10 = arith.constant 0 : i32
    %dma_start3A_11 = tpu.memref_slice %arg2[%add3A_6, %dma_start3A_10] : memref<160000x128xf32, #tpu.memory_space<hbm>> -> memref<40x128xf32, #tpu.memory_space<hbm>>
    %dma_start3A_12 = arith.constant 0 : i32
    %dma_start3A_13 = tpu.memref_slice %arg2[%add3A_6, %dma_start3A_12] : memref<160000x128xf32, #tpu.memory_space<hbm>> -> memref<40x128xf32, #tpu.memory_space<hbm>>
    tpu.enqueue_dma source(%dma_start3A_13 : memref<40x128xf32, #tpu.memory_space<hbm>>) target(%arg8 : memref<40x128xf32, #tpu.memory_space<vmem>>) target_semaphore(%arg13 : memref<!tpu.dma_semaphore, #tpu.memory_space<semaphore_mem>>)
    %scan3A = arith.constant 0 : i32
    %scan3A_14 = arith.constant 62 : i32
    %scan3A_15 = arith.addi %scan3A, %scan3A_14 : i32
    %scan3A_16 = arith.constant 1 : i32
    scf.for %scan3A_28 = %scan3A to %scan3A_15 step %scan3A_16  : i32 {
      %mul3A_29 = arith.constant 1 : i32
      %mul3A_30 = arith.muli %scan3A_28, %mul3A_29 : i32
      %add3A_31 = arith.constant 0 : i32
      %add3A_32 = arith.addi %add3A_31, %mul3A_30 : i32
      %mul3A_33 = arith.constant 2 : i32
      %mul3A_34 = arith.muli %mul3A_33, %add3A_32 : i32
      %add3A_35 = arith.constant 1 : i32
      %add3A_36 = arith.addi %mul3A_34, %add3A_35 : i32
      %mul3A_37 = arith.constant 40 : i32
      %mul3A_38 = arith.muli %add3A_36, %mul3A_37 : i32
      %add3A_39 = arith.addi %add3A, %mul3A_38 : i32
      %add3A_40 = arith.constant 160000 : i32
      %add3A_41 = arith.addi %add3A_40, %add3A_39 : i32
      %dma_start3A_42 = tpu.memref_slice %arg3[%add3A_41] : memref<640000xi32, #tpu.memory_space<hbm>> -> memref<40xi32, #tpu.memory_space<hbm>>
      %dma_start3A_43 = tpu.memref_slice %arg3[%add3A_41] : memref<640000xi32, #tpu.memory_space<hbm>> -> memref<40xi32, #tpu.memory_space<hbm>>
      tpu.enqueue_dma source(%dma_start3A_43 : memref<40xi32, #tpu.memory_space<hbm>>) target(%arg7 : memref<40xi32, #tpu.memory_space<vmem>>) target_semaphore(%arg12 : memref<!tpu.dma_semaphore, #tpu.memory_space<semaphore_mem>>)
      %dma_start3A_44 = arith.constant 0 : i32
      %dma_start3A_45 = tpu.memref_slice %arg2[%add3A_39, %dma_start3A_44] : memref<160000x128xf32, #tpu.memory_space<hbm>> -> memref<40x128xf32, #tpu.memory_space<hbm>>
      %dma_start3A_46 = arith.constant 0 : i32
      %dma_start3A_47 = tpu.memref_slice %arg2[%add3A_39, %dma_start3A_46] : memref<160000x128xf32, #tpu.memory_space<hbm>> -> memref<40x128xf32, #tpu.memory_space<hbm>>
      tpu.enqueue_dma source(%dma_start3A_47 : memref<40x128xf32, #tpu.memory_space<hbm>>) target(%arg9 : memref<40x128xf32, #tpu.memory_space<vmem>>) target_semaphore(%arg14 : memref<!tpu.dma_semaphore, #tpu.memory_space<semaphore_mem>>)
      %mul3A_48 = arith.constant 40 : i32
      %mul3A_49 = arith.muli %mul3A_34, %mul3A_48 : i32
      %add3A_50 = arith.addi %add3A, %mul3A_49 : i32
      %add3A_51 = arith.constant 160000 : i32
      %add3A_52 = arith.addi %add3A_51, %add3A_50 : i32
      %dma_wait3A_53 = tpu.memref_slice %arg3[%add3A_52] : memref<640000xi32, #tpu.memory_space<hbm>> -> memref<40xi32, #tpu.memory_space<hbm>>
      %dma_wait3A_54 = tpu.memref_slice %arg3[%add3A_52] : memref<640000xi32, #tpu.memory_space<hbm>> -> memref<40xi32, #tpu.memory_space<hbm>>
      tpu.wait_dma2 semaphore(%arg11 : memref<!tpu.dma_semaphore, #tpu.memory_space<semaphore_mem>>) src(%dma_wait3A_54 : memref<40xi32, #tpu.memory_space<hbm>>) dst(%arg6 : memref<40xi32, #tpu.memory_space<vmem>>)
      %dma_wait3A_55 = arith.constant 0 : i32
      %dma_wait3A_56 = tpu.memref_slice %arg2[%add3A_50, %dma_wait3A_55] : memref<160000x128xf32, #tpu.memory_space<hbm>> -> memref<40x128xf32, #tpu.memory_space<hbm>>
      %dma_wait3A_57 = arith.constant 0 : i32
      %dma_wait3A_58 = tpu.memref_slice %arg2[%add3A_50, %dma_wait3A_57] : memref<160000x128xf32, #tpu.memory_space<hbm>> -> memref<40x128xf32, #tpu.memory_space<hbm>>
      tpu.wait_dma2 semaphore(%arg13 : memref<!tpu.dma_semaphore, #tpu.memory_space<semaphore_mem>>) src(%dma_wait3A_58 : memref<40x128xf32, #tpu.memory_space<hbm>>) dst(%arg8 : memref<40x128xf32, #tpu.memory_space<vmem>>)
      "tpu.region"() ({
        %run_scoped3A = tpu.sem_alloc : memref<!tpu.dma_semaphore, #tpu.memory_space<semaphore_mem>>
        %dma_start3A_85 = arith.constant 0 : i32
        %dma_start3A_86 = arith.constant 0 : i32
        %dma_start3A_87 = tpu.memref_slice %arg10[%dma_start3A_85, %dma_start3A_86] : memref<10112x128xf32, #tpu.memory_space<vmem_shared>> -> memref<10112x128xf32, #tpu.memory_space<vmem_shared>>
        tpu.enqueue_indirect_dma source(%arg8 : memref<40x128xf32, #tpu.memory_space<vmem>>) target(%dma_start3A_87 : memref<10112x128xf32, #tpu.memory_space<vmem_shared>>) offsets(%arg6 : memref<40xi32, #tpu.memory_space<vmem>>) semaphore(%run_scoped3A : memref<!tpu.dma_semaphore, #tpu.memory_space<semaphore_mem>>) {add = true}
        %dma_wait3A_88 = arith.constant 0 : i32
        %dma_wait3A_89 = arith.constant 0 : i32
        %dma_wait3A_90 = tpu.memref_slice %arg10[%dma_wait3A_88, %dma_wait3A_89] : memref<10112x128xf32, #tpu.memory_space<vmem_shared>> -> memref<10112x128xf32, #tpu.memory_space<vmem_shared>>
        tpu.wait_indirect_dma semaphore(%run_scoped3A : memref<!tpu.dma_semaphore, #tpu.memory_space<semaphore_mem>>) src(%arg8 : memref<40x128xf32, #tpu.memory_space<vmem>>) dst(%dma_wait3A_90 : memref<10112x128xf32, #tpu.memory_space<vmem_shared>>)
        tpu.yield
      }) : () -> ()
      %add3A_59 = arith.constant 2 : i32
      %add3A_60 = arith.addi %mul3A_34, %add3A_59 : i32
      %mul3A_61 = arith.constant 40 : i32
      %mul3A_62 = arith.muli %add3A_60, %mul3A_61 : i32
      %add3A_63 = arith.addi %add3A, %mul3A_62 : i32
      %add3A_64 = arith.constant 160000 : i32
      %add3A_65 = arith.addi %add3A_64, %add3A_63 : i32
      %dma_start3A_66 = tpu.memref_slice %arg3[%add3A_65] : memref<640000xi32, #tpu.memory_space<hbm>> -> memref<40xi32, #tpu.memory_space<hbm>>
      %dma_start3A_67 = tpu.memref_slice %arg3[%add3A_65] : memref<640000xi32, #tpu.memory_space<hbm>> -> memref<40xi32, #tpu.memory_space<hbm>>
      tpu.enqueue_dma source(%dma_start3A_67 : memref<40xi32, #tpu.memory_space<hbm>>) target(%arg6 : memref<40xi32, #tpu.memory_space<vmem>>) target_semaphore(%arg11 : memref<!tpu.dma_semaphore, #tpu.memory_space<semaphore_mem>>)
      %dma_start3A_68 = arith.constant 0 : i32
      %dma_start3A_69 = tpu.memref_slice %arg2[%add3A_63, %dma_start3A_68] : memref<160000x128xf32, #tpu.memory_space<hbm>> -> memref<40x128xf32, #tpu.memory_space<hbm>>
      %dma_start3A_70 = arith.constant 0 : i32
      %dma_start3A_71 = tpu.memref_slice %arg2[%add3A_63, %dma_start3A_70] : memref<160000x128xf32, #tpu.memory_space<hbm>> -> memref<40x128xf32, #tpu.memory_space<hbm>>
      tpu.enqueue_dma source(%dma_start3A_71 : memref<40x128xf32, #tpu.memory_space<hbm>>) target(%arg8 : memref<40x128xf32, #tpu.memory_space<vmem>>) target_semaphore(%arg13 : memref<!tpu.dma_semaphore, #tpu.memory_space<semaphore_mem>>)
      %add3A_72 = arith.constant 1 : i32
      %add3A_73 = arith.addi %mul3A_34, %add3A_72 : i32
      %mul3A_74 = arith.constant 40 : i32
      %mul3A_75 = arith.muli %add3A_73, %mul3A_74 : i32
      %add3A_76 = arith.addi %add3A, %mul3A_75 : i32
      %add3A_77 = arith.constant 160000 : i32
      %add3A_78 = arith.addi %add3A_77, %add3A_76 : i32
      %dma_wait3A_79 = tpu.memref_slice %arg3[%add3A_78] : memref<640000xi32, #tpu.memory_space<hbm>> -> memref<40xi32, #tpu.memory_space<hbm>>
      %dma_wait3A_80 = tpu.memref_slice %arg3[%add3A_78] : memref<640000xi32, #tpu.memory_space<hbm>> -> memref<40xi32, #tpu.memory_space<hbm>>
      tpu.wait_dma2 semaphore(%arg12 : memref<!tpu.dma_semaphore, #tpu.memory_space<semaphore_mem>>) src(%dma_wait3A_80 : memref<40xi32, #tpu.memory_space<hbm>>) dst(%arg7 : memref<40xi32, #tpu.memory_space<vmem>>)
      %dma_wait3A_81 = arith.constant 0 : i32
      %dma_wait3A_82 = tpu.memref_slice %arg2[%add3A_76, %dma_wait3A_81] : memref<160000x128xf32, #tpu.memory_space<hbm>> -> memref<40x128xf32, #tpu.memory_space<hbm>>
      %dma_wait3A_83 = arith.constant 0 : i32
      %dma_wait3A_84 = tpu.memref_slice %arg2[%add3A_76, %dma_wait3A_83] : memref<160000x128xf32, #tpu.memory_space<hbm>> -> memref<40x128xf32, #tpu.memory_space<hbm>>
      tpu.wait_dma2 semaphore(%arg14 : memref<!tpu.dma_semaphore, #tpu.memory_space<semaphore_mem>>) src(%dma_wait3A_84 : memref<40x128xf32, #tpu.memory_space<hbm>>) dst(%arg9 : memref<40x128xf32, #tpu.memory_space<vmem>>)
      "tpu.region"() ({
        %run_scoped3A = tpu.sem_alloc : memref<!tpu.dma_semaphore, #tpu.memory_space<semaphore_mem>>
        %dma_start3A_85 = arith.constant 0 : i32
        %dma_start3A_86 = arith.constant 0 : i32
        %dma_start3A_87 = tpu.memref_slice %arg10[%dma_start3A_85, %dma_start3A_86] : memref<10112x128xf32, #tpu.memory_space<vmem_shared>> -> memref<10112x128xf32, #tpu.memory_space<vmem_shared>>
        tpu.enqueue_indirect_dma source(%arg9 : memref<40x128xf32, #tpu.memory_space<vmem>>) target(%dma_start3A_87 : memref<10112x128xf32, #tpu.memory_space<vmem_shared>>) offsets(%arg7 : memref<40xi32, #tpu.memory_space<vmem>>) semaphore(%run_scoped3A : memref<!tpu.dma_semaphore, #tpu.memory_space<semaphore_mem>>) {add = true}
        %dma_wait3A_88 = arith.constant 0 : i32
        %dma_wait3A_89 = arith.constant 0 : i32
        %dma_wait3A_90 = tpu.memref_slice %arg10[%dma_wait3A_88, %dma_wait3A_89] : memref<10112x128xf32, #tpu.memory_space<vmem_shared>> -> memref<10112x128xf32, #tpu.memory_space<vmem_shared>>
        tpu.wait_indirect_dma semaphore(%run_scoped3A : memref<!tpu.dma_semaphore, #tpu.memory_space<semaphore_mem>>) src(%arg9 : memref<40x128xf32, #tpu.memory_space<vmem>>) dst(%dma_wait3A_90 : memref<10112x128xf32, #tpu.memory_space<vmem_shared>>)
        tpu.yield
      }) : () -> ()
    }
    %scan3A_17 = arith.constant 62 : i32
    %add3A_18 = arith.constant 4960 : i32
    %add3A_19 = arith.addi %add3A, %add3A_18 : i32
    %add3A_20 = arith.constant 160000 : i32
    %add3A_21 = arith.addi %add3A_20, %add3A_19 : i32
    %dma_wait3A = tpu.memref_slice %arg3[%add3A_21] : memref<640000xi32, #tpu.memory_space<hbm>> -> memref<40xi32, #tpu.memory_space<hbm>>
    %dma_wait3A_22 = tpu.memref_slice %arg3[%add3A_21] : memref<640000xi32, #tpu.memory_space<hbm>> -> memref<40xi32, #tpu.memory_space<hbm>>
    tpu.wait_dma2 semaphore(%arg11 : memref<!tpu.dma_semaphore, #tpu.memory_space<semaphore_mem>>) src(%dma_wait3A_22 : memref<40xi32, #tpu.memory_space<hbm>>) dst(%arg6 : memref<40xi32, #tpu.memory_space<vmem>>)
    %dma_wait3A_23 = arith.constant 0 : i32
    %dma_wait3A_24 = tpu.memref_slice %arg2[%add3A_19, %dma_wait3A_23] : memref<160000x128xf32, #tpu.memory_space<hbm>> -> memref<40x128xf32, #tpu.memory_space<hbm>>
    %dma_wait3A_25 = arith.constant 0 : i32
    %dma_wait3A_26 = tpu.memref_slice %arg2[%add3A_19, %dma_wait3A_25] : memref<160000x128xf32, #tpu.memory_space<hbm>> -> memref<40x128xf32, #tpu.memory_space<hbm>>
    tpu.wait_dma2 semaphore(%arg13 : memref<!tpu.dma_semaphore, #tpu.memory_space<semaphore_mem>>) src(%dma_wait3A_26 : memref<40x128xf32, #tpu.memory_space<hbm>>) dst(%arg8 : memref<40x128xf32, #tpu.memory_space<vmem>>)
    "tpu.region"() ({
      %run_scoped3A = tpu.sem_alloc : memref<!tpu.dma_semaphore, #tpu.memory_space<semaphore_mem>>
      %dma_start3A_28 = arith.constant 0 : i32
      %dma_start3A_29 = arith.constant 0 : i32
      %dma_start3A_30 = tpu.memref_slice %arg10[%dma_start3A_28, %dma_start3A_29] : memref<10112x128xf32, #tpu.memory_space<vmem_shared>> -> memref<10112x128xf32, #tpu.memory_space<vmem_shared>>
      tpu.enqueue_indirect_dma source(%arg8 : memref<40x128xf32, #tpu.memory_space<vmem>>) target(%dma_start3A_30 : memref<10112x128xf32, #tpu.memory_space<vmem_shared>>) offsets(%arg6 : memref<40xi32, #tpu.memory_space<vmem>>) semaphore(%run_scoped3A : memref<!tpu.dma_semaphore, #tpu.memory_space<semaphore_mem>>) {add = true}
      %dma_wait3A_31 = arith.constant 0 : i32
      %dma_wait3A_32 = arith.constant 0 : i32
      %dma_wait3A_33 = tpu.memref_slice %arg10[%dma_wait3A_31, %dma_wait3A_32] : memref<10112x128xf32, #tpu.memory_space<vmem_shared>> -> memref<10112x128xf32, #tpu.memory_space<vmem_shared>>
      tpu.wait_indirect_dma semaphore(%run_scoped3A : memref<!tpu.dma_semaphore, #tpu.memory_space<semaphore_mem>>) src(%arg8 : memref<40x128xf32, #tpu.memory_space<vmem>>) dst(%dma_wait3A_33 : memref<10112x128xf32, #tpu.memory_space<vmem_shared>>)
      tpu.yield
    }) : () -> ()
    %barrier3A_27 = arith.constant 0 : index
    tpu.barrier barrier_id(%barrier3A_27)
    "tpu.region"() ({
      %run_scoped3A = tpu.sem_alloc : memref<!tpu.dma_semaphore, #tpu.memory_space<semaphore_mem>>
      %dma_start3A_28 = arith.constant 0 : i32
      %dma_start3A_29 = tpu.memref_slice %arg5[%arg0, %mul3A_0, %dma_start3A_28] : memref<2x10112x128xf32, #tpu.memory_space<hbm>> -> memref<1x632x128xf32, #tpu.memory_space<hbm>>
      %dma_start3A_30 = tpu.memref_squeeze %dma_start3A_29 : memref<1x632x128xf32, #tpu.memory_space<hbm>> -> memref<632x128xf32, #tpu.memory_space<hbm>>
      %dma_start3A_31 = arith.constant 0 : i32
      %dma_start3A_32 = tpu.memref_slice %arg10[%mul3A_0, %dma_start3A_31] : memref<10112x128xf32, #tpu.memory_space<vmem_shared>> -> memref<632x128xf32, #tpu.memory_space<vmem_shared>>
      tpu.enqueue_dma source(%dma_start3A_32 : memref<632x128xf32, #tpu.memory_space<vmem_shared>>) target(%dma_start3A_30 : memref<632x128xf32, #tpu.memory_space<hbm>>) target_semaphore(%run_scoped3A : memref<!tpu.dma_semaphore, #tpu.memory_space<semaphore_mem>>)
      %dma_wait3A_33 = arith.constant 0 : i32
      %dma_wait3A_34 = tpu.memref_slice %arg5[%arg0, %mul3A_0, %dma_wait3A_33] : memref<2x10112x128xf32, #tpu.memory_space<hbm>> -> memref<1x632x128xf32, #tpu.memory_space<hbm>>
      %dma_wait3A_35 = tpu.memref_squeeze %dma_wait3A_34 : memref<1x632x128xf32, #tpu.memory_space<hbm>> -> memref<632x128xf32, #tpu.memory_space<hbm>>
      %dma_wait3A_36 = arith.constant 0 : i32
      %dma_wait3A_37 = tpu.memref_slice %arg10[%mul3A_0, %dma_wait3A_36] : memref<10112x128xf32, #tpu.memory_space<vmem_shared>> -> memref<632x128xf32, #tpu.memory_space<vmem_shared>>
      tpu.wait_dma2 semaphore(%run_scoped3A : memref<!tpu.dma_semaphore, #tpu.memory_space<semaphore_mem>>) src(%dma_wait3A_37 : memref<632x128xf32, #tpu.memory_space<vmem_shared>>) dst(%dma_wait3A_35 : memref<632x128xf32, #tpu.memory_space<hbm>>)
      tpu.yield
    }) : () -> ()
    return
  }
}

#map = affine_map<(d0, d1) -> (0, 0)>
#map1 = affine_map<(d0, d1) -> (0)>
#map2 = affine_map<(d0, d1) -> (0, 0, 0)>
module attributes {stable_mosaic.version = 14 : i64} {
  func.func @k(%arg0: i32, %arg1: i32, %arg2: memref<160000x128xf32, #tpu.memory_space<hbm>>, %arg3: memref<640000xi32, #tpu.memory_space<hbm>>, %arg4: memref<10112x128xf32, #tpu.memory_space<hbm>>, %arg5: memref<2x10112x128xf32, #tpu.memory_space<hbm>>, %arg6: memref<40xi32, #tpu.memory_space<vmem>>, %arg7: memref<40xi32, #tpu.memory_space<vmem>>, %arg8: memref<40x128xf32, #tpu.memory_space<vmem>>, %arg9: memref<40x128xf32, #tpu.memory_space<vmem>>, %arg10: memref<10112x128xf32, #tpu.memory_space<vmem_shared>>, %arg11: memref<!tpu.dma_semaphore, #tpu.memory_space<semaphore_mem>>, %arg12: memref<!tpu.dma_semaphore, #tpu.memory_space<semaphore_mem>>, %arg13: memref<!tpu.dma_semaphore, #tpu.memory_space<semaphore_mem>>, %arg14: memref<!tpu.dma_semaphore, #tpu.memory_space<semaphore_mem>>) attributes {dimension_semantics = [#tpu.dimension_semantics<core_parallel>, #tpu.dimension_semantics<subcore_parallel>], iteration_bounds = array<i64: 2, 16>, scalar_prefetch = 0 : i64, scratch_operands = 9 : i64, tpu.core_type = #tpu.core_type<sc_vector_subcore>, window_params = [{transform_indices = #map}, {transform_indices = #map1}, {transform_indices = #map}, {transform_indices = #map2}]} {
    %mul3A = arith.constant 632 : i32
    %mul3A_0 = arith.muli %arg1, %mul3A : i32
    "tpu.region"() ({
      %run_scoped3A = tpu.sem_alloc : memref<!tpu.dma_semaphore, #tpu.memory_space<semaphore_mem>>
      %dma_start3A_28 = arith.constant 0 : i32
      %dma_start3A_29 = tpu.memref_slice %arg10[%mul3A_0, %dma_start3A_28] : memref<10112x128xf32, #tpu.memory_space<vmem_shared>> -> memref<632x128xf32, #tpu.memory_space<vmem_shared>>
      %dma_start3A_30 = arith.constant 0 : i32
      %dma_start3A_31 = tpu.memref_slice %arg4[%mul3A_0, %dma_start3A_30] : memref<10112x128xf32, #tpu.memory_space<hbm>> -> memref<632x128xf32, #tpu.memory_space<hbm>>
      tpu.enqueue_dma source(%dma_start3A_31 : memref<632x128xf32, #tpu.memory_space<hbm>>) target(%dma_start3A_29 : memref<632x128xf32, #tpu.memory_space<vmem_shared>>) target_semaphore(%run_scoped3A : memref<!tpu.dma_semaphore, #tpu.memory_space<semaphore_mem>>)
      %dma_wait3A_32 = arith.constant 0 : i32
      %dma_wait3A_33 = tpu.memref_slice %arg10[%mul3A_0, %dma_wait3A_32] : memref<10112x128xf32, #tpu.memory_space<vmem_shared>> -> memref<632x128xf32, #tpu.memory_space<vmem_shared>>
      %dma_wait3A_34 = arith.constant 0 : i32
      %dma_wait3A_35 = tpu.memref_slice %arg4[%mul3A_0, %dma_wait3A_34] : memref<10112x128xf32, #tpu.memory_space<hbm>> -> memref<632x128xf32, #tpu.memory_space<hbm>>
      tpu.wait_dma2 semaphore(%run_scoped3A : memref<!tpu.dma_semaphore, #tpu.memory_space<semaphore_mem>>) src(%dma_wait3A_35 : memref<632x128xf32, #tpu.memory_space<hbm>>) dst(%dma_wait3A_33 : memref<632x128xf32, #tpu.memory_space<vmem_shared>>)
      tpu.yield
    }) : () -> ()
    %barrier3A = arith.constant 0 : index
    tpu.barrier barrier_id(%barrier3A)
    %mul3A_1 = arith.constant 80000 : i32
    %mul3A_2 = arith.muli %arg0, %mul3A_1 : i32
    %mul3A_3 = arith.constant 5000 : i32
    %mul3A_4 = arith.muli %arg1, %mul3A_3 : i32
    %add3A = arith.addi %mul3A_2, %mul3A_4 : i32
    %add3A_5 = arith.constant 0 : i32
    %add3A_6 = arith.addi %add3A, %add3A_5 : i32
    %add3A_7 = arith.constant 0 : i32
    %add3A_8 = arith.addi %add3A_7, %add3A_6 : i32
    %dma_start3A = tpu.memref_slice %arg3[%add3A_8] : memref<640000xi32, #tpu.memory_space<hbm>> -> memref<40xi32, #tpu.memory_space<hbm>>
    %dma_start3A_9 = tpu.memref_slice %arg3[%add3A_8] : memref<640000xi32, #tpu.memory_space<hbm>> -> memref<40xi32, #tpu.memory_space<hbm>>
    tpu.enqueue_dma source(%dma_start3A_9 : memref<40xi32, #tpu.memory_space<hbm>>) target(%arg6 : memref<40xi32, #tpu.memory_space<vmem>>) target_semaphore(%arg11 : memref<!tpu.dma_semaphore, #tpu.memory_space<semaphore_mem>>)
    %dma_start3A_10 = arith.constant 0 : i32
    %dma_start3A_11 = tpu.memref_slice %arg2[%add3A_6, %dma_start3A_10] : memref<160000x128xf32, #tpu.memory_space<hbm>> -> memref<40x128xf32, #tpu.memory_space<hbm>>
    %dma_start3A_12 = arith.constant 0 : i32
    %dma_start3A_13 = tpu.memref_slice %arg2[%add3A_6, %dma_start3A_12] : memref<160000x128xf32, #tpu.memory_space<hbm>> -> memref<40x128xf32, #tpu.memory_space<hbm>>
    tpu.enqueue_dma source(%dma_start3A_13 : memref<40x128xf32, #tpu.memory_space<hbm>>) target(%arg8 : memref<40x128xf32, #tpu.memory_space<vmem>>) target_semaphore(%arg13 : memref<!tpu.dma_semaphore, #tpu.memory_space<semaphore_mem>>)
    %scan3A = arith.constant 0 : i32
    %scan3A_14 = arith.constant 62 : i32
    %scan3A_15 = arith.addi %scan3A, %scan3A_14 : i32
    %scan3A_16 = arith.constant 1 : i32
    scf.for %scan3A_28 = %scan3A to %scan3A_15 step %scan3A_16  : i32 {
      %mul3A_29 = arith.constant 1 : i32
      %mul3A_30 = arith.muli %scan3A_28, %mul3A_29 : i32
      %add3A_31 = arith.constant 0 : i32
      %add3A_32 = arith.addi %add3A_31, %mul3A_30 : i32
      %mul3A_33 = arith.constant 2 : i32
      %mul3A_34 = arith.muli %mul3A_33, %add3A_32 : i32
      %add3A_35 = arith.constant 1 : i32
      %add3A_36 = arith.addi %mul3A_34, %add3A_35 : i32
      %mul3A_37 = arith.constant 40 : i32
      %mul3A_38 = arith.muli %add3A_36, %mul3A_37 : i32
      %add3A_39 = arith.addi %add3A, %mul3A_38 : i32
      %add3A_40 = arith.constant 0 : i32
      %add3A_41 = arith.addi %add3A_40, %add3A_39 : i32
      %dma_start3A_42 = tpu.memref_slice %arg3[%add3A_41] : memref<640000xi32, #tpu.memory_space<hbm>> -> memref<40xi32, #tpu.memory_space<hbm>>
      %dma_start3A_43 = tpu.memref_slice %arg3[%add3A_41] : memref<640000xi32, #tpu.memory_space<hbm>> -> memref<40xi32, #tpu.memory_space<hbm>>
      tpu.enqueue_dma source(%dma_start3A_43 : memref<40xi32, #tpu.memory_space<hbm>>) target(%arg7 : memref<40xi32, #tpu.memory_space<vmem>>) target_semaphore(%arg12 : memref<!tpu.dma_semaphore, #tpu.memory_space<semaphore_mem>>)
      %dma_start3A_44 = arith.constant 0 : i32
      %dma_start3A_45 = tpu.memref_slice %arg2[%add3A_39, %dma_start3A_44] : memref<160000x128xf32, #tpu.memory_space<hbm>> -> memref<40x128xf32, #tpu.memory_space<hbm>>
      %dma_start3A_46 = arith.constant 0 : i32
      %dma_start3A_47 = tpu.memref_slice %arg2[%add3A_39, %dma_start3A_46] : memref<160000x128xf32, #tpu.memory_space<hbm>> -> memref<40x128xf32, #tpu.memory_space<hbm>>
      tpu.enqueue_dma source(%dma_start3A_47 : memref<40x128xf32, #tpu.memory_space<hbm>>) target(%arg9 : memref<40x128xf32, #tpu.memory_space<vmem>>) target_semaphore(%arg14 : memref<!tpu.dma_semaphore, #tpu.memory_space<semaphore_mem>>)
      %mul3A_48 = arith.constant 40 : i32
      %mul3A_49 = arith.muli %mul3A_34, %mul3A_48 : i32
      %add3A_50 = arith.addi %add3A, %mul3A_49 : i32
      %add3A_51 = arith.constant 0 : i32
      %add3A_52 = arith.addi %add3A_51, %add3A_50 : i32
      %dma_wait3A_53 = tpu.memref_slice %arg3[%add3A_52] : memref<640000xi32, #tpu.memory_space<hbm>> -> memref<40xi32, #tpu.memory_space<hbm>>
      %dma_wait3A_54 = tpu.memref_slice %arg3[%add3A_52] : memref<640000xi32, #tpu.memory_space<hbm>> -> memref<40xi32, #tpu.memory_space<hbm>>
      tpu.wait_dma2 semaphore(%arg11 : memref<!tpu.dma_semaphore, #tpu.memory_space<semaphore_mem>>) src(%dma_wait3A_54 : memref<40xi32, #tpu.memory_space<hbm>>) dst(%arg6 : memref<40xi32, #tpu.memory_space<vmem>>)
      %dma_wait3A_55 = arith.constant 0 : i32
      %dma_wait3A_56 = tpu.memref_slice %arg2[%add3A_50, %dma_wait3A_55] : memref<160000x128xf32, #tpu.memory_space<hbm>> -> memref<40x128xf32, #tpu.memory_space<hbm>>
      %dma_wait3A_57 = arith.constant 0 : i32
      %dma_wait3A_58 = tpu.memref_slice %arg2[%add3A_50, %dma_wait3A_57] : memref<160000x128xf32, #tpu.memory_space<hbm>> -> memref<40x128xf32, #tpu.memory_space<hbm>>
      tpu.wait_dma2 semaphore(%arg13 : memref<!tpu.dma_semaphore, #tpu.memory_space<semaphore_mem>>) src(%dma_wait3A_58 : memref<40x128xf32, #tpu.memory_space<hbm>>) dst(%arg8 : memref<40x128xf32, #tpu.memory_space<vmem>>)
      "tpu.region"() ({
        %run_scoped3A = tpu.sem_alloc : memref<!tpu.dma_semaphore, #tpu.memory_space<semaphore_mem>>
        %dma_start3A_85 = arith.constant 0 : i32
        %dma_start3A_86 = arith.constant 0 : i32
        %dma_start3A_87 = tpu.memref_slice %arg10[%dma_start3A_85, %dma_start3A_86] : memref<10112x128xf32, #tpu.memory_space<vmem_shared>> -> memref<10112x128xf32, #tpu.memory_space<vmem_shared>>
        tpu.enqueue_indirect_dma source(%arg8 : memref<40x128xf32, #tpu.memory_space<vmem>>) target(%dma_start3A_87 : memref<10112x128xf32, #tpu.memory_space<vmem_shared>>) offsets(%arg6 : memref<40xi32, #tpu.memory_space<vmem>>) semaphore(%run_scoped3A : memref<!tpu.dma_semaphore, #tpu.memory_space<semaphore_mem>>) {add = true}
        %dma_wait3A_88 = arith.constant 0 : i32
        %dma_wait3A_89 = arith.constant 0 : i32
        %dma_wait3A_90 = tpu.memref_slice %arg10[%dma_wait3A_88, %dma_wait3A_89] : memref<10112x128xf32, #tpu.memory_space<vmem_shared>> -> memref<10112x128xf32, #tpu.memory_space<vmem_shared>>
        tpu.wait_indirect_dma semaphore(%run_scoped3A : memref<!tpu.dma_semaphore, #tpu.memory_space<semaphore_mem>>) src(%arg8 : memref<40x128xf32, #tpu.memory_space<vmem>>) dst(%dma_wait3A_90 : memref<10112x128xf32, #tpu.memory_space<vmem_shared>>)
        tpu.yield
      }) : () -> ()
      %add3A_59 = arith.constant 2 : i32
      %add3A_60 = arith.addi %mul3A_34, %add3A_59 : i32
      %mul3A_61 = arith.constant 40 : i32
      %mul3A_62 = arith.muli %add3A_60, %mul3A_61 : i32
      %add3A_63 = arith.addi %add3A, %mul3A_62 : i32
      %add3A_64 = arith.constant 0 : i32
      %add3A_65 = arith.addi %add3A_64, %add3A_63 : i32
      %dma_start3A_66 = tpu.memref_slice %arg3[%add3A_65] : memref<640000xi32, #tpu.memory_space<hbm>> -> memref<40xi32, #tpu.memory_space<hbm>>
      %dma_start3A_67 = tpu.memref_slice %arg3[%add3A_65] : memref<640000xi32, #tpu.memory_space<hbm>> -> memref<40xi32, #tpu.memory_space<hbm>>
      tpu.enqueue_dma source(%dma_start3A_67 : memref<40xi32, #tpu.memory_space<hbm>>) target(%arg6 : memref<40xi32, #tpu.memory_space<vmem>>) target_semaphore(%arg11 : memref<!tpu.dma_semaphore, #tpu.memory_space<semaphore_mem>>)
      %dma_start3A_68 = arith.constant 0 : i32
      %dma_start3A_69 = tpu.memref_slice %arg2[%add3A_63, %dma_start3A_68] : memref<160000x128xf32, #tpu.memory_space<hbm>> -> memref<40x128xf32, #tpu.memory_space<hbm>>
      %dma_start3A_70 = arith.constant 0 : i32
      %dma_start3A_71 = tpu.memref_slice %arg2[%add3A_63, %dma_start3A_70] : memref<160000x128xf32, #tpu.memory_space<hbm>> -> memref<40x128xf32, #tpu.memory_space<hbm>>
      tpu.enqueue_dma source(%dma_start3A_71 : memref<40x128xf32, #tpu.memory_space<hbm>>) target(%arg8 : memref<40x128xf32, #tpu.memory_space<vmem>>) target_semaphore(%arg13 : memref<!tpu.dma_semaphore, #tpu.memory_space<semaphore_mem>>)
      %add3A_72 = arith.constant 1 : i32
      %add3A_73 = arith.addi %mul3A_34, %add3A_72 : i32
      %mul3A_74 = arith.constant 40 : i32
      %mul3A_75 = arith.muli %add3A_73, %mul3A_74 : i32
      %add3A_76 = arith.addi %add3A, %mul3A_75 : i32
      %add3A_77 = arith.constant 0 : i32
      %add3A_78 = arith.addi %add3A_77, %add3A_76 : i32
      %dma_wait3A_79 = tpu.memref_slice %arg3[%add3A_78] : memref<640000xi32, #tpu.memory_space<hbm>> -> memref<40xi32, #tpu.memory_space<hbm>>
      %dma_wait3A_80 = tpu.memref_slice %arg3[%add3A_78] : memref<640000xi32, #tpu.memory_space<hbm>> -> memref<40xi32, #tpu.memory_space<hbm>>
      tpu.wait_dma2 semaphore(%arg12 : memref<!tpu.dma_semaphore, #tpu.memory_space<semaphore_mem>>) src(%dma_wait3A_80 : memref<40xi32, #tpu.memory_space<hbm>>) dst(%arg7 : memref<40xi32, #tpu.memory_space<vmem>>)
      %dma_wait3A_81 = arith.constant 0 : i32
      %dma_wait3A_82 = tpu.memref_slice %arg2[%add3A_76, %dma_wait3A_81] : memref<160000x128xf32, #tpu.memory_space<hbm>> -> memref<40x128xf32, #tpu.memory_space<hbm>>
      %dma_wait3A_83 = arith.constant 0 : i32
      %dma_wait3A_84 = tpu.memref_slice %arg2[%add3A_76, %dma_wait3A_83] : memref<160000x128xf32, #tpu.memory_space<hbm>> -> memref<40x128xf32, #tpu.memory_space<hbm>>
      tpu.wait_dma2 semaphore(%arg14 : memref<!tpu.dma_semaphore, #tpu.memory_space<semaphore_mem>>) src(%dma_wait3A_84 : memref<40x128xf32, #tpu.memory_space<hbm>>) dst(%arg9 : memref<40x128xf32, #tpu.memory_space<vmem>>)
      "tpu.region"() ({
        %run_scoped3A = tpu.sem_alloc : memref<!tpu.dma_semaphore, #tpu.memory_space<semaphore_mem>>
        %dma_start3A_85 = arith.constant 0 : i32
        %dma_start3A_86 = arith.constant 0 : i32
        %dma_start3A_87 = tpu.memref_slice %arg10[%dma_start3A_85, %dma_start3A_86] : memref<10112x128xf32, #tpu.memory_space<vmem_shared>> -> memref<10112x128xf32, #tpu.memory_space<vmem_shared>>
        tpu.enqueue_indirect_dma source(%arg9 : memref<40x128xf32, #tpu.memory_space<vmem>>) target(%dma_start3A_87 : memref<10112x128xf32, #tpu.memory_space<vmem_shared>>) offsets(%arg7 : memref<40xi32, #tpu.memory_space<vmem>>) semaphore(%run_scoped3A : memref<!tpu.dma_semaphore, #tpu.memory_space<semaphore_mem>>) {add = true}
        %dma_wait3A_88 = arith.constant 0 : i32
        %dma_wait3A_89 = arith.constant 0 : i32
        %dma_wait3A_90 = tpu.memref_slice %arg10[%dma_wait3A_88, %dma_wait3A_89] : memref<10112x128xf32, #tpu.memory_space<vmem_shared>> -> memref<10112x128xf32, #tpu.memory_space<vmem_shared>>
        tpu.wait_indirect_dma semaphore(%run_scoped3A : memref<!tpu.dma_semaphore, #tpu.memory_space<semaphore_mem>>) src(%arg9 : memref<40x128xf32, #tpu.memory_space<vmem>>) dst(%dma_wait3A_90 : memref<10112x128xf32, #tpu.memory_space<vmem_shared>>)
        tpu.yield
      }) : () -> ()
    }
    %scan3A_17 = arith.constant 62 : i32
    %add3A_18 = arith.constant 4960 : i32
    %add3A_19 = arith.addi %add3A, %add3A_18 : i32
    %add3A_20 = arith.constant 0 : i32
    %add3A_21 = arith.addi %add3A_20, %add3A_19 : i32
    %dma_wait3A = tpu.memref_slice %arg3[%add3A_21] : memref<640000xi32, #tpu.memory_space<hbm>> -> memref<40xi32, #tpu.memory_space<hbm>>
    %dma_wait3A_22 = tpu.memref_slice %arg3[%add3A_21] : memref<640000xi32, #tpu.memory_space<hbm>> -> memref<40xi32, #tpu.memory_space<hbm>>
    tpu.wait_dma2 semaphore(%arg11 : memref<!tpu.dma_semaphore, #tpu.memory_space<semaphore_mem>>) src(%dma_wait3A_22 : memref<40xi32, #tpu.memory_space<hbm>>) dst(%arg6 : memref<40xi32, #tpu.memory_space<vmem>>)
    %dma_wait3A_23 = arith.constant 0 : i32
    %dma_wait3A_24 = tpu.memref_slice %arg2[%add3A_19, %dma_wait3A_23] : memref<160000x128xf32, #tpu.memory_space<hbm>> -> memref<40x128xf32, #tpu.memory_space<hbm>>
    %dma_wait3A_25 = arith.constant 0 : i32
    %dma_wait3A_26 = tpu.memref_slice %arg2[%add3A_19, %dma_wait3A_25] : memref<160000x128xf32, #tpu.memory_space<hbm>> -> memref<40x128xf32, #tpu.memory_space<hbm>>
    tpu.wait_dma2 semaphore(%arg13 : memref<!tpu.dma_semaphore, #tpu.memory_space<semaphore_mem>>) src(%dma_wait3A_26 : memref<40x128xf32, #tpu.memory_space<hbm>>) dst(%arg8 : memref<40x128xf32, #tpu.memory_space<vmem>>)
    "tpu.region"() ({
      %run_scoped3A = tpu.sem_alloc : memref<!tpu.dma_semaphore, #tpu.memory_space<semaphore_mem>>
      %dma_start3A_28 = arith.constant 0 : i32
      %dma_start3A_29 = arith.constant 0 : i32
      %dma_start3A_30 = tpu.memref_slice %arg10[%dma_start3A_28, %dma_start3A_29] : memref<10112x128xf32, #tpu.memory_space<vmem_shared>> -> memref<10112x128xf32, #tpu.memory_space<vmem_shared>>
      tpu.enqueue_indirect_dma source(%arg8 : memref<40x128xf32, #tpu.memory_space<vmem>>) target(%dma_start3A_30 : memref<10112x128xf32, #tpu.memory_space<vmem_shared>>) offsets(%arg6 : memref<40xi32, #tpu.memory_space<vmem>>) semaphore(%run_scoped3A : memref<!tpu.dma_semaphore, #tpu.memory_space<semaphore_mem>>) {add = true}
      %dma_wait3A_31 = arith.constant 0 : i32
      %dma_wait3A_32 = arith.constant 0 : i32
      %dma_wait3A_33 = tpu.memref_slice %arg10[%dma_wait3A_31, %dma_wait3A_32] : memref<10112x128xf32, #tpu.memory_space<vmem_shared>> -> memref<10112x128xf32, #tpu.memory_space<vmem_shared>>
      tpu.wait_indirect_dma semaphore(%run_scoped3A : memref<!tpu.dma_semaphore, #tpu.memory_space<semaphore_mem>>) src(%arg8 : memref<40x128xf32, #tpu.memory_space<vmem>>) dst(%dma_wait3A_33 : memref<10112x128xf32, #tpu.memory_space<vmem_shared>>)
      tpu.yield
    }) : () -> ()
    %barrier3A_27 = arith.constant 0 : index
    tpu.barrier barrier_id(%barrier3A_27)
    "tpu.region"() ({
      %run_scoped3A = tpu.sem_alloc : memref<!tpu.dma_semaphore, #tpu.memory_space<semaphore_mem>>
      %dma_start3A_28 = arith.constant 0 : i32
      %dma_start3A_29 = tpu.memref_slice %arg5[%arg0, %mul3A_0, %dma_start3A_28] : memref<2x10112x128xf32, #tpu.memory_space<hbm>> -> memref<1x632x128xf32, #tpu.memory_space<hbm>>
      %dma_start3A_30 = tpu.memref_squeeze %dma_start3A_29 : memref<1x632x128xf32, #tpu.memory_space<hbm>> -> memref<632x128xf32, #tpu.memory_space<hbm>>
      %dma_start3A_31 = arith.constant 0 : i32
      %dma_start3A_32 = tpu.memref_slice %arg10[%mul3A_0, %dma_start3A_31] : memref<10112x128xf32, #tpu.memory_space<vmem_shared>> -> memref<632x128xf32, #tpu.memory_space<vmem_shared>>
      tpu.enqueue_dma source(%dma_start3A_32 : memref<632x128xf32, #tpu.memory_space<vmem_shared>>) target(%dma_start3A_30 : memref<632x128xf32, #tpu.memory_space<hbm>>) target_semaphore(%run_scoped3A : memref<!tpu.dma_semaphore, #tpu.memory_space<semaphore_mem>>)
      %dma_wait3A_33 = arith.constant 0 : i32
      %dma_wait3A_34 = tpu.memref_slice %arg5[%arg0, %mul3A_0, %dma_wait3A_33] : memref<2x10112x128xf32, #tpu.memory_space<hbm>> -> memref<1x632x128xf32, #tpu.memory_space<hbm>>
      %dma_wait3A_35 = tpu.memref_squeeze %dma_wait3A_34 : memref<1x632x128xf32, #tpu.memory_space<hbm>> -> memref<632x128xf32, #tpu.memory_space<hbm>>
      %dma_wait3A_36 = arith.constant 0 : i32
      %dma_wait3A_37 = tpu.memref_slice %arg10[%mul3A_0, %dma_wait3A_36] : memref<10112x128xf32, #tpu.memory_space<vmem_shared>> -> memref<632x128xf32, #tpu.memory_space<vmem_shared>>
      tpu.wait_dma2 semaphore(%run_scoped3A : memref<!tpu.dma_semaphore, #tpu.memory_space<semaphore_mem>>) src(%dma_wait3A_37 : memref<632x128xf32, #tpu.memory_space<vmem_shared>>) dst(%dma_wait3A_35 : memref<632x128xf32, #tpu.memory_space<hbm>>)
      tpu.yield
    }) : () -> ()
    return
  }
}

module attributes {stable_mosaic.version = 14 : i64} {
  func.func @body(%arg0: i32, %arg1: memref<10000x128xf32, #tpu.memory_space<vmem>>, %arg2: memref<260x128xf32, #tpu.memory_space<vmem>>, %arg3: memref<10000x128xf32, #tpu.memory_space<vmem>>, %arg4: memref<10000x128xf32, #tpu.memory_space<vmem>>) attributes {dimension_semantics = [#tpu.dimension_semantics<arbitrary>], iteration_bounds = array<i64: 1>, scalar_prefetch = 0 : i64, scratch_operands = 0 : i64, tpu.core_type = #tpu.core_type<tc>, window_params = [{pipeline_mode = #tpu.pipeline_mode<synchronous>, transform_indices = @transform_0, window_bounds = array<i64: 10000, 128>}, {pipeline_mode = #tpu.pipeline_mode<synchronous>, transform_indices = @transform_1, window_bounds = array<i64: 260, 128>}, {pipeline_mode = #tpu.pipeline_mode<synchronous>, transform_indices = @transform_2, window_bounds = array<i64: 10000, 128>}, {pipeline_mode = #tpu.pipeline_mode<synchronous>, transform_indices = @transform_3, window_bounds = array<i64: 10000, 128>}]} {
    %get3A = arith.constant 0 : index
    %get3A_0 = arith.constant 0 : index
    %get3A_1 = vector.load %arg2[%get3A, %get3A_0] : memref<260x128xf32, #tpu.memory_space<vmem>>, vector<260x128xf32>
    %get3A_2 = arith.constant 0 : index
    %get3A_3 = arith.constant 0 : index
    %get3A_4 = vector.load %arg1[%get3A_2, %get3A_3] : memref<10000x128xf32, #tpu.memory_space<vmem>>, vector<10000x128xf32>
    %slice3A = vector.extract_strided_slice %get3A_1 {offsets = [0, 0], sizes = [128, 128], strides = [1, 1]} : vector<260x128xf32> to vector<128x128xf32>
    %dot_general3A = arith.constant dense<0.000000e+00> : vector<10000x128xf32>
    %dot_general3A_5 = tpu.matmul %get3A_4, %slice3A, %dot_general3A {dimension_numbers = #tpu.dot_dimension_numbers<[1], [0], [0], [1], [0, 0, 1, 1], [], []>, transpose_lhs_hint = false} : vector<10000x128xf32>, vector<128x128xf32>, vector<10000x128xf32> -> vector<10000x128xf32>
    %swap3A = arith.constant 0 : index
    %swap3A_6 = arith.constant 0 : index
    %swap3A_7 = vector.load %arg3[%swap3A, %swap3A_6] : memref<10000x128xf32, #tpu.memory_space<vmem>>, vector<10000x128xf32>
    tpu.vector_store %arg3[%swap3A, %swap3A_6], %dot_general3A_5 {strides = array<i32>} : memref<10000x128xf32, #tpu.memory_space<vmem>>, vector<10000x128xf32>,
    %slice3A_8 = vector.extract_strided_slice %get3A_1 {offsets = [128, 0], sizes = [128, 128], strides = [1, 1]} : vector<260x128xf32> to vector<128x128xf32>
    %dot_general3A_9 = arith.constant dense<0.000000e+00> : vector<10000x128xf32>
    %dot_general3A_10 = tpu.matmul %get3A_4, %slice3A_8, %dot_general3A_9 {dimension_numbers = #tpu.dot_dimension_numbers<[1], [0], [0], [1], [0, 0, 1, 1], [], []>, transpose_lhs_hint = false} : vector<10000x128xf32>, vector<128x128xf32>, vector<10000x128xf32> -> vector<10000x128xf32>
    %swap3A_11 = arith.constant 0 : index
    %swap3A_12 = arith.constant 0 : index
    %swap3A_13 = vector.load %arg4[%swap3A_11, %swap3A_12] : memref<10000x128xf32, #tpu.memory_space<vmem>>, vector<10000x128xf32>
    tpu.vector_store %arg4[%swap3A_11, %swap3A_12], %dot_general3A_10 {strides = array<i32>} : memref<10000x128xf32, #tpu.memory_space<vmem>>, vector<10000x128xf32>,
    return
  }
  func.func @transform_0(%arg0: i32) -> (i32, i32) {
    %c0_i32 = arith.constant 0 : i32
    %c0_i32_0 = arith.constant 0 : i32
    %c0_i32_1 = arith.constant 0 : i32
    return %c0_i32, %c0_i32_0 : i32, i32
  }
  func.func @transform_1(%arg0: i32) -> (i32, i32) {
    %c0_i32 = arith.constant 0 : i32
    %c0_i32_0 = arith.constant 0 : i32
    %c0_i32_1 = arith.constant 0 : i32
    return %c0_i32, %c0_i32_0 : i32, i32
  }
  func.func @transform_2(%arg0: i32) -> (i32, i32) {
    %c0_i32 = arith.constant 0 : i32
    %c0_i32_0 = arith.constant 0 : i32
    %c0_i32_1 = arith.constant 0 : i32
    return %c0_i32, %c0_i32_0 : i32, i32
  }
  func.func @transform_3(%arg0: i32) -> (i32, i32) {
    %c0_i32 = arith.constant 0 : i32
    %c0_i32_0 = arith.constant 0 : i32
    %c0_i32_1 = arith.constant 0 : i32
    return %c0_i32, %c0_i32_0 : i32, i32
  }
}

module attributes {stable_mosaic.version = 14 : i64} {
  func.func @body(%arg0: i32, %arg1: memref<6400x128xi32, #tpu.memory_space<vmem>>, %arg2: memref<4x6400xf32, #tpu.memory_space<vmem>>, %arg3: memref<4x128xf32, #tpu.memory_space<vmem>>, %arg4: memref<1x128xf32, #tpu.memory_space<vmem>>, %arg5: memref<128x128xf32, #tpu.memory_space<vmem>>, %arg6: memref<1x128xf32, #tpu.memory_space<vmem>>, %arg7: memref<6400x128xf32, #tpu.memory_space<vmem>>) attributes {dimension_semantics = [#tpu.dimension_semantics<arbitrary>], iteration_bounds = array<i64: 25>, scalar_prefetch = 0 : i64, scratch_operands = 0 : i64, tpu.core_type = #tpu.core_type<tc>, window_params = [{transform_indices = @transform_0, window_bounds = array<i64: 6400, 128>}, {transform_indices = @transform_1, window_bounds = array<i64: 4, 6400>}, {pipeline_mode = #tpu.pipeline_mode<synchronous>, transform_indices = @transform_2, window_bounds = array<i64: 4, 128>}, {pipeline_mode = #tpu.pipeline_mode<synchronous>, transform_indices = @transform_3, window_bounds = array<i64: 1, 128>}, {pipeline_mode = #tpu.pipeline_mode<synchronous>, transform_indices = @transform_4, window_bounds = array<i64: 128, 128>}, {pipeline_mode = #tpu.pipeline_mode<synchronous>, transform_indices = @transform_5, window_bounds = array<i64: 1, 128>}, {transform_indices = @transform_6, window_bounds = array<i64: 6400, 128>}]} {
    %get3A = arith.constant 0 : index
    %get3A_0 = arith.constant 0 : index
    %get3A_1 = vector.load %arg2[%get3A, %get3A_0] : memref<4x6400xf32, #tpu.memory_space<vmem>>, vector<4x6400xf32>
    %get3A_2 = arith.constant 0 : index
    %get3A_3 = arith.constant 0 : index
    %get3A_4 = vector.load %arg3[%get3A_2, %get3A_3] : memref<4x128xf32, #tpu.memory_space<vmem>>, vector<4x128xf32>
    %dot_general3A = arith.constant dense<0.000000e+00> : vector<6400x128xf32>
    %dot_general3A_5 = tpu.matmul %get3A_1, %get3A_4, %dot_general3A {dimension_numbers = #tpu.dot_dimension_numbers<[0], [0], [1], [1], [0, 1, 1, 1], [], []>, transpose_lhs_hint = false} : vector<4x6400xf32>, vector<4x128xf32>, vector<6400x128xf32> -> vector<6400x128xf32>
    %get3A_6 = arith.constant 0 : index
    %get3A_7 = arith.constant 0 : index
    %get3A_8 = vector.load %arg1[%get3A_6, %get3A_7] : memref<6400x128xi32, #tpu.memory_space<vmem>>, vector<6400x128xi32>
    %slice3A = vector.extract_strided_slice %get3A_8 {offsets = [0, 0], sizes = [6400, 64], strides = [1, 1]} : vector<6400x128xi32> to vector<6400x64xi32>
    %bitcast_convert_type3A = tpu.bitcast %slice3A : vector<6400x64xi32> -> vector<6400x64xi32>
    %and3A = arith.constant 65535 : i32
    %and3A_9 = vector.broadcast %and3A : i32 to vector<6400x64xi32>
    %and3A_10 = arith.andi %bitcast_convert_type3A, %and3A_9 : vector<6400x64xi32>
    %convert_element_type3A = arith.trunci %and3A_10 : vector<6400x64xi32> to vector<6400x64xi16>
    %bitcast_convert_type3A_11 = tpu.bitcast %convert_element_type3A : vector<6400x64xi16> -> vector<6400x64xbf16>
    %convert_element_type3A_12 = arith.extf %bitcast_convert_type3A_11 : vector<6400x64xbf16> to vector<6400x64xf32>
    %shift_right_logical3A = arith.constant 16 : i32
    %shift_right_logical3A_13 = vector.broadcast %shift_right_logical3A : i32 to vector<6400x64xi32>
    %shift_right_logical3A_14 = arith.shrui %bitcast_convert_type3A, %shift_right_logical3A_13 : vector<6400x64xi32>
    %convert_element_type3A_15 = arith.trunci %shift_right_logical3A_14 : vector<6400x64xi32> to vector<6400x64xi16>
    %bitcast_convert_type3A_16 = tpu.bitcast %convert_element_type3A_15 : vector<6400x64xi16> -> vector<6400x64xbf16>
    %convert_element_type3A_17 = arith.extf %bitcast_convert_type3A_16 : vector<6400x64xbf16> to vector<6400x64xf32>
    %concatenate3A = tpu.concatenate %convert_element_type3A_12, %convert_element_type3A_17 in 1 : vector<6400x64xf32>, vector<6400x64xf32> -> vector<6400x128xf32>
    %slice3A_18 = vector.extract_strided_slice %get3A_8 {offsets = [0, 64], sizes = [6400, 64], strides = [1, 1]} : vector<6400x128xi32> to vector<6400x64xi32>
    %bitcast_convert_type3A_19 = tpu.bitcast %slice3A_18 : vector<6400x64xi32> -> vector<6400x64xi32>
    %and3A_20 = arith.constant 65535 : i32
    %and3A_21 = vector.broadcast %and3A_20 : i32 to vector<6400x64xi32>
    %and3A_22 = arith.andi %bitcast_convert_type3A_19, %and3A_21 : vector<6400x64xi32>
    %convert_element_type3A_23 = arith.trunci %and3A_22 : vector<6400x64xi32> to vector<6400x64xi16>
    %bitcast_convert_type3A_24 = tpu.bitcast %convert_element_type3A_23 : vector<6400x64xi16> -> vector<6400x64xbf16>
    %convert_element_type3A_25 = arith.extf %bitcast_convert_type3A_24 : vector<6400x64xbf16> to vector<6400x64xf32>
    %shift_right_logical3A_26 = arith.constant 16 : i32
    %shift_right_logical3A_27 = vector.broadcast %shift_right_logical3A_26 : i32 to vector<6400x64xi32>
    %shift_right_logical3A_28 = arith.shrui %bitcast_convert_type3A_19, %shift_right_logical3A_27 : vector<6400x64xi32>
    %convert_element_type3A_29 = arith.trunci %shift_right_logical3A_28 : vector<6400x64xi32> to vector<6400x64xi16>
    %bitcast_convert_type3A_30 = tpu.bitcast %convert_element_type3A_29 : vector<6400x64xi16> -> vector<6400x64xbf16>
    %convert_element_type3A_31 = arith.extf %bitcast_convert_type3A_30 : vector<6400x64xbf16> to vector<6400x64xf32>
    %concatenate3A_32 = tpu.concatenate %convert_element_type3A_25, %convert_element_type3A_31 in 1 : vector<6400x64xf32>, vector<6400x64xf32> -> vector<6400x128xf32>
    %add3A = arith.addf %concatenate3A, %concatenate3A_32 : vector<6400x128xf32>
    %add3A_33 = arith.addf %add3A, %dot_general3A_5 : vector<6400x128xf32>
    %get3A_34 = arith.constant 0 : index
    %get3A_35 = arith.constant 0 : index
    %get3A_36 = vector.load %arg4[%get3A_34, %get3A_35] : memref<1x128xf32, #tpu.memory_space<vmem>>, vector<1x128xf32>
    %add3A_37 = vector.broadcast %get3A_36 : vector<1x128xf32> to vector<6400x128xf32>
    %add3A_38 = arith.addf %add3A_33, %add3A_37 : vector<6400x128xf32>
    %logistic3A = arith.negf %add3A_38 : vector<6400x128xf32>
    %logistic3A_39 = math.exp %logistic3A : vector<6400x128xf32>
    %logistic3A_40 = arith.constant 1.000000e+00 : f32
    %logistic3A_41 = vector.broadcast %logistic3A_40 : f32 to vector<6400x128xf32>
    %logistic3A_42 = arith.addf %logistic3A_41, %logistic3A_39 : vector<6400x128xf32>
    %logistic3A_43 = arith.divf %logistic3A_41, %logistic3A_42 : vector<6400x128xf32>
    %mul3A = arith.mulf %add3A_38, %logistic3A_43 : vector<6400x128xf32>
    %get3A_44 = arith.constant 0 : index
    %get3A_45 = arith.constant 0 : index
    %get3A_46 = vector.load %arg5[%get3A_44, %get3A_45] : memref<128x128xf32, #tpu.memory_space<vmem>>, vector<128x128xf32>
    %dot_general3A_47 = arith.constant dense<0.000000e+00> : vector<6400x128xf32>
    %dot_general3A_48 = tpu.matmul %mul3A, %get3A_46, %dot_general3A_47 {dimension_numbers = #tpu.dot_dimension_numbers<[1], [0], [0], [1], [0, 0, 1, 1], [], []>, transpose_lhs_hint = false} : vector<6400x128xf32>, vector<128x128xf32>, vector<6400x128xf32> -> vector<6400x128xf32>
    %get3A_49 = arith.constant 0 : index
    %get3A_50 = arith.constant 0 : index
    %get3A_51 = vector.load %arg6[%get3A_49, %get3A_50] : memref<1x128xf32, #tpu.memory_space<vmem>>, vector<1x128xf32>
    %add3A_52 = vector.broadcast %get3A_51 : vector<1x128xf32> to vector<6400x128xf32>
    %add3A_53 = arith.addf %dot_general3A_48, %add3A_52 : vector<6400x128xf32>
    %logistic3A_54 = arith.negf %add3A_53 : vector<6400x128xf32>
    %logistic3A_55 = math.exp %logistic3A_54 : vector<6400x128xf32>
    %logistic3A_56 = arith.constant 1.000000e+00 : f32
    %logistic3A_57 = vector.broadcast %logistic3A_56 : f32 to vector<6400x128xf32>
    %logistic3A_58 = arith.addf %logistic3A_57, %logistic3A_55 : vector<6400x128xf32>
    %logistic3A_59 = arith.divf %logistic3A_57, %logistic3A_58 : vector<6400x128xf32>
    %mul3A_60 = arith.mulf %add3A_53, %logistic3A_59 : vector<6400x128xf32>
    %swap3A = arith.constant 0 : index
    %swap3A_61 = arith.constant 0 : index
    %swap3A_62 = vector.load %arg7[%swap3A, %swap3A_61] : memref<6400x128xf32, #tpu.memory_space<vmem>>, vector<6400x128xf32>
    tpu.vector_store %arg7[%swap3A, %swap3A_61], %mul3A_60 {strides = array<i32>} : memref<6400x128xf32, #tpu.memory_space<vmem>>, vector<6400x128xf32>,
    return
  }
  func.func @transform_0(%arg0: i32) -> (i32, i32) {
    %c0_i32 = arith.constant 0 : i32
    %c0_i32_0 = arith.constant 0 : i32
    return %arg0, %c0_i32 : i32, i32
  }
  func.func @transform_1(%arg0: i32) -> (i32, i32) {
    %add3A = arith.constant 25 : i32
    %add3A_0 = arith.addi %arg0, %add3A : i32
    %c0_i32 = arith.constant 0 : i32
    %c0_i32_1 = arith.constant 0 : i32
    return %c0_i32, %add3A_0 : i32, i32
  }
  func.func @transform_2(%arg0: i32) -> (i32, i32) {
    %c0_i32 = arith.constant 0 : i32
    %c0_i32_0 = arith.constant 0 : i32
    %c0_i32_1 = arith.constant 0 : i32
    return %c0_i32, %c0_i32_0 : i32, i32
  }
  func.func @transform_3(%arg0: i32) -> (i32, i32) {
    %c0_i32 = arith.constant 0 : i32
    %c0_i32_0 = arith.constant 0 : i32
    %c0_i32_1 = arith.constant 0 : i32
    return %c0_i32, %c0_i32_0 : i32, i32
  }
  func.func @transform_4(%arg0: i32) -> (i32, i32) {
    %c0_i32 = arith.constant 0 : i32
    %c0_i32_0 = arith.constant 0 : i32
    %c0_i32_1 = arith.constant 0 : i32
    return %c0_i32, %c0_i32_0 : i32, i32
  }
  func.func @transform_5(%arg0: i32) -> (i32, i32) {
    %c0_i32 = arith.constant 0 : i32
    %c0_i32_0 = arith.constant 0 : i32
    %c0_i32_1 = arith.constant 0 : i32
    return %c0_i32, %c0_i32_0 : i32, i32
  }
  func.func @transform_6(%arg0: i32) -> (i32, i32) {
    %c0_i32 = arith.constant 0 : i32
    %c0_i32_0 = arith.constant 0 : i32
    return %arg0, %c0_i32 : i32, i32
  }
}

module attributes {stable_mosaic.version = 14 : i64} {
  func.func @body(%arg0: i32, %arg1: memref<6400x128xi32, #tpu.memory_space<vmem>>, %arg2: memref<4x6400xf32, #tpu.memory_space<vmem>>, %arg3: memref<4x128xf32, #tpu.memory_space<vmem>>, %arg4: memref<1x128xf32, #tpu.memory_space<vmem>>, %arg5: memref<128x128xf32, #tpu.memory_space<vmem>>, %arg6: memref<1x128xf32, #tpu.memory_space<vmem>>, %arg7: memref<6400x128xf32, #tpu.memory_space<vmem>>) attributes {dimension_semantics = [#tpu.dimension_semantics<arbitrary>], iteration_bounds = array<i64: 25>, scalar_prefetch = 0 : i64, scratch_operands = 0 : i64, tpu.core_type = #tpu.core_type<tc>, window_params = [{transform_indices = @transform_0, window_bounds = array<i64: 6400, 128>}, {transform_indices = @transform_1, window_bounds = array<i64: 4, 6400>}, {pipeline_mode = #tpu.pipeline_mode<synchronous>, transform_indices = @transform_2, window_bounds = array<i64: 4, 128>}, {pipeline_mode = #tpu.pipeline_mode<synchronous>, transform_indices = @transform_3, window_bounds = array<i64: 1, 128>}, {pipeline_mode = #tpu.pipeline_mode<synchronous>, transform_indices = @transform_4, window_bounds = array<i64: 128, 128>}, {pipeline_mode = #tpu.pipeline_mode<synchronous>, transform_indices = @transform_5, window_bounds = array<i64: 1, 128>}, {transform_indices = @transform_6, window_bounds = array<i64: 6400, 128>}]} {
    %get3A = arith.constant 0 : index
    %get3A_0 = arith.constant 0 : index
    %get3A_1 = vector.load %arg2[%get3A, %get3A_0] : memref<4x6400xf32, #tpu.memory_space<vmem>>, vector<4x6400xf32>
    %get3A_2 = arith.constant 0 : index
    %get3A_3 = arith.constant 0 : index
    %get3A_4 = vector.load %arg3[%get3A_2, %get3A_3] : memref<4x128xf32, #tpu.memory_space<vmem>>, vector<4x128xf32>
    %dot_general3A = arith.constant dense<0.000000e+00> : vector<6400x128xf32>
    %dot_general3A_5 = tpu.matmul %get3A_1, %get3A_4, %dot_general3A {dimension_numbers = #tpu.dot_dimension_numbers<[0], [0], [1], [1], [0, 1, 1, 1], [], []>, transpose_lhs_hint = false} : vector<4x6400xf32>, vector<4x128xf32>, vector<6400x128xf32> -> vector<6400x128xf32>
    %get3A_6 = arith.constant 0 : index
    %get3A_7 = arith.constant 0 : index
    %get3A_8 = vector.load %arg1[%get3A_6, %get3A_7] : memref<6400x128xi32, #tpu.memory_space<vmem>>, vector<6400x128xi32>
    %slice3A = vector.extract_strided_slice %get3A_8 {offsets = [0, 0], sizes = [6400, 64], strides = [1, 1]} : vector<6400x128xi32> to vector<6400x64xi32>
    %bitcast_convert_type3A = tpu.bitcast %slice3A : vector<6400x64xi32> -> vector<6400x64xi32>
    %and3A = arith.constant 65535 : i32
    %and3A_9 = vector.broadcast %and3A : i32 to vector<6400x64xi32>
    %and3A_10 = arith.andi %bitcast_convert_type3A, %and3A_9 : vector<6400x64xi32>
    %convert_element_type3A = arith.trunci %and3A_10 : vector<6400x64xi32> to vector<6400x64xi16>
    %bitcast_convert_type3A_11 = tpu.bitcast %convert_element_type3A : vector<6400x64xi16> -> vector<6400x64xbf16>
    %convert_element_type3A_12 = arith.extf %bitcast_convert_type3A_11 : vector<6400x64xbf16> to vector<6400x64xf32>
    %shift_right_logical3A = arith.constant 16 : i32
    %shift_right_logical3A_13 = vector.broadcast %shift_right_logical3A : i32 to vector<6400x64xi32>
    %shift_right_logical3A_14 = arith.shrui %bitcast_convert_type3A, %shift_right_logical3A_13 : vector<6400x64xi32>
    %convert_element_type3A_15 = arith.trunci %shift_right_logical3A_14 : vector<6400x64xi32> to vector<6400x64xi16>
    %bitcast_convert_type3A_16 = tpu.bitcast %convert_element_type3A_15 : vector<6400x64xi16> -> vector<6400x64xbf16>
    %convert_element_type3A_17 = arith.extf %bitcast_convert_type3A_16 : vector<6400x64xbf16> to vector<6400x64xf32>
    %concatenate3A = tpu.concatenate %convert_element_type3A_12, %convert_element_type3A_17 in 1 : vector<6400x64xf32>, vector<6400x64xf32> -> vector<6400x128xf32>
    %slice3A_18 = vector.extract_strided_slice %get3A_8 {offsets = [0, 64], sizes = [6400, 64], strides = [1, 1]} : vector<6400x128xi32> to vector<6400x64xi32>
    %bitcast_convert_type3A_19 = tpu.bitcast %slice3A_18 : vector<6400x64xi32> -> vector<6400x64xi32>
    %and3A_20 = arith.constant 65535 : i32
    %and3A_21 = vector.broadcast %and3A_20 : i32 to vector<6400x64xi32>
    %and3A_22 = arith.andi %bitcast_convert_type3A_19, %and3A_21 : vector<6400x64xi32>
    %convert_element_type3A_23 = arith.trunci %and3A_22 : vector<6400x64xi32> to vector<6400x64xi16>
    %bitcast_convert_type3A_24 = tpu.bitcast %convert_element_type3A_23 : vector<6400x64xi16> -> vector<6400x64xbf16>
    %convert_element_type3A_25 = arith.extf %bitcast_convert_type3A_24 : vector<6400x64xbf16> to vector<6400x64xf32>
    %shift_right_logical3A_26 = arith.constant 16 : i32
    %shift_right_logical3A_27 = vector.broadcast %shift_right_logical3A_26 : i32 to vector<6400x64xi32>
    %shift_right_logical3A_28 = arith.shrui %bitcast_convert_type3A_19, %shift_right_logical3A_27 : vector<6400x64xi32>
    %convert_element_type3A_29 = arith.trunci %shift_right_logical3A_28 : vector<6400x64xi32> to vector<6400x64xi16>
    %bitcast_convert_type3A_30 = tpu.bitcast %convert_element_type3A_29 : vector<6400x64xi16> -> vector<6400x64xbf16>
    %convert_element_type3A_31 = arith.extf %bitcast_convert_type3A_30 : vector<6400x64xbf16> to vector<6400x64xf32>
    %concatenate3A_32 = tpu.concatenate %convert_element_type3A_25, %convert_element_type3A_31 in 1 : vector<6400x64xf32>, vector<6400x64xf32> -> vector<6400x128xf32>
    %add3A = arith.addf %concatenate3A, %concatenate3A_32 : vector<6400x128xf32>
    %add3A_33 = arith.addf %add3A, %dot_general3A_5 : vector<6400x128xf32>
    %get3A_34 = arith.constant 0 : index
    %get3A_35 = arith.constant 0 : index
    %get3A_36 = vector.load %arg4[%get3A_34, %get3A_35] : memref<1x128xf32, #tpu.memory_space<vmem>>, vector<1x128xf32>
    %add3A_37 = vector.broadcast %get3A_36 : vector<1x128xf32> to vector<6400x128xf32>
    %add3A_38 = arith.addf %add3A_33, %add3A_37 : vector<6400x128xf32>
    %logistic3A = arith.negf %add3A_38 : vector<6400x128xf32>
    %logistic3A_39 = math.exp %logistic3A : vector<6400x128xf32>
    %logistic3A_40 = arith.constant 1.000000e+00 : f32
    %logistic3A_41 = vector.broadcast %logistic3A_40 : f32 to vector<6400x128xf32>
    %logistic3A_42 = arith.addf %logistic3A_41, %logistic3A_39 : vector<6400x128xf32>
    %logistic3A_43 = arith.divf %logistic3A_41, %logistic3A_42 : vector<6400x128xf32>
    %mul3A = arith.mulf %add3A_38, %logistic3A_43 : vector<6400x128xf32>
    %get3A_44 = arith.constant 0 : index
    %get3A_45 = arith.constant 0 : index
    %get3A_46 = vector.load %arg5[%get3A_44, %get3A_45] : memref<128x128xf32, #tpu.memory_space<vmem>>, vector<128x128xf32>
    %dot_general3A_47 = arith.constant dense<0.000000e+00> : vector<6400x128xf32>
    %dot_general3A_48 = tpu.matmul %mul3A, %get3A_46, %dot_general3A_47 {dimension_numbers = #tpu.dot_dimension_numbers<[1], [0], [0], [1], [0, 0, 1, 1], [], []>, transpose_lhs_hint = false} : vector<6400x128xf32>, vector<128x128xf32>, vector<6400x128xf32> -> vector<6400x128xf32>
    %get3A_49 = arith.constant 0 : index
    %get3A_50 = arith.constant 0 : index
    %get3A_51 = vector.load %arg6[%get3A_49, %get3A_50] : memref<1x128xf32, #tpu.memory_space<vmem>>, vector<1x128xf32>
    %add3A_52 = vector.broadcast %get3A_51 : vector<1x128xf32> to vector<6400x128xf32>
    %add3A_53 = arith.addf %dot_general3A_48, %add3A_52 : vector<6400x128xf32>
    %logistic3A_54 = arith.negf %add3A_53 : vector<6400x128xf32>
    %logistic3A_55 = math.exp %logistic3A_54 : vector<6400x128xf32>
    %logistic3A_56 = arith.constant 1.000000e+00 : f32
    %logistic3A_57 = vector.broadcast %logistic3A_56 : f32 to vector<6400x128xf32>
    %logistic3A_58 = arith.addf %logistic3A_57, %logistic3A_55 : vector<6400x128xf32>
    %logistic3A_59 = arith.divf %logistic3A_57, %logistic3A_58 : vector<6400x128xf32>
    %mul3A_60 = arith.mulf %add3A_53, %logistic3A_59 : vector<6400x128xf32>
    %swap3A = arith.constant 0 : index
    %swap3A_61 = arith.constant 0 : index
    %swap3A_62 = vector.load %arg7[%swap3A, %swap3A_61] : memref<6400x128xf32, #tpu.memory_space<vmem>>, vector<6400x128xf32>
    tpu.vector_store %arg7[%swap3A, %swap3A_61], %mul3A_60 {strides = array<i32>} : memref<6400x128xf32, #tpu.memory_space<vmem>>, vector<6400x128xf32>,
    return
  }
  func.func @transform_0(%arg0: i32) -> (i32, i32) {
    %c0_i32 = arith.constant 0 : i32
    %c0_i32_0 = arith.constant 0 : i32
    return %arg0, %c0_i32 : i32, i32
  }
  func.func @transform_1(%arg0: i32) -> (i32, i32) {
    %add3A = arith.constant 0 : i32
    %add3A_0 = arith.addi %arg0, %add3A : i32
    %c0_i32 = arith.constant 0 : i32
    %c0_i32_1 = arith.constant 0 : i32
    return %c0_i32, %add3A_0 : i32, i32
  }
  func.func @transform_2(%arg0: i32) -> (i32, i32) {
    %c0_i32 = arith.constant 0 : i32
    %c0_i32_0 = arith.constant 0 : i32
    %c0_i32_1 = arith.constant 0 : i32
    return %c0_i32, %c0_i32_0 : i32, i32
  }
  func.func @transform_3(%arg0: i32) -> (i32, i32) {
    %c0_i32 = arith.constant 0 : i32
    %c0_i32_0 = arith.constant 0 : i32
    %c0_i32_1 = arith.constant 0 : i32
    return %c0_i32, %c0_i32_0 : i32, i32
  }
  func.func @transform_4(%arg0: i32) -> (i32, i32) {
    %c0_i32 = arith.constant 0 : i32
    %c0_i32_0 = arith.constant 0 : i32
    %c0_i32_1 = arith.constant 0 : i32
    return %c0_i32, %c0_i32_0 : i32, i32
  }
  func.func @transform_5(%arg0: i32) -> (i32, i32) {
    %c0_i32 = arith.constant 0 : i32
    %c0_i32_0 = arith.constant 0 : i32
    %c0_i32_1 = arith.constant 0 : i32
    return %c0_i32, %c0_i32_0 : i32, i32
  }
  func.func @transform_6(%arg0: i32) -> (i32, i32) {
    %c0_i32 = arith.constant 0 : i32
    %c0_i32_0 = arith.constant 0 : i32
    return %arg0, %c0_i32 : i32, i32
  }
}

module attributes {stable_mosaic.version = 14 : i64} {
  func.func @body(%arg0: i32, %arg1: memref<2000x128xf32, #tpu.memory_space<vmem>>, %arg2: memref<2000x128xf32, #tpu.memory_space<vmem>>, %arg3: memref<2000x128xf32, #tpu.memory_space<vmem>>, %arg4: memref<2000x128xf32, #tpu.memory_space<vmem>>, %arg5: memref<2000x128xf32, #tpu.memory_space<vmem>>, %arg6: memref<256x128xf32, #tpu.memory_space<vmem>>, %arg7: memref<1x128xf32, #tpu.memory_space<vmem>>, %arg8: memref<128x128xf32, #tpu.memory_space<vmem>>, %arg9: memref<1x128xf32, #tpu.memory_space<vmem>>, %arg10: memref<2000x128xf32, #tpu.memory_space<vmem>>) attributes {dimension_semantics = [#tpu.dimension_semantics<arbitrary>], iteration_bounds = array<i64: 5>, scalar_prefetch = 0 : i64, scratch_operands = 0 : i64, tpu.core_type = #tpu.core_type<tc>, window_params = [{transform_indices = @transform_0, window_bounds = array<i64: 2000, 128>}, {transform_indices = @transform_1, window_bounds = array<i64: 2000, 128>}, {transform_indices = @transform_2, window_bounds = array<i64: 2000, 128>}, {transform_indices = @transform_3, window_bounds = array<i64: 2000, 128>}, {transform_indices = @transform_4, window_bounds = array<i64: 2000, 128>}, {pipeline_mode = #tpu.pipeline_mode<synchronous>, transform_indices = @transform_5, window_bounds = array<i64: 256, 128>}, {pipeline_mode = #tpu.pipeline_mode<synchronous>, transform_indices = @transform_6, window_bounds = array<i64: 1, 128>}, {pipeline_mode = #tpu.pipeline_mode<synchronous>, transform_indices = @transform_7, window_bounds = array<i64: 128, 128>}, {pipeline_mode = #tpu.pipeline_mode<synchronous>, transform_indices = @transform_8, window_bounds = array<i64: 1, 128>}, {transform_indices = @transform_9, window_bounds = array<i64: 2000, 128>}]} {
    %get3A = arith.constant 0 : index
    %get3A_0 = arith.constant 0 : index
    %get3A_1 = vector.load %arg2[%get3A, %get3A_0] : memref<2000x128xf32, #tpu.memory_space<vmem>>, vector<2000x128xf32>
    %get3A_2 = arith.constant 0 : index
    %get3A_3 = arith.constant 0 : index
    %get3A_4 = vector.load %arg3[%get3A_2, %get3A_3] : memref<2000x128xf32, #tpu.memory_space<vmem>>, vector<2000x128xf32>
    %add3A = arith.addf %get3A_1, %get3A_4 : vector<2000x128xf32>
    %get3A_5 = arith.constant 0 : index
    %get3A_6 = arith.constant 0 : index
    %get3A_7 = vector.load %arg4[%get3A_5, %get3A_6] : memref<2000x128xf32, #tpu.memory_space<vmem>>, vector<2000x128xf32>
    %get3A_8 = arith.constant 0 : index
    %get3A_9 = arith.constant 0 : index
    %get3A_10 = vector.load %arg5[%get3A_8, %get3A_9] : memref<2000x128xf32, #tpu.memory_space<vmem>>, vector<2000x128xf32>
    %add3A_11 = arith.addf %get3A_7, %get3A_10 : vector<2000x128xf32>
    %add3A_12 = arith.addf %add3A, %add3A_11 : vector<2000x128xf32>
    %get3A_13 = arith.constant 0 : index
    %get3A_14 = arith.constant 0 : index
    %get3A_15 = vector.load %arg6[%get3A_13, %get3A_14] : memref<256x128xf32, #tpu.memory_space<vmem>>, vector<256x128xf32>
    %get3A_16 = arith.constant 0 : index
    %get3A_17 = arith.constant 0 : index
    %get3A_18 = vector.load %arg1[%get3A_16, %get3A_17] : memref<2000x128xf32, #tpu.memory_space<vmem>>, vector<2000x128xf32>
    %slice3A = vector.extract_strided_slice %get3A_15 {offsets = [0, 0], sizes = [128, 128], strides = [1, 1]} : vector<256x128xf32> to vector<128x128xf32>
    %dot_general3A = arith.constant dense<0.000000e+00> : vector<2000x128xf32>
    %dot_general3A_19 = tpu.matmul %get3A_18, %slice3A, %dot_general3A {dimension_numbers = #tpu.dot_dimension_numbers<[1], [0], [0], [1], [0, 0, 1, 1], [], []>, transpose_lhs_hint = false} : vector<2000x128xf32>, vector<128x128xf32>, vector<2000x128xf32> -> vector<2000x128xf32>
    %slice3A_20 = vector.extract_strided_slice %get3A_15 {offsets = [128, 0], sizes = [128, 128], strides = [1, 1]} : vector<256x128xf32> to vector<128x128xf32>
    %dot_general3A_21 = arith.constant dense<0.000000e+00> : vector<2000x128xf32>
    %dot_general3A_22 = tpu.matmul %add3A_12, %slice3A_20, %dot_general3A_21 {dimension_numbers = #tpu.dot_dimension_numbers<[1], [0], [0], [1], [0, 0, 1, 1], [], []>, transpose_lhs_hint = false} : vector<2000x128xf32>, vector<128x128xf32>, vector<2000x128xf32> -> vector<2000x128xf32>
    %add3A_23 = arith.addf %dot_general3A_19, %dot_general3A_22 : vector<2000x128xf32>
    %get3A_24 = arith.constant 0 : index
    %get3A_25 = arith.constant 0 : index
    %get3A_26 = vector.load %arg7[%get3A_24, %get3A_25] : memref<1x128xf32, #tpu.memory_space<vmem>>, vector<1x128xf32>
    %add3A_27 = vector.broadcast %get3A_26 : vector<1x128xf32> to vector<2000x128xf32>
    %add3A_28 = arith.addf %add3A_23, %add3A_27 : vector<2000x128xf32>
    %logistic3A = arith.negf %add3A_28 : vector<2000x128xf32>
    %logistic3A_29 = math.exp %logistic3A : vector<2000x128xf32>
    %logistic3A_30 = arith.constant 1.000000e+00 : f32
    %logistic3A_31 = vector.broadcast %logistic3A_30 : f32 to vector<2000x128xf32>
    %logistic3A_32 = arith.addf %logistic3A_31, %logistic3A_29 : vector<2000x128xf32>
    %logistic3A_33 = arith.divf %logistic3A_31, %logistic3A_32 : vector<2000x128xf32>
    %mul3A = arith.mulf %add3A_28, %logistic3A_33 : vector<2000x128xf32>
    %get3A_34 = arith.constant 0 : index
    %get3A_35 = arith.constant 0 : index
    %get3A_36 = vector.load %arg8[%get3A_34, %get3A_35] : memref<128x128xf32, #tpu.memory_space<vmem>>, vector<128x128xf32>
    %dot_general3A_37 = arith.constant dense<0.000000e+00> : vector<2000x128xf32>
    %dot_general3A_38 = tpu.matmul %mul3A, %get3A_36, %dot_general3A_37 {dimension_numbers = #tpu.dot_dimension_numbers<[1], [0], [0], [1], [0, 0, 1, 1], [], []>, transpose_lhs_hint = false} : vector<2000x128xf32>, vector<128x128xf32>, vector<2000x128xf32> -> vector<2000x128xf32>
    %get3A_39 = arith.constant 0 : index
    %get3A_40 = arith.constant 0 : index
    %get3A_41 = vector.load %arg9[%get3A_39, %get3A_40] : memref<1x128xf32, #tpu.memory_space<vmem>>, vector<1x128xf32>
    %add3A_42 = vector.broadcast %get3A_41 : vector<1x128xf32> to vector<2000x128xf32>
    %add3A_43 = arith.addf %dot_general3A_38, %add3A_42 : vector<2000x128xf32>
    %swap3A = arith.constant 0 : index
    %swap3A_44 = arith.constant 0 : index
    %swap3A_45 = vector.load %arg10[%swap3A, %swap3A_44] : memref<2000x128xf32, #tpu.memory_space<vmem>>, vector<2000x128xf32>
    tpu.vector_store %arg10[%swap3A, %swap3A_44], %add3A_43 {strides = array<i32>} : memref<2000x128xf32, #tpu.memory_space<vmem>>, vector<2000x128xf32>,
    return
  }
  func.func @transform_0(%arg0: i32) -> (i32, i32) {
    %c0_i32 = arith.constant 0 : i32
    %c0_i32_0 = arith.constant 0 : i32
    return %arg0, %c0_i32 : i32, i32
  }
  func.func @transform_1(%arg0: i32) -> (i32, i32) {
    %c0_i32 = arith.constant 0 : i32
    %c0_i32_0 = arith.constant 0 : i32
    return %arg0, %c0_i32 : i32, i32
  }
  func.func @transform_2(%arg0: i32) -> (i32, i32) {
    %c0_i32 = arith.constant 0 : i32
    %c0_i32_0 = arith.constant 0 : i32
    return %arg0, %c0_i32 : i32, i32
  }
  func.func @transform_3(%arg0: i32) -> (i32, i32) {
    %c0_i32 = arith.constant 0 : i32
    %c0_i32_0 = arith.constant 0 : i32
    return %arg0, %c0_i32 : i32, i32
  }
  func.func @transform_4(%arg0: i32) -> (i32, i32) {
    %c0_i32 = arith.constant 0 : i32
    %c0_i32_0 = arith.constant 0 : i32
    return %arg0, %c0_i32 : i32, i32
  }
  func.func @transform_5(%arg0: i32) -> (i32, i32) {
    %c0_i32 = arith.constant 0 : i32
    %c0_i32_0 = arith.constant 0 : i32
    %c0_i32_1 = arith.constant 0 : i32
    return %c0_i32, %c0_i32_0 : i32, i32
  }
  func.func @transform_6(%arg0: i32) -> (i32, i32) {
    %c0_i32 = arith.constant 0 : i32
    %c0_i32_0 = arith.constant 0 : i32
    %c0_i32_1 = arith.constant 0 : i32
    return %c0_i32, %c0_i32_0 : i32, i32
  }
  func.func @transform_7(%arg0: i32) -> (i32, i32) {
    %c0_i32 = arith.constant 0 : i32
    %c0_i32_0 = arith.constant 0 : i32
    %c0_i32_1 = arith.constant 0 : i32
    return %c0_i32, %c0_i32_0 : i32, i32
  }
  func.func @transform_8(%arg0: i32) -> (i32, i32) {
    %c0_i32 = arith.constant 0 : i32
    %c0_i32_0 = arith.constant 0 : i32
    %c0_i32_1 = arith.constant 0 : i32
    return %c0_i32, %c0_i32_0 : i32, i32
  }
  func.func @transform_9(%arg0: i32) -> (i32, i32) {
    %c0_i32 = arith.constant 0 : i32
    %c0_i32_0 = arith.constant 0 : i32
    return %arg0, %c0_i32 : i32, i32
  }
}

</mosaic_0001>

<sc_bundles>
// kernel: kernel.10.cloned.1.call-start
scs
__scs_entry_jumppad:
0x0: {  	(pc) =	sbr.rel $0x88, $3  }
0x1: {  	(tag) =	ssettag $0x0;
	lr =	simm.s32 $0x1  }
0x2: {  	[smem:$0x3F96] =	sst lr;
	_ =	strace $0xD0000000  }
0x3: {  	_ = 	snop  }
0x4: {  	_ = 	snop  }
0x5: {  	_ = 	snop  }
0x6: {  	_ = 	snop  }
0x7: {  	_ = 	snop  }
__scs_overlays_trampoline_lowered:
0x8: {  	[smem:$0x3FA5] =	sst s0  }
0x9: {  	[smem:$0x3FA6] =	sst s1  }
0xa: {  	[smem:$0x3FA7] =	sst s2  }
0xb: {  	[smem:$0x3FA8] =	sst s3  }
0xc: {  	[smem:$0x3FA9] =	sst s4  }
0xd: {  	[smem:$0x3FAA] =	sst s5  }
0xe: {  	[smem:$0x3FAB] =	sst s6  }
0xf: {  	[smem:$0x3FAC] =	sst s7  }
0x10: {  	[smem:$0x3FAD] =	sst s8  }
0x11: {  	[smem:$0x3FAE] =	sst s9;
	s0 =	simm.s32 @!p0 $0x0  }
0x12: {  	s1 =	sld [smem:$0x3F94];
	s0 =	simm.s32 @p0 $0x1  }
0x13: {  	[smem:$0x3FAF] =	sst s0;
	s0 =	simm.s32 @!p1 $0x0  }
0x14: {  	s2 =	sld [smem:$0x3F93];
	s0 =	simm.s32 @p1 $0x1  }
0x15: {  	[smem:$0x3FB0] =	sst s0;
	s0 =	simm.s32 @!p2 $0x0  }
0x16: {  	s3 =	sld [smem:$0x3FDB];
	s0 =	simm.s32 @p2 $0x1  }
0x17: {  	s4 =	simm.s32 $0x1BF5;
	[smem:$0x3FB2] =	sst s0  }
0x18: {  	s0 =	sld [smem:$0x3F95];
	_ =	swait.ge [sflag:s4], $0x0  }
0x19: {  	s7 =	sld [smem:$0x3F96]  }
0x1a: {  	s8 =	sadd.s32 $0xFFFFE003, lr  }
0x1b: {  	s9 =	sadd.s32 $0xFFFFFEF7, lr;
	s5 =	simm.s32 $0xFFFFFFFF;
	p2 =	slt.u32 s8, $0xFFFFF086  }
0x1c: {  	p1 =	slt.u32 s9, $0xF7A;
	s5 =	simm.s32 @!p2 $0x0  }
0x1d: {  	s5 =	simm.s32 @p1 $0x1;
	p0 =	seq.s32 s7, s2  }
0x1e: {  	s7 =	smul.u32 @!p0 $0xF7A, s2;
	p2 =	seq.s32 @!p0 s5, $0x0  }
0x1f: {  	s9 =	smul.u32 $0xF7A, s1;
	s8 =	simm.s32 @!p0 $0x1BF5;
	p2 =	por !p2, p0  }
0x20: {  	[sflag:s8] =	ssyncset.s32 @!p0 $0xFFFFF086;
	s6 =	sadd.s32 @!p0 s3, s7;
	s7 =	simm.s32 @!p0 $0x108  }
0x21: {  	s3 =	sadd.s32 s3, s9;
	s6 =	sadd.s32 @!p0 $0x88, s6;
	s7 =	simm.s32 @p2 $0x1082  }
0x22: {  	[simem:s7], [sflag:s8] =	dma.local @!p0 [hbm:s6], $0xF7A  }
0x23: {  	s9 =	sor.u32 $0xD0000000, s2;
	s6 =	simm.s32 $0x108;
	_ =	swait.ge @!p0 [sflag:s8], $0x0  }
0x24: {  	s3 =	sadd.s32 $0x88, s3;
	s6 =	simm.s32 @!p1 $0x1082;
	[sflag:s4] =	ssyncset.s32 $0xFFFFF086  }
0x25: {  	[simem:s6], [sflag:s4] =	dma.local [hbm:s3], $0xF7A  }
0x26: {  	[smem:$0x3F96] =	sst s1;
	(tag) =	ssettag s2;
	_ =	strace s9  }
0x27: {  	s1 =	sld [smem:$0x3FA6]  }
0x28: {  	s2 =	sld [smem:$0x3FA7]  }
0x29: {  	s4 =	sld [smem:$0x3FA9]  }
0x2a: {  	p0 =	seq.s32 s5, $0x0;
	s5 =	sld [smem:$0x3FAA]  }
0x2b: {  	s6 =	sld [smem:$0x3FAB]  }
0x2c: {  	s7 =	sld [smem:$0x3FAC]  }
0x2d: {  	s3 =	simm.s32 $0x108;
	s8 =	sld [smem:$0x3FAD]  }
0x2e: {  	s3 =	simm.s32 @!p0 $0x1082;
	s9 =	sld [smem:$0x3FAE]  }
0x2f: {  	lr =	sadd.s32 s0, s3;
	s0 =	sld [smem:$0x3FA5]  }
0x30: {  	s3 =	sld [smem:$0x3FA8]  }
0x31: {  	[smem:$0x3FB1] =	sst s10  }
0x32: {  	s10 =	sld [smem:$0x3FAF];
	_ =	sdelay $0x3  }
0x33: {  	p0 =	seq.s32 s10, $0x1;
	s10 =	sld [smem:$0x3FB1];
	_ =	sdelay $0x3  }
0x34: {  	[smem:$0x3FB1] =	sst s10  }
0x35: {  	s10 =	sld [smem:$0x3FB0];
	_ =	sdelay $0x3  }
0x36: {  	p1 =	seq.s32 s10, $0x1;
	s10 =	sld [smem:$0x3FB1];
	_ =	sdelay $0x3  }
0x37: {  	[smem:$0x3FB1] =	sst s10  }
0x38: {  	s10 =	sld [smem:$0x3FB2]  }
0x39: {  	_ = 	snop;
	(pc) =	sbr.ind lr, $3  }
0x3a: {  	_ = 	snop  }
0x3b: {  	_ = 	snop  }
0x3c: {  	p2 =	seq.s32 s10, $0x1;
	s10 =	sld [smem:$0x3FB1]  }
0x3d: {  	_ =	shalt  }
0x3e: {  	_ =	shalt  }
0x3f: {  	_ =	shalt  }
0x40: {  	_ =	shalt  }
0x41: {  	_ =	shalt  }
0x42: {  	_ =	shalt  }
0x43: {  	_ =	shalt  }
0x44: {  	_ =	shalt  }
0x45: {  	_ =	shalt  }
0x46: {  	_ =	shalt  }
0x47: {  	_ =	shalt  }
0x48: {  	_ =	shalt  }
0x49: {  	_ =	shalt  }
0x4a: {  	_ =	shalt  }
0x4b: {  	_ =	shalt  }
0x4c: {  	_ =	shalt  }
0x4d: {  	_ =	shalt  }
0x4e: {  	_ =	shalt  }
0x4f: {  	_ =	shalt  }
0x50: {  	_ =	shalt  }
0x51: {  	_ =	shalt  }
0x52: {  	_ =	shalt  }
0x53: {  	_ =	shalt  }
0x54: {  	_ =	shalt  }
0x55: {  	_ =	shalt  }
0x56: {  	_ =	shalt  }
0x57: {  	_ =	shalt  }
0x58: {  	_ =	shalt  }
0x59: {  	_ =	shalt  }
0x5a: {  	_ =	shalt  }
0x5b: {  	_ =	shalt  }
0x5c: {  	_ =	shalt  }
0x5d: {  	_ =	shalt  }
0x5e: {  	_ =	shalt  }
0x5f: {  	_ =	shalt  }
0x60: {  	_ =	shalt  }
0x61: {  	_ =	shalt  }
0x62: {  	_ =	shalt  }
0x63: {  	_ =	shalt  }
0x64: {  	_ =	shalt  }
0x65: {  	_ =	shalt  }
0x66: {  	_ =	shalt  }
0x67: {  	_ =	shalt  }
0x68: {  	_ =	shalt  }
0x69: {  	_ =	shalt  }
0x6a: {  	_ =	shalt  }
0x6b: {  	_ =	shalt  }
0x6c: {  	_ =	shalt  }
0x6d: {  	_ =	shalt  }
0x6e: {  	_ =	shalt  }
0x6f: {  	_ =	shalt  }
0x70: {  	_ =	shalt  }
0x71: {  	_ =	shalt  }
0x72: {  	_ =	shalt  }
0x73: {  	_ =	shalt  }
0x74: {  	_ =	shalt  }
0x75: {  	_ =	shalt  }
0x76: {  	_ =	shalt  }
0x77: {  	_ =	shalt  }
0x78: {  	_ =	shalt  }
0x79: {  	_ =	shalt  }
0x7a: {  	_ =	shalt  }
0x7b: {  	_ =	shalt  }
0x7c: {  	_ =	shalt  }
0x7d: {  	_ =	shalt  }
0x7e: {  	_ =	shalt  }
0x7f: {  	_ =	shalt  }
0x80: {  	_ =	shalt  }
0x81: {  	_ =	shalt  }
0x82: {  	_ =	shalt  }
0x83: {  	_ =	shalt  }
0x84: {  	_ =	shalt  }
0x85: {  	_ =	shalt  }
0x86: {  	_ =	shalt  }
0x87: {  	_ =	shalt  }
.Lfunc_end0:
.L_simem_size_0:
called_computation_lowered:
.L_overlay_start_0:
0x88: {  	s2 =	sld [smem:$0x3FD9]  }
0x89: {  	s3 =	sld [smem:$0x3FFE];
	_ =	sdelay $0x1  }
0x8a: {  	s1 =	srdreg.scid  }
0x8b: {  	s0 =	sand.u32 $0x1, s1  }
0x8c: {  	s17 =	sshll.u32 s0, $0xA;
	s2 =	sadd.s32 s3, s2  }
0x8d: {  	s2 =	sadd.s32 s2, s17  }
0x8e: {  	[smem:$0x3FBD] =	sst s2  }
0x8f: {  	_ = 	snop  }
0x90: {  	s18 =	sld [smem:$0x3FD0];
	(tm) =	ssettm $0x1  }
0x91: {  	s19 =	sld [smem:$0x3FFB];
	_ =	sdelay $0x3  }
0x92: {  	_ =	strace s19  }
0x93: {  	s2 =	sld [smem:$0x3FFC];
	_ =	sdelay $0x3  }
0x94: {  	_ =	strace s2  }
0x95: {  	s2 =	sld [smem:$0x3FFD];
	_ =	sdelay $0x3  }
0x96: {  	_ =	strace s2  }
0x97: {  	_ =	strace $0x8FFFFFFF  }
0x98: {  	s20 =	sld [smem:$0x3FDB];
	_ =	sdelay $0x1  }
0x99: {  	s4 =	simm.s32 $_scs_section_size  }
0x9a: {  	s5 =	simm.s32 $_size__tile_overlayer_lowered;
	s6 =	simm.s32 $_tile_overlayer_lowered  }
0x9b: {  	s7 =	simm.s32 $0x1BFF;
	s21 =	sshll.u32 s6, $0x1;
	s4 =	sadd.s32 s4, s20  }
0x9c: {  	s22 =	simm.s32 $0x0;
	s5 =	sshll.u32 s5, $0x1;
	s6 =	sadd.s32 s21, s4  }
0x9d: {  	[timem:s22], [sflag:s7] =	dma.local [hbm:s6], s5  }
0x9e: {  	_ =	swait.ge [sflag:s7], s5  }
0x9f: {  	s5 =	ssub.s32 $0x0, s5;
	[sflag:s7] =	ssyncset.done $0x0  }
0xa0: {  	[sflag:s7] =	ssyncadd.s32 s5;
	_ =	sdelay $0x1  }
0xa1: {  	s23 =	simm.s32 $0x1B8B  }
0xa2: {  	_ =	swait.ge [sflag:s23], $0x1  }
0xa3: {  	[sflag:s23] =	ssyncset.done $0x0  }
0xa4: {  	[sflag:s23] =	ssyncadd.s32 $0xFFFFFFFF  }
0xa5: {  	s5 =	sld [smem:$0x0]  }
0xa6: {  	s6 =	sand.u32 $0xFFFFFFFE, s1  }
0xa7: {  	p0 =	sne.s32 s1, s6  }
0xa8: {  	s6 =	sshll.u32 @p0 s6, $0xE  }
0xa9: {  	s6 =	sadd.s32 @p0 $0x11B8D, s6;
	s7 =	sshll.u32 @p0 s5, $0x11  }
0xaa: {  	s6 =	sor.u32 @p0 s7, s6  }
0xab: {  	[sflag:s6] =	ssyncadd.remote.s32 @p0 $0x1;
	_ =	sdelay $0x1  }
0xac: {  	s6 =	simm.s32 @p0 $0x1B8D  }
0xad: {  	_ =	swait.eq @p0 [sflag:s6], $0x1  }
0xae: {  	[sflag:s6] =	ssyncadd.s32 @p0 $0xFFFFFFFF  }
0xaf: {  	s7 =	sshll.u32 @!p0 s1, $0xE  }
0xb0: {  	s7 =	sor.u32 @!p0 $0x4000, s7;
	s6 =	simm.s32 @!p0 $0x1B8D  }
0xb1: {  	s5 =	sshll.u32 @!p0 s5, $0x11;
	s7 =	sadd.s32 @!p0 $0x11B8D, s7;
	_ =	swait.eq @!p0 [sflag:s6], $0x1  }
0xb2: {  	s5 =	sor.u32 @!p0 s5, s7;
	[sflag:s6] =	ssyncadd.s32 @!p0 $0xFFFFFFFF  }
0xb3: {  	s25 =	simm.s32 $0x1B8E;
	s24 =	sld [smem:$0x3FFE];
	[sflag:s5] =	ssyncadd.remote.s32 @!p0 $0x1  }
0xb4: {  	s26 =	simm.s32 $execute0_lowered;
	[smem:$0x3FD2] =	sst s25  }
0xb5: {  	s6 =	sshll.u32 s26, $0x1;
	_ =	strace $0x80000049;
	[dreg:$0x1] =	wrdreg $0xFFFFFFFF  }
0xb6: {  	s28 =	simm.s32 $_size_execute0_lowered;
	s4 =	sadd.s32 s4, s6;
	[dreg:$0x0] =	wrdreg $0x0  }
0xb7: {  	s6 =	sshll.u32 s28, $0x1;
	[dreg:$0x2] =	wrdreg s4  }
0xb8: {  	[dreg:$0x3] =	wrdreg s6  }
0xb9: {  	[dreg:$0x4] =	wrdreg $0xC0  }
0xba: {  	_ =	task [dreg:s22], $0x5FFFF  }
0xbb: {  	[dreg:$0x1] =	wrdreg $0xFFFFFFFF  }
0xbc: {  	[dreg:$0x0] =	wrdreg $0x60  }
0xbd: {  	[dreg:$0x2] =	wrdreg s18  }
0xbe: {  	[dreg:$0x3] =	wrdreg s24  }
0xbf: {  	[dreg:$0x4] =	wrdreg $0x9  }
0xc0: {  	_ =	task.clear_ibuf [dreg:s22], $0x5FFFF;
	_ =	strace $0x90000049  }
0xc1: {  	s29 =	simm.s32 $0x9;
	_ =	strace $0x8000004B  }
0xc2: {  	_ =	swait.ge [sflag:s29], $0x1  }
0xc3: {  	[sflag:s29] =	ssyncadd.s32 $0xFFFFFFFF  }
0xc4: {  	_ =	strace $0x9000004B  }
0xc5: {  	_ =	sfence  }
0xc6: {  	s30 =	sld [smem:$0x0];
	_ =	sdelay $0x2  }
0xc7: {  	s31 =	sshll.u32 s1, $0xD;
	s1 =	sshrl.u32 s1, $0x2  }
0xc8: {  	s4 =	sand.u32 $0x4000, s31;
	s1 =	sadd.s32 s1, s30  }
0xc9: {  	s0 =	sor.u32 s4, s0;
	s1 =	sshll.u32 s1, $0x11  }
0xca: {  	s0 =	sor.u32 s1, s0  }
0xcb: {  	s0 =	sadd.s32 $0x8F2B, s0  }
0xcc: {  	[sflag:s0] =	ssyncadd.remote.s32 $0x1  }
0xcd: {  	_ =	sfence.sel $0xFFFF  }
0xce: {  	[dreg:$0x0] =	wrdreg $0xFFFFFFFF;
	(pc) =	sbr.abs _section_cstart, $3  }
0xcf: {  	[dreg:$0x1] =	wrdreg $0xFFFFFFFF  }
0xd0: {  	_ =	task.clear_ibuf [dreg:s22], $0x2FFFF;
	_ =	strace $0x9FFFFFFF  }
0xd1: {  	(tm) =	ssettm $0x7FFFFFFF  }
tec
execute0_lowered:
.L_overlay_start_1:
0x0: {  	(tag) =	ssettag $0x1  }
0x1: {  	s2 =	rddreg [dreg:$0x0]  }
0x2: {  	s0 =	rddreg [dreg:$0x1]  }
0x3: {  	s1 =	srdreg.scid;
	s11 =	stileid.u32;
	s3 =	simm.s32 $0x0  }
0x4: {  	s14 =	simm.s32 $0xC8;
	s28 =	simm.s32 $0x6720;
	s29 =	simm.s32 $0x9920  }
0x5: {  	s30 =	simm.s32 $0x9;
	s31 =	simm.s32 $0xA;
	s10 =	smul.u32 $0x27100, s11  }
0x6: {  	s1 =	sand.u32 $0x1, s1;
	s4 =	sshll.u32 s11, $0x1;
	s16 =	smul.u32 $0x2710, s11  }
0x7: {  	[smem:$0x7FF] =	sst s3;
	s6 =	sadd.s32 $0x3000, s0;
	s17 =	smul.u32 $0x1388, s1  }
0x8: {  	s4 =	sor.u32 s1, s4;
	s7 =	ssub.s32 $0x2, s1;
	s1 =	smul.u32 $0x13880, s1  }
0x9: {  	_ =	strace $0x8000004A;
	s5 =	smul.u32 $0x1388, s4;
	s8 =	sshrl.u32 s7, $0x1  }
0xa: {  	s4 =	sadd.s32 $0x16A00, s0;
	s0 =	sadd.s32 $0x29B400, s0;
	s7 =	ssub.s32 s7, s8  }
0xb: {  	s19 =	sadd.s32 s17, s16;
	s16 =	simm.s32 $0x6658;
	s17 =	simm.s32 $0x1  }
0xc: {  	s9 =	sadd.s32 $0x12C0, s5;
	s5 =	sshrl.u32 s5, $0x3;
	s7 =	smax.u32 s7, $0x1  }
0xd: {  	s20 =	sadd.s32 $0xC8, s19;
	s22 =	sadd.s32 $0x4E2C8, s19;
	s24 =	sadd.s32 $0x4E200, s19  }
0xe: {  	s25 =	sshrl.u32 s19, $0x3;
	s19 =	simm.s32 $0x190;
	s15 =	sshrl.u32 s9, $0x3  }
0xf: {  	s5 =	sadd.s32 s6, s5;
	s9 =	sshll.u32 s9, $0x4;
	[dreg:$0x8] =	wrdreg s7  }
0x10: {  	s21 =	sshrl.u32 s20, $0x3;
	s23 =	sshrl.u32 s22, $0x3;
	s8 =	sadd.s32 s6, s15  }
0x11: {  	s20 =	simm.s32 $0x3390;
	s5 =	sadd.s32 $0x9E98, s5;
	[dreg:$0x4] =	wrdreg s8  }
0x12: {  	s22 =	simm.s32 $0x8;
	s18 =	sadd.s32 s0, s9;
	[dreg:$0x5] =	wrdreg s5  }
0x13: {  	s0 =	sadd.s32 s10, s0;
	s15 =	simm.s32 $0x6590;
	[dreg:$0x6] =	wrdreg s18  }
0x14: {  	s5 =	sadd.s32 $0x8, s18;
	s0 =	sadd.s32 s1, s0;
	s1 =	sshrl.u32 s24, $0x3  }
0x15: {  	s18 =	simm.s32 $0x2;
	s24 =	simm.s32 $0x4;
	[dreg:$0x7] =	wrdreg s5  }
0x16: {  	s8 =	simm.s32 $0x0;
	[dreg:$0x3] =	wrdreg s0;
	s0 =	sadd.s32 s21, s6  }
0x17: {  	s26 =	sadd.s32 s1, s6;
	s21 =	simm.s32 $0x7;
	s1 =	simm.s32 $0x6  }
0x18: {  	s5 =	simm.s32 $0xB;
	[dreg:$0x9] =	wrdreg s0;
	s0 =	sadd.s32 s23, s6  }
0x19: {  	[dreg:$0xc] =	wrdreg s26;
	s23 =	simm.s32 $0x3;
	s26 =	simm.s32 $0x80  }
0x1a: {  	[dreg:$0xa] =	wrdreg s0;
	s0 =	sadd.s32 s25, s6;
	s25 =	simm.s32 $0x40  }
0x1b: {  	s6 =	simm.s32 $0xC;
	[dreg:$0xb] =	wrdreg s0;
	s0 =	simm.s32 $0x5  }
.LBB2_1:
0x1c: {  	[dreg:$0xd] =	wrdreg s8  }
0x1d: {  	s8 =	rddreg [dreg:$0xb]  }
0x1e: {  	[tilespmem:s3], [sflag:$0x1] =	stream.linear.gather [hbm4b:s8+s3], $0xC8, $0x38;
	[tilespmem:$0xCB20] =	vst v63  }
0x1f: {  	s10 =	rddreg [dreg:$0xc]  }
0x20: {  	[tilespmem:s14], [sflag:$0x2] =	stream.linear.gather [hbm4b:s10+s3], $0xC8, $0x38;
	[tilespmem:$0xCB20] =	vst v63  }
0x21: {  	s11 =	rddreg [dreg:$0x9]  }
0x22: {  	[tilespmem:s15], [sflag:$0x7] =	stream.linear.gather [hbm4b:s11+s3], $0xC8, $0x38;
	[tilespmem:$0xCB20] =	vst v63  }
0x23: {  	s12 =	rddreg [dreg:$0xa]  }
0x24: {  	[tilespmem:s16], [sflag:$0x8] =	stream.linear.gather [hbm4b:s12+s3], $0xC8, $0x38;
	[tilespmem:$0xCB20] =	vst v63  }
0x25: {  	_ =	swait.ge [sflag:s17], $0xC8  }
0x26: {  	[sflag:s17] =	ssyncset.done $0x0  }
0x27: {  	[sflag:s17] =	ssyncadd.s32 $0xFFFFFF38  }
0x28: {  	_ =	swait.ge [sflag:s18], $0xC8  }
0x29: {  	[sflag:s18] =	ssyncset.done $0x0  }
0x2a: {  	[sflag:s18] =	ssyncadd.s32 $0xFFFFFF38  }
0x2b: {  	[tilespmem:s19], [sflag:$0x3] =	stream.indirect.gather [hbm4b:s2+s14], $0x40, s3, s14, $0xb8;
	[tilespmem:$0xCB20] =	vst v63  }
0x2c: {  	_ = 	snop  }
0x2d: {  	[tilespmem:s20], [sflag:$0x4] =	stream.indirect.gather [hbm4b:s4+s14], $0x40, s14, s14, $0xb8;
	[tilespmem:$0xCB20] =	vst v63  }
0x2e: {  	_ =	swait.ge [sflag:s21], $0xC8  }
0x2f: {  	[sflag:s21] =	ssyncset.done $0x0  }
0x30: {  	[sflag:s21] =	ssyncadd.s32 $0xFFFFFF38  }
0x31: {  	_ =	swait.ge [sflag:s22], $0xC8  }
0x32: {  	[sflag:s22] =	ssyncset.done $0x0  }
0x33: {  	[sflag:s22] =	ssyncadd.s32 $0xFFFFFF38  }
0x34: {  	_ =	swait.ge [sflag:s23], $0x3200  }
0x35: {  	[sflag:s23] =	ssyncset.done $0x0  }
0x36: {  	[sflag:s23] =	ssyncadd.s32 $0xFFFFCE00  }
0x37: {  	_ =	swait.ge [sflag:s24], $0x3200  }
0x38: {  	s7 =	rddreg [dreg:$0x3];
	[sflag:s24] =	ssyncset.done $0x0  }
0x39: {  	[sflag:s24] =	ssyncadd.s32 $0xFFFFCE00;
	s7 =	sadd.s32 $0x0, s7  }
0x3a: {  	[hbm4b:s7+s25] =	stream.strided.scatter [tilespmem:s19], [sflag:$0x5], $0x3200, s26, s25, $0x38;
	[tilespmem:$0xCB20] =	vst v63  }
0x3b: {  	s9 =	sadd.s32 $0x8, s7  }
0x3c: {  	[hbm4b:s9+s25] =	stream.strided.scatter [tilespmem:s20], [sflag:$0x6], $0x3200, s26, s25, $0x38;
	[tilespmem:$0xCB20] =	vst v63  }
0x3d: {  	_ = 	snop  }
0x3e: {  	[tilespmem:s28], [sflag:$0x9] =	stream.indirect.gather [hbm4b:s2+s14], $0x40, s15, s14, $0xb8;
	[tilespmem:$0xCB20] =	vst v63  }
0x3f: {  	_ = 	snop  }
0x40: {  	[tilespmem:s29], [sflag:$0xA] =	stream.indirect.gather [hbm4b:s4+s14], $0x40, s16, s14, $0xb8;
	[tilespmem:$0xCB20] =	vst v63  }
0x41: {  	_ =	swait.ge [sflag:s30], $0x3200  }
0x42: {  	[sflag:s30] =	ssyncset.done $0x0  }
0x43: {  	[sflag:s30] =	ssyncadd.s32 $0xFFFFCE00  }
0x44: {  	_ =	swait.ge [sflag:s31], $0x3200  }
0x45: {  	[sflag:s31] =	ssyncset.done $0x0  }
0x46: {  	s13 =	sadd.s32 $0xC80, s7;
	[sflag:s31] =	ssyncadd.s32 $0xFFFFCE00  }
0x47: {  	[hbm4b:s13+s25] =	stream.strided.scatter [tilespmem:s28], [sflag:$0xB], $0x3200, s26, s25, $0x38;
	[tilespmem:$0xCB20] =	vst v63  }
0x48: {  	s7 =	sadd.s32 $0xC88, s7  }
0x49: {  	[hbm4b:s7+s25] =	stream.strided.scatter [tilespmem:s29], [sflag:$0xC], $0x3200, s26, s25, $0x38;
	[tilespmem:$0xCB20] =	vst v63  }
0x4a: {  	_ =	swait.ge [sflag:s0], $0x3200  }
0x4b: {  	[sflag:s0] =	ssyncset.done $0x0  }
0x4c: {  	[sflag:s0] =	ssyncadd.s32 $0xFFFFCE00  }
0x4d: {  	_ =	swait.ge [sflag:s1], $0x3200  }
0x4e: {  	[sflag:s1] =	ssyncset.done $0x0  }
0x4f: {  	[sflag:s1] =	ssyncadd.s32 $0xFFFFCE00  }
0x50: {  	_ =	swait.ge [sflag:s5], $0x3200  }
0x51: {  	[sflag:s5] =	ssyncset.done $0x0  }
0x52: {  	[sflag:s5] =	ssyncadd.s32 $0xFFFFCE00  }
0x53: {  	s10 =	sadd.s32 $0x32, s10;
	_ =	swait.ge [sflag:s6], $0x3200  }
0x54: {  	s9 =	simm.s32 $0x1900;
	s7 =	sadd.s32 $0x32, s8;
	[sflag:s6] =	ssyncset.done $0x0  }
.LBB2_2:
0x55: {  	[sflag:s6] =	ssyncadd.s32 $0xFFFFCE00  }
0x56: {  	[tilespmem:s3], [sflag:$0x1] =	stream.linear.gather [hbm4b:s7+s3], $0xC8, $0x38;
	[tilespmem:$0xCB20] =	vst v63  }
0x57: {  	_ = 	snop  }
0x58: {  	[tilespmem:s14], [sflag:$0x2] =	stream.linear.gather [hbm4b:s10+s3], $0xC8, $0x38;
	[tilespmem:$0xCB20] =	vst v63  }
0x59: {  	s11 =	sadd.s32 $0x32, s11  }
0x5a: {  	[tilespmem:s15], [sflag:$0x7] =	stream.linear.gather [hbm4b:s11+s3], $0xC8, $0x38;
	[tilespmem:$0xCB20] =	vst v63  }
0x5b: {  	s12 =	sadd.s32 $0x32, s12  }
0x5c: {  	[tilespmem:s16], [sflag:$0x8] =	stream.linear.gather [hbm4b:s12+s3], $0xC8, $0x38;
	[tilespmem:$0xCB20] =	vst v63  }
0x5d: {  	_ =	swait.ge [sflag:s17], $0xC8  }
0x5e: {  	[sflag:s17] =	ssyncset.done $0x0  }
0x5f: {  	[sflag:s17] =	ssyncadd.s32 $0xFFFFFF38  }
0x60: {  	_ =	swait.ge [sflag:s18], $0xC8  }
0x61: {  	[sflag:s18] =	ssyncset.done $0x0  }
0x62: {  	[sflag:s18] =	ssyncadd.s32 $0xFFFFFF38  }
0x63: {  	[tilespmem:s19], [sflag:$0x3] =	stream.indirect.gather [hbm4b:s2+s14], $0x40, s3, s14, $0xb8;
	[tilespmem:$0xCB20] =	vst v63  }
0x64: {  	_ = 	snop  }
0x65: {  	[tilespmem:s20], [sflag:$0x4] =	stream.indirect.gather [hbm4b:s4+s14], $0x40, s14, s14, $0xb8;
	[tilespmem:$0xCB20] =	vst v63  }
0x66: {  	_ =	swait.ge [sflag:s21], $0xC8  }
0x67: {  	[sflag:s21] =	ssyncset.done $0x0  }
0x68: {  	[sflag:s21] =	ssyncadd.s32 $0xFFFFFF38  }
0x69: {  	_ =	swait.ge [sflag:s22], $0xC8  }
0x6a: {  	[sflag:s22] =	ssyncset.done $0x0  }
0x6b: {  	[sflag:s22] =	ssyncadd.s32 $0xFFFFFF38  }
0x6c: {  	_ =	swait.ge [sflag:s23], $0x3200  }
0x6d: {  	[sflag:s23] =	ssyncset.done $0x0  }
0x6e: {  	[sflag:s23] =	ssyncadd.s32 $0xFFFFCE00  }
0x6f: {  	_ =	swait.ge [sflag:s24], $0x3200  }
0x70: {  	s13 =	smov.u32 s9;
	s8 =	rddreg [dreg:$0x3];
	[sflag:s24] =	ssyncset.done $0x0  }
0x71: {  	[sflag:s24] =	ssyncadd.s32 $0xFFFFCE00;
	s8 =	sadd.s32 s13, s8  }
0x72: {  	[hbm4b:s8+s25] =	stream.strided.scatter [tilespmem:s19], [sflag:$0x5], $0x3200, s26, s25, $0x38;
	[tilespmem:$0xCB20] =	vst v63  }
0x73: {  	s13 =	sadd.s32 $0x8, s8  }
0x74: {  	[hbm4b:s13+s25] =	stream.strided.scatter [tilespmem:s20], [sflag:$0x6], $0x3200, s26, s25, $0x38;
	[tilespmem:$0xCB20] =	vst v63  }
0x75: {  	_ = 	snop  }
0x76: {  	[tilespmem:s28], [sflag:$0x9] =	stream.indirect.gather [hbm4b:s2+s14], $0x40, s15, s14, $0xb8;
	[tilespmem:$0xCB20] =	vst v63  }
0x77: {  	_ = 	snop  }
0x78: {  	[tilespmem:s29], [sflag:$0xA] =	stream.indirect.gather [hbm4b:s4+s14], $0x40, s16, s14, $0xb8;
	[tilespmem:$0xCB20] =	vst v63  }
0x79: {  	_ =	swait.ge [sflag:s30], $0x3200  }
0x7a: {  	[sflag:s30] =	ssyncset.done $0x0  }
0x7b: {  	[sflag:s30] =	ssyncadd.s32 $0xFFFFCE00  }
0x7c: {  	_ =	swait.ge [sflag:s31], $0x3200  }
0x7d: {  	[sflag:s31] =	ssyncset.done $0x0  }
0x7e: {  	s13 =	sadd.s32 $0xC80, s8;
	[sflag:s31] =	ssyncadd.s32 $0xFFFFCE00  }
0x7f: {  	[hbm4b:s13+s25] =	stream.strided.scatter [tilespmem:s28], [sflag:$0xB], $0x3200, s26, s25, $0x38;
	[tilespmem:$0xCB20] =	vst v63  }
0x80: {  	s8 =	sadd.s32 $0xC88, s8  }
0x81: {  	[hbm4b:s8+s25] =	stream.strided.scatter [tilespmem:s29], [sflag:$0xC], $0x3200, s26, s25, $0x38;
	[tilespmem:$0xCB20] =	vst v63  }
0x82: {  	_ =	swait.ge [sflag:s0], $0x3200  }
0x83: {  	[sflag:s0] =	ssyncset.done $0x0  }
0x84: {  	[sflag:s0] =	ssyncadd.s32 $0xFFFFCE00  }
0x85: {  	_ =	swait.ge [sflag:s1], $0x3200  }
0x86: {  	[sflag:s1] =	ssyncset.done $0x0  }
0x87: {  	p0 =	sne.s32 s9, $0x11300;
	[sflag:s1] =	ssyncadd.s32 $0xFFFFCE00  }
.Ltmp0:
0x88: {  	_ =	swait.ge [sflag:s5], $0x3200;
	(pc) =	sbr.rel @p0 .LBB2_2-.Ltmp0, $4  }
0x89: {  	[sflag:s5] =	ssyncset.done $0x0  }
0x8a: {  	[sflag:s5] =	ssyncadd.s32 $0xFFFFCE00  }
0x8b: {  	s9 =	sadd.s32 $0x1900, s9;
	_ =	swait.ge [sflag:s6], $0x3200  }
0x8c: {  	s7 =	sadd.s32 $0x32, s7;
	s10 =	sadd.s32 $0x32, s10;
	[sflag:s6] =	ssyncset.done $0x0  }
0x8d: {  	[sflag:s6] =	ssyncadd.s32 $0xFFFFCE00;
	s7 =	rddreg [dreg:$0x4]  }
0x8e: {  	[tilespmem:s3], [sflag:$0x1] =	stream.linear.gather [hbm4b:s7+s3], $0xC8, $0x38;
	[tilespmem:$0xCB20] =	vst v63  }
0x8f: {  	s10 =	rddreg [dreg:$0x5]  }
0x90: {  	[tilespmem:s14], [sflag:$0x2] =	stream.linear.gather [hbm4b:s10+s3], $0xC8, $0x38;
	[tilespmem:$0xCB20] =	vst v63  }
0x91: {  	_ =	swait.ge [sflag:s17], $0xC8  }
0x92: {  	[sflag:s17] =	ssyncset.done $0x0  }
0x93: {  	[sflag:s17] =	ssyncadd.s32 $0xFFFFFF38  }
0x94: {  	_ =	swait.ge [sflag:s18], $0xC8  }
0x95: {  	[sflag:s18] =	ssyncset.done $0x0  }
0x96: {  	[sflag:s18] =	ssyncadd.s32 $0xFFFFFF38  }
0x97: {  	[tilespmem:s19], [sflag:$0x3] =	stream.indirect.gather [hbm4b:s2+s14], $0x40, s3, s14, $0xb8;
	[tilespmem:$0xCB20] =	vst v63  }
0x98: {  	_ = 	snop  }
0x99: {  	[tilespmem:s20], [sflag:$0x4] =	stream.indirect.gather [hbm4b:s4+s14], $0x40, s14, s14, $0xb8;
	[tilespmem:$0xCB20] =	vst v63  }
0x9a: {  	_ =	swait.ge [sflag:s23], $0x3200  }
0x9b: {  	[sflag:s23] =	ssyncset.done $0x0  }
0x9c: {  	[sflag:s23] =	ssyncadd.s32 $0xFFFFCE00  }
0x9d: {  	_ =	swait.ge [sflag:s24], $0x3200  }
0x9e: {  	[sflag:s24] =	ssyncset.done $0x0  }
0x9f: {  	s11 =	rddreg [dreg:$0x6];
	[sflag:s24] =	ssyncadd.s32 $0xFFFFCE00  }
0xa0: {  	[hbm4b:s11+s25] =	stream.strided.scatter [tilespmem:s19], [sflag:$0x5], $0x3200, s26, s25, $0x38;
	[tilespmem:$0xCB20] =	vst v63  }
0xa1: {  	s12 =	rddreg [dreg:$0x7]  }
0xa2: {  	[hbm4b:s12+s25] =	stream.strided.scatter [tilespmem:s20], [sflag:$0x6], $0x3200, s26, s25, $0x38;
	[tilespmem:$0xCB20] =	vst v63  }
0xa3: {  	_ =	swait.ge [sflag:s0], $0x3200  }
0xa4: {  	[sflag:s0] =	ssyncset.done $0x0  }
0xa5: {  	[sflag:s0] =	ssyncadd.s32 $0xFFFFCE00  }
0xa6: {  	_ =	swait.ge [sflag:s1], $0x3200  }
0xa7: {  	s8 =	rddreg [dreg:$0xd]  }
0xa8: {  	s13 =	rddreg [dreg:$0x8];
	s8 =	sadd.s32 $0x1, s8  }
0xa9: {  	p0 =	sne.s32 s8, s13  }
.Ltmp1:
0xaa: {  	_ = 	snop;
	(pc) =	sbr.rel @p0 .LBB2_1-.Ltmp1, $3  }
0xab: {  	_ =	sdelay $0x1  }
0xac: {  	[sflag:s1] =	ssyncset.done $0x0  }
0xad: {  	[sflag:s1] =	ssyncadd.s32 $0xFFFFCE00  }
0xae: {  	_ =	sfence.sel $0x180000  }
0xaf: {  	[bflag:$0x0] =	sbarrier.arrive $0xFFFF  }
0xb0: {  	_ =	strace $0x9000004A  }
0xb1: {  	s0 =	stileid.u32;
	[bflag:$0x2] =	sbarrier.arrive $0xFFFF  }
0xb2: {  	p0 =	sne.s32 s0, $0x0;
	s0 =	rddreg [dreg:$0x2]  }
0xb3: {  	s0 =	sadd.s32 @!p0 $0x100000, s0  }
0xb4: {  	[sflag:s0] =	ssyncadd.tile.s32 @!p0 $0x1;
	_ =	shalt  }
.Lfunc_end2:
_tile_overlayer_lowered:
.L_overlay_start_2:
0xb5: {  	(tag) =	ssettag $0x2  }
0xb6: {  	s0 =	rddreg [dreg:$0x0];
	s2 =	stileid.u32  }
0xb7: {  	s1 =	rddreg [dreg:$0x1];
	p0 =	sne.s32 s2, $0x0  }
0xb8: {  	s3 =	rddreg [dreg:$0x2];
	[bflag:$0x3] =	sbarrier.arrive $0xFFFF;
	s2 =	simm.s32 @!p0 $0x1C0D  }
0xb9: {  	[timem:s3], [sflag:s2] =	dma.local @!p0 [hbm:s0], s1  }
0xba: {  	s0 =	simm.s32 @!p0 $0xD  }
0xbb: {  	_ =	swait.ge @!p0 [sflag:s0], s1  }
0xbc: {  	s1 =	ssub.s32 @!p0 $0x0, s1;
	[sflag:s0] =	ssyncset.done @!p0 $0x0  }
0xbd: {  	[sflag:s0] =	ssyncadd.s32 @!p0 s1  }
0xbe: {  	[bflag:$0x3] =	sbarrier.arrive $0xFFFF  }
0xbf: {  	_ =	shalt  }

// kernel: kernel.13.cloned.1.call-start
scs
__scs_entry_jumppad:
0x0: {  	(pc) =	sbr.rel $0x88, $3  }
0x1: {  	(tag) =	ssettag $0x0;
	lr =	simm.s32 $0x1  }
0x2: {  	[smem:$0x3F96] =	sst lr;
	_ =	strace $0xD0000000  }
0x3: {  	_ = 	snop  }
0x4: {  	_ = 	snop  }
0x5: {  	_ = 	snop  }
0x6: {  	_ = 	snop  }
0x7: {  	_ = 	snop  }
__scs_overlays_trampoline_lowered:
0x8: {  	[smem:$0x3FA5] =	sst s0  }
0x9: {  	[smem:$0x3FA6] =	sst s1  }
0xa: {  	[smem:$0x3FA7] =	sst s2  }
0xb: {  	[smem:$0x3FA8] =	sst s3  }
0xc: {  	[smem:$0x3FA9] =	sst s4  }
0xd: {  	[smem:$0x3FAA] =	sst s5  }
0xe: {  	[smem:$0x3FAB] =	sst s6  }
0xf: {  	[smem:$0x3FAC] =	sst s7  }
0x10: {  	[smem:$0x3FAD] =	sst s8  }
0x11: {  	[smem:$0x3FAE] =	sst s9;
	s0 =	simm.s32 @!p0 $0x0  }
0x12: {  	s1 =	sld [smem:$0x3F94];
	s0 =	simm.s32 @p0 $0x1  }
0x13: {  	[smem:$0x3FAF] =	sst s0;
	s0 =	simm.s32 @!p1 $0x0  }
0x14: {  	s2 =	sld [smem:$0x3F93];
	s0 =	simm.s32 @p1 $0x1  }
0x15: {  	[smem:$0x3FB0] =	sst s0;
	s0 =	simm.s32 @!p2 $0x0  }
0x16: {  	s3 =	sld [smem:$0x3FDB];
	s0 =	simm.s32 @p2 $0x1  }
0x17: {  	s4 =	simm.s32 $0x1BF5;
	[smem:$0x3FB2] =	sst s0  }
0x18: {  	s0 =	sld [smem:$0x3F95];
	_ =	swait.ge [sflag:s4], $0x0  }
0x19: {  	s7 =	sld [smem:$0x3F96]  }
0x1a: {  	s8 =	sadd.s32 $0xFFFFE003, lr  }
0x1b: {  	s9 =	sadd.s32 $0xFFFFFEF7, lr;
	s5 =	simm.s32 $0xFFFFFFFF;
	p2 =	slt.u32 s8, $0xFFFFF086  }
0x1c: {  	p1 =	slt.u32 s9, $0xF7A;
	s5 =	simm.s32 @!p2 $0x0  }
0x1d: {  	s5 =	simm.s32 @p1 $0x1;
	p0 =	seq.s32 s7, s2  }
0x1e: {  	s7 =	smul.u32 @!p0 $0xF7A, s2;
	p2 =	seq.s32 @!p0 s5, $0x0  }
0x1f: {  	s9 =	smul.u32 $0xF7A, s1;
	s8 =	simm.s32 @!p0 $0x1BF5;
	p2 =	por !p2, p0  }
0x20: {  	[sflag:s8] =	ssyncset.s32 @!p0 $0xFFFFF086;
	s6 =	sadd.s32 @!p0 s3, s7;
	s7 =	simm.s32 @!p0 $0x108  }
0x21: {  	s3 =	sadd.s32 s3, s9;
	s6 =	sadd.s32 @!p0 $0x88, s6;
	s7 =	simm.s32 @p2 $0x1082  }
0x22: {  	[simem:s7], [sflag:s8] =	dma.local @!p0 [hbm:s6], $0xF7A  }
0x23: {  	s9 =	sor.u32 $0xD0000000, s2;
	s6 =	simm.s32 $0x108;
	_ =	swait.ge @!p0 [sflag:s8], $0x0  }
0x24: {  	s3 =	sadd.s32 $0x88, s3;
	s6 =	simm.s32 @!p1 $0x1082;
	[sflag:s4] =	ssyncset.s32 $0xFFFFF086  }
0x25: {  	[simem:s6], [sflag:s4] =	dma.local [hbm:s3], $0xF7A  }
0x26: {  	[smem:$0x3F96] =	sst s1;
	(tag) =	ssettag s2;
	_ =	strace s9  }
0x27: {  	s1 =	sld [smem:$0x3FA6]  }
0x28: {  	s2 =	sld [smem:$0x3FA7]  }
0x29: {  	s4 =	sld [smem:$0x3FA9]  }
0x2a: {  	p0 =	seq.s32 s5, $0x0;
	s5 =	sld [smem:$0x3FAA]  }
0x2b: {  	s6 =	sld [smem:$0x3FAB]  }
0x2c: {  	s7 =	sld [smem:$0x3FAC]  }
0x2d: {  	s3 =	simm.s32 $0x108;
	s8 =	sld [smem:$0x3FAD]  }
0x2e: {  	s3 =	simm.s32 @!p0 $0x1082;
	s9 =	sld [smem:$0x3FAE]  }
0x2f: {  	lr =	sadd.s32 s0, s3;
	s0 =	sld [smem:$0x3FA5]  }
0x30: {  	s3 =	sld [smem:$0x3FA8]  }
0x31: {  	[smem:$0x3FB1] =	sst s10  }
0x32: {  	s10 =	sld [smem:$0x3FAF];
	_ =	sdelay $0x3  }
0x33: {  	p0 =	seq.s32 s10, $0x1;
	s10 =	sld [smem:$0x3FB1];
	_ =	sdelay $0x3  }
0x34: {  	[smem:$0x3FB1] =	sst s10  }
0x35: {  	s10 =	sld [smem:$0x3FB0];
	_ =	sdelay $0x3  }
0x36: {  	p1 =	seq.s32 s10, $0x1;
	s10 =	sld [smem:$0x3FB1];
	_ =	sdelay $0x3  }
0x37: {  	[smem:$0x3FB1] =	sst s10  }
0x38: {  	s10 =	sld [smem:$0x3FB2]  }
0x39: {  	_ = 	snop;
	(pc) =	sbr.ind lr, $3  }
0x3a: {  	_ = 	snop  }
0x3b: {  	_ = 	snop  }
0x3c: {  	p2 =	seq.s32 s10, $0x1;
	s10 =	sld [smem:$0x3FB1]  }
0x3d: {  	_ =	shalt  }
0x3e: {  	_ =	shalt  }
0x3f: {  	_ =	shalt  }
0x40: {  	_ =	shalt  }
0x41: {  	_ =	shalt  }
0x42: {  	_ =	shalt  }
0x43: {  	_ =	shalt  }
0x44: {  	_ =	shalt  }
0x45: {  	_ =	shalt  }
0x46: {  	_ =	shalt  }
0x47: {  	_ =	shalt  }
0x48: {  	_ =	shalt  }
0x49: {  	_ =	shalt  }
0x4a: {  	_ =	shalt  }
0x4b: {  	_ =	shalt  }
0x4c: {  	_ =	shalt  }
0x4d: {  	_ =	shalt  }
0x4e: {  	_ =	shalt  }
0x4f: {  	_ =	shalt  }
0x50: {  	_ =	shalt  }
0x51: {  	_ =	shalt  }
0x52: {  	_ =	shalt  }
0x53: {  	_ =	shalt  }
0x54: {  	_ =	shalt  }
0x55: {  	_ =	shalt  }
0x56: {  	_ =	shalt  }
0x57: {  	_ =	shalt  }
0x58: {  	_ =	shalt  }
0x59: {  	_ =	shalt  }
0x5a: {  	_ =	shalt  }
0x5b: {  	_ =	shalt  }
0x5c: {  	_ =	shalt  }
0x5d: {  	_ =	shalt  }
0x5e: {  	_ =	shalt  }
0x5f: {  	_ =	shalt  }
0x60: {  	_ =	shalt  }
0x61: {  	_ =	shalt  }
0x62: {  	_ =	shalt  }
0x63: {  	_ =	shalt  }
0x64: {  	_ =	shalt  }
0x65: {  	_ =	shalt  }
0x66: {  	_ =	shalt  }
0x67: {  	_ =	shalt  }
0x68: {  	_ =	shalt  }
0x69: {  	_ =	shalt  }
0x6a: {  	_ =	shalt  }
0x6b: {  	_ =	shalt  }
0x6c: {  	_ =	shalt  }
0x6d: {  	_ =	shalt  }
0x6e: {  	_ =	shalt  }
0x6f: {  	_ =	shalt  }
0x70: {  	_ =	shalt  }
0x71: {  	_ =	shalt  }
0x72: {  	_ =	shalt  }
0x73: {  	_ =	shalt  }
0x74: {  	_ =	shalt  }
0x75: {  	_ =	shalt  }
0x76: {  	_ =	shalt  }
0x77: {  	_ =	shalt  }
0x78: {  	_ =	shalt  }
0x79: {  	_ =	shalt  }
0x7a: {  	_ =	shalt  }
0x7b: {  	_ =	shalt  }
0x7c: {  	_ =	shalt  }
0x7d: {  	_ =	shalt  }
0x7e: {  	_ =	shalt  }
0x7f: {  	_ =	shalt  }
0x80: {  	_ =	shalt  }
0x81: {  	_ =	shalt  }
0x82: {  	_ =	shalt  }
0x83: {  	_ =	shalt  }
0x84: {  	_ =	shalt  }
0x85: {  	_ =	shalt  }
0x86: {  	_ =	shalt  }
0x87: {  	_ =	shalt  }
.Lfunc_end0:
.L_simem_size_0:
called_computation.1_lowered:
.L_overlay_start_0:
0x88: {  	s2 =	sld [smem:$0x3FD9]  }
0x89: {  	s3 =	sld [smem:$0x3FFE];
	_ =	sdelay $0x1  }
0x8a: {  	s1 =	srdreg.scid  }
0x8b: {  	s0 =	sand.u32 $0x1, s1  }
0x8c: {  	s17 =	sshll.u32 s0, $0xA;
	s2 =	sadd.s32 s3, s2  }
0x8d: {  	s2 =	sadd.s32 s2, s17  }
0x8e: {  	[smem:$0x3FBD] =	sst s2  }
0x8f: {  	_ = 	snop  }
0x90: {  	(tm) =	ssettm $0x1  }
0x91: {  	s18 =	sld [smem:$0x3FFB];
	_ =	sdelay $0x3  }
0x92: {  	_ =	strace s18  }
0x93: {  	s2 =	sld [smem:$0x3FFC];
	_ =	sdelay $0x3  }
0x94: {  	_ =	strace s2  }
0x95: {  	s2 =	sld [smem:$0x3FFD];
	_ =	sdelay $0x3  }
0x96: {  	_ =	strace s2  }
0x97: {  	_ =	strace $0x8FFFFFFF  }
0x98: {  	s19 =	sld [smem:$0x3FDB];
	_ =	sdelay $0x1  }
0x99: {  	s20 =	simm.s32 $_scs_section_size  }
0x9a: {  	s4 =	simm.s32 $_size__tile_overlayer_lowered;
	s5 =	simm.s32 $_tile_overlayer_lowered  }
0x9b: {  	s6 =	simm.s32 $0x1BFF;
	s21 =	sshll.u32 s5, $0x1;
	s3 =	sadd.s32 s20, s19  }
0x9c: {  	s22 =	simm.s32 $0x0;
	s4 =	sshll.u32 s4, $0x1;
	s5 =	sadd.s32 s21, s3  }
0x9d: {  	[timem:s22], [sflag:s6] =	dma.local [hbm:s5], s4  }
0x9e: {  	_ =	swait.ge [sflag:s6], s4  }
0x9f: {  	s4 =	ssub.s32 $0x0, s4;
	[sflag:s6] =	ssyncset.done $0x0  }
0xa0: {  	[sflag:s6] =	ssyncadd.s32 s4;
	_ =	sdelay $0x1  }
0xa1: {  	s23 =	simm.s32 $0x1B8B  }
0xa2: {  	_ =	swait.ge [sflag:s23], $0x1  }
0xa3: {  	[sflag:s23] =	ssyncset.done $0x0  }
0xa4: {  	[sflag:s23] =	ssyncadd.s32 $0xFFFFFFFF  }
0xa5: {  	s4 =	sld [smem:$0x0]  }
0xa6: {  	s5 =	sand.u32 $0xFFFFFFFE, s1  }
0xa7: {  	p0 =	sne.s32 s1, s5  }
0xa8: {  	s5 =	sshll.u32 @p0 s5, $0xE  }
0xa9: {  	s5 =	sadd.s32 @p0 $0x11B8D, s5;
	s6 =	sshll.u32 @p0 s4, $0x11  }
0xaa: {  	s5 =	sor.u32 @p0 s6, s5  }
0xab: {  	[sflag:s5] =	ssyncadd.remote.s32 @p0 $0x1;
	_ =	sdelay $0x1  }
0xac: {  	s5 =	simm.s32 @p0 $0x1B8D  }
0xad: {  	_ =	swait.eq @p0 [sflag:s5], $0x1  }
0xae: {  	[sflag:s5] =	ssyncadd.s32 @p0 $0xFFFFFFFF  }
0xaf: {  	s6 =	sshll.u32 @!p0 s1, $0xE  }
0xb0: {  	s6 =	sor.u32 @!p0 $0x4000, s6;
	s5 =	simm.s32 @!p0 $0x1B8D  }
0xb1: {  	s4 =	sshll.u32 @!p0 s4, $0x11;
	s6 =	sadd.s32 @!p0 $0x11B8D, s6;
	_ =	swait.eq @!p0 [sflag:s5], $0x1  }
0xb2: {  	s4 =	sor.u32 @!p0 s4, s6;
	[sflag:s5] =	ssyncadd.s32 @!p0 $0xFFFFFFFF  }
0xb3: {  	s25 =	simm.s32 $0x1B8E;
	s24 =	sld [smem:$0x3FFE];
	[sflag:s4] =	ssyncadd.remote.s32 @!p0 $0x1  }
0xb4: {  	s26 =	simm.s32 $execute0_lowered;
	[smem:$0x3FD2] =	sst s25  }
0xb5: {  	s5 =	sshll.u32 s26, $0x1;
	_ =	strace $0x8000004F;
	[dreg:$0x1] =	wrdreg $0xFFFFFFFF  }
0xb6: {  	s28 =	simm.s32 $_size_execute0_lowered;
	s3 =	sadd.s32 s3, s5;
	[dreg:$0x0] =	wrdreg $0x0  }
0xb7: {  	s5 =	sshll.u32 s28, $0x1;
	[dreg:$0x2] =	wrdreg s3  }
0xb8: {  	[dreg:$0x3] =	wrdreg s5  }
0xb9: {  	[dreg:$0x4] =	wrdreg $0xC0  }
0xba: {  	_ =	task [dreg:s22], $0x5FFFF  }
0xbb: {  	[dreg:$0x1] =	wrdreg $0xFFFFFFFF  }
0xbc: {  	[dreg:$0x0] =	wrdreg $0x60  }
0xbd: {  	[dreg:$0x2] =	wrdreg s24  }
0xbe: {  	[dreg:$0x3] =	wrdreg $0x29000  }
0xbf: {  	[dreg:$0x4] =	wrdreg $0x9  }
0xc0: {  	_ =	task.clear_ibuf [dreg:s22], $0x5FFFF;
	_ =	strace $0x9000004F  }
0xc1: {  	s29 =	simm.s32 $0x9;
	_ =	strace $0x80000051  }
0xc2: {  	_ =	swait.ge [sflag:s29], $0x1  }
0xc3: {  	[sflag:s29] =	ssyncadd.s32 $0xFFFFFFFF  }
0xc4: {  	_ =	strace $0x90000051  }
0xc5: {  	_ =	sfence  }
0xc6: {  	s30 =	sld [smem:$0x0];
	_ =	sdelay $0x2  }
0xc7: {  	s31 =	sshll.u32 s1, $0xD;
	s1 =	sshrl.u32 s1, $0x2  }
0xc8: {  	s4 =	sand.u32 $0x4000, s31;
	s1 =	sadd.s32 s1, s30  }
0xc9: {  	s0 =	sor.u32 s4, s0;
	s1 =	sshll.u32 s1, $0x11  }
0xca: {  	s0 =	sor.u32 s1, s0  }
0xcb: {  	s0 =	sadd.s32 $0x8F2B, s0  }
0xcc: {  	[sflag:s0] =	ssyncadd.remote.s32 $0x1  }
0xcd: {  	_ =	sfence.sel $0xFFFF  }
0xce: {  	[dreg:$0x0] =	wrdreg $0xFFFFFFFF;
	(pc) =	sbr.abs _section_cstart, $3  }
0xcf: {  	[dreg:$0x1] =	wrdreg $0xFFFFFFFF  }
0xd0: {  	_ =	task.clear_ibuf [dreg:s22], $0x2FFFF;
	_ =	strace $0x9FFFFFFF  }
0xd1: {  	(tm) =	ssettm $0x7FFFFFFF  }
tec
execute0_lowered:
.L_overlay_start_1:
0x0: {  	(tag) =	ssettag $0x1  }
0x1: {  	s5 =	rddreg [dreg:$0x0]  }
0x2: {  	s2 =	rddreg [dreg:$0x1]  }
0x3: {  	s0 =	rddreg [dreg:$0x2];
	s3 =	simm.s32 $0x0;
	s1 =	stileid.u32  }
0x4: {  	s4 =	srdreg.scid;
	s17 =	simm.s32 $0x80;
	s18 =	simm.s32 $0x1500  }
0x5: {  	s19 =	simm.s32 $0x1;
	s20 =	simm.s32 $0x3;
	s6 =	smul.u32 $0x13C00, s1  }
0x6: {  	s21 =	simm.s32 $0x28;
	s22 =	simm.s32 $0x2;
	s23 =	smul.u32 $0x4F000, s1  }
0x7: {  	[smem:$0x7FF] =	sst s3;
	s7 =	sand.u32 $0x1, s4;
	s14 =	smul.u32 $0x1388, s1  }
0x8: {  	s10 =	sadd.s32 $0x77D400, s5;
	s4 =	sadd.s32 $0x3000, s5;
	s29 =	smul.u32 $0x13880, s1  }
0x9: {  	s24 =	sshll.u32 s1, $0x6;
	_ =	strace $0x80000050;
	s8 =	smul.u32 $0x13C000, s7  }
0xa: {  	s11 =	ssub.s32 $0x2, s7;
	s12 =	smul.u32 $0x13880, s7;
	s9 =	sshrl.u32 s6, $0x3  }
0xb: {  	s26 =	smul.u32 $0x138800, s7;
	s13 =	sshrl.u32 s11, $0x1;
	s9 =	sadd.s32 s9, s5  }
0xc: {  	s6 =	sadd.s32 s6, s8;
	s8 =	sshrl.u32 s23, $0x2;
	s11 =	ssub.s32 s11, s13  }
0xd: {  	s12 =	sadd.s32 s14, s12;
	s13 =	sadd.s32 s26, s10;
	s23 =	simm.s32 $0x4  }
0xe: {  	s6 =	sshrl.u32 s6, $0x3;
	s16 =	sadd.s32 s8, s2;
	s25 =	sshrl.u32 s12, $0x3  }
0xf: {  	s28 =	sshll.u32 s12, $0x4;
	s30 =	sadd.s32 s29, s13;
	s31 =	sadd.s32 $0x28, s12  }
0x10: {  	s12 =	sadd.s32 $0x50, s12;
	s15 =	sadd.s32 s6, s5;
	s5 =	sadd.s32 $0x2A400, s9  }
0x11: {  	s6 =	sor.u32 $0x1C05, s24;
	s7 =	sadd.s32 s4, s25;
	s8 =	sadd.s32 s10, s28  }
0x12: {  	s10 =	smax.u32 s11, $0x1;
	s11 =	sadd.s32 $0x500, s30;
	s13 =	sshrl.u32 s31, $0x3  }
0x13: {  	s14 =	sshrl.u32 s16, $0x3;
	s16 =	simm.s32 $0x100;
	s24 =	simm.s32 $0x0  }
0x14: {  	s9 =	sadd.s32 $0xA0C00, s15;
	s13 =	sadd.s32 s13, s4;
	s15 =	simm.s32 $0x5  }
.LBB2_1:
0x15: {  	[spmem:s14], [sflag:s6] =	dma.local [hbm:s5], $0x2780  }
0x16: {  	_ =	swait.ge [sflag:s15], $0x2780  }
0x17: {  	[sflag:s15] =	ssyncset.done $0x0  }
0x18: {  	[sflag:s15] =	ssyncadd.s32 $0xFFFFD880  }
0x19: {  	[bflag:$0x0] =	sbarrier.arrive $0xFFFF  }
0x1a: {  	[tilespmem:s3], [sflag:$0x1] =	stream.linear.gather [hbm4b:s7+s3], $0x28, $0x38;
	[tilespmem:$0x16500] =	vst v63  }
0x1b: {  	_ = 	snop  }
0x1c: {  	[tilespmem:s16], [sflag:$0x3] =	stream.linear.gather [hbm4b:s8+s3], $0x1400, $0x38;
	[tilespmem:$0x16500] =	vst v63  }
0x1d: {  	s25 =	sadd.s32 $0x0, s13  }
0x1e: {  	[tilespmem:s17], [sflag:$0x2] =	stream.linear.gather [hbm4b:s25+s3], $0x28, $0x38;
	[tilespmem:$0x16500] =	vst v63  }
0x1f: {  	s30 =	sadd.s32 $0xFFFFFD80, s11  }
0x20: {  	[tilespmem:s18], [sflag:$0x4] =	stream.linear.gather [hbm4b:s30+s3], $0x1400, $0x38;
	[tilespmem:$0x16500] =	vst v63  }
0x21: {  	_ =	swait.ge [sflag:s19], $0x28  }
0x22: {  	[sflag:s19] =	ssyncset.done $0x0  }
0x23: {  	[sflag:s19] =	ssyncadd.s32 $0xFFFFFFD8  }
0x24: {  	_ =	swait.ge [sflag:s20], $0x1400  }
0x25: {  	[sflag:s20] =	ssyncset.done $0x0  }
0x26: {  	[sflag:s20] =	ssyncadd.s32 $0xFFFFEC00  }
0x27: {  	[spmem:s2] =	stream.indirect.scatter.add.f32 [tilespmem:s16], [sflag:$0x5], $0x80, s3, s21, $0xb8;
	[tilespmem:$0x16500] =	vst v63  }
0x28: {  	_ =	swait.ge [sflag:s15], $0x1400  }
0x29: {  	s31 =	sshrl.u32 s12, $0x3;
	[sflag:s15] =	ssyncset.done $0x0  }
0x2a: {  	s25 =	sadd.s32 s4, s31;
	[sflag:s15] =	ssyncadd.s32 $0xFFFFEC00  }
0x2b: {  	[tilespmem:s3], [sflag:$0x1] =	stream.linear.gather [hbm4b:s25+s3], $0x28, $0x38;
	[tilespmem:$0x16500] =	vst v63  }
0x2c: {  	_ = 	snop  }
0x2d: {  	[tilespmem:s16], [sflag:$0x3] =	stream.linear.gather [hbm4b:s11+s3], $0x1400, $0x38;
	[tilespmem:$0x16500] =	vst v63  }
0x2e: {  	_ =	swait.ge [sflag:s22], $0x28  }
0x2f: {  	[sflag:s22] =	ssyncset.done $0x0  }
0x30: {  	[sflag:s22] =	ssyncadd.s32 $0xFFFFFFD8  }
0x31: {  	_ =	swait.ge [sflag:s23], $0x1400  }
0x32: {  	[sflag:s23] =	ssyncset.done $0x0  }
0x33: {  	[sflag:s23] =	ssyncadd.s32 $0xFFFFEC00  }
0x34: {  	[spmem:s2] =	stream.indirect.scatter.add.f32 [tilespmem:s18], [sflag:$0x5], $0x80, s17, s21, $0xb8;
	[tilespmem:$0x16500] =	vst v63  }
0x35: {  	s28 =	simm.s32 $0xA;
	s29 =	simm.s32 $0x14;
	_ =	swait.ge [sflag:s15], $0x1400  }
0x36: {  	s26 =	sadd.s32 $0x50, s12;
	s25 =	sadd.s32 $0x500, s11;
	[sflag:s15] =	ssyncset.done $0x0  }
.LBB2_2:
0x37: {  	s30 =	sadd.s32 s28, s13  }
0x38: {  	[sflag:s15] =	ssyncadd.s32 $0xFFFFEC00;
	s28 =	smov.u32 s29;
	s31 =	sadd.s32 $0xA, s29  }
0x39: {  	[tilespmem:s17], [sflag:$0x2] =	stream.linear.gather [hbm4b:s30+s3], $0x28, $0x38;
	[tilespmem:$0x16500] =	vst v63  }
0x3a: {  	p0 =	sne.s32 s29, $0x262;
	s29 =	sadd.s32 $0xFFFFFD80, s25  }
0x3b: {  	[tilespmem:s18], [sflag:$0x4] =	stream.linear.gather [hbm4b:s29+s3], $0x1400, $0x38;
	[tilespmem:$0x16500] =	vst v63  }
0x3c: {  	_ =	swait.ge [sflag:s19], $0x28  }
0x3d: {  	[sflag:s19] =	ssyncset.done $0x0  }
0x3e: {  	[sflag:s19] =	ssyncadd.s32 $0xFFFFFFD8  }
0x3f: {  	_ =	swait.ge [sflag:s20], $0x1400  }
0x40: {  	[sflag:s20] =	ssyncset.done $0x0  }
0x41: {  	[sflag:s20] =	ssyncadd.s32 $0xFFFFEC00  }
0x42: {  	[spmem:s2] =	stream.indirect.scatter.add.f32 [tilespmem:s16], [sflag:$0x5], $0x80, s3, s21, $0xb8;
	[tilespmem:$0x16500] =	vst v63  }
0x43: {  	_ =	swait.ge [sflag:s15], $0x1400  }
0x44: {  	s29 =	sshrl.u32 s26, $0x3;
	[sflag:s15] =	ssyncset.done $0x0  }
0x45: {  	s29 =	sadd.s32 s4, s29;
	[sflag:s15] =	ssyncadd.s32 $0xFFFFEC00  }
0x46: {  	[tilespmem:s3], [sflag:$0x1] =	stream.linear.gather [hbm4b:s29+s3], $0x28, $0x38;
	[tilespmem:$0x16500] =	vst v63  }
0x47: {  	_ = 	snop  }
0x48: {  	[tilespmem:s16], [sflag:$0x3] =	stream.linear.gather [hbm4b:s25+s3], $0x1400, $0x38;
	[tilespmem:$0x16500] =	vst v63  }
0x49: {  	_ =	swait.ge [sflag:s22], $0x28  }
0x4a: {  	[sflag:s22] =	ssyncset.done $0x0  }
0x4b: {  	[sflag:s22] =	ssyncadd.s32 $0xFFFFFFD8  }
0x4c: {  	_ =	swait.ge [sflag:s23], $0x1400  }
.Ltmp0:
0x4d: {  	[sflag:s23] =	ssyncset.done $0x0;
	(pc) =	sbr.rel @p0 .LBB2_2-.Ltmp0, $4  }
0x4e: {  	[sflag:s23] =	ssyncadd.s32 $0xFFFFEC00  }
0x4f: {  	[spmem:s2] =	stream.indirect.scatter.add.f32 [tilespmem:s18], [sflag:$0x5], $0x80, s17, s21, $0xb8;
	[tilespmem:$0x16500] =	vst v63  }
0x50: {  	s26 =	sadd.s32 $0x50, s26;
	_ =	swait.ge [sflag:s15], $0x1400  }
0x51: {  	s29 =	smov.u32 s31;
	s25 =	sadd.s32 $0x500, s25;
	[sflag:s15] =	ssyncset.done $0x0  }
0x52: {  	s28 =	sadd.s32 s28, s13;
	[sflag:s15] =	ssyncadd.s32 $0xFFFFEC00  }
0x53: {  	[tilespmem:s17], [sflag:$0x2] =	stream.linear.gather [hbm4b:s28+s3], $0x28, $0x38;
	[tilespmem:$0x16500] =	vst v63  }
0x54: {  	s31 =	sadd.s32 $0xFFFFFD80, s25  }
0x55: {  	[tilespmem:s18], [sflag:$0x4] =	stream.linear.gather [hbm4b:s31+s3], $0x1400, $0x38;
	[tilespmem:$0x16500] =	vst v63  }
0x56: {  	_ =	swait.ge [sflag:s19], $0x28  }
0x57: {  	[sflag:s19] =	ssyncset.done $0x0  }
0x58: {  	[sflag:s19] =	ssyncadd.s32 $0xFFFFFFD8  }
0x59: {  	_ =	swait.ge [sflag:s20], $0x1400  }
0x5a: {  	[sflag:s20] =	ssyncset.done $0x0  }
0x5b: {  	[sflag:s20] =	ssyncadd.s32 $0xFFFFEC00  }
0x5c: {  	[spmem:s2] =	stream.indirect.scatter.add.f32 [tilespmem:s16], [sflag:$0x5], $0x80, s3, s21, $0xb8;
	[tilespmem:$0x16500] =	vst v63  }
0x5d: {  	_ =	swait.ge [sflag:s15], $0x1400  }
0x5e: {  	s26 =	sshrl.u32 s26, $0x3;
	[sflag:s15] =	ssyncset.done $0x0  }
0x5f: {  	s26 =	sadd.s32 s4, s26;
	[sflag:s15] =	ssyncadd.s32 $0xFFFFEC00  }
0x60: {  	[tilespmem:s3], [sflag:$0x1] =	stream.linear.gather [hbm4b:s26+s3], $0x28, $0x38;
	[tilespmem:$0x16500] =	vst v63  }
0x61: {  	_ = 	snop  }
0x62: {  	[tilespmem:s16], [sflag:$0x3] =	stream.linear.gather [hbm4b:s25+s3], $0x1400, $0x38;
	[tilespmem:$0x16500] =	vst v63  }
0x63: {  	_ =	swait.ge [sflag:s22], $0x28  }
0x64: {  	[sflag:s22] =	ssyncset.done $0x0  }
0x65: {  	[sflag:s22] =	ssyncadd.s32 $0xFFFFFFD8  }
0x66: {  	_ =	swait.ge [sflag:s23], $0x1400  }
0x67: {  	[sflag:s23] =	ssyncset.done $0x0  }
0x68: {  	[sflag:s23] =	ssyncadd.s32 $0xFFFFEC00  }
0x69: {  	[spmem:s2] =	stream.indirect.scatter.add.f32 [tilespmem:s18], [sflag:$0x5], $0x80, s17, s21, $0xb8;
	[tilespmem:$0x16500] =	vst v63  }
0x6a: {  	_ =	swait.ge [sflag:s15], $0x1400  }
0x6b: {  	[sflag:s15] =	ssyncset.done $0x0  }
0x6c: {  	[sflag:s15] =	ssyncadd.s32 $0xFFFFEC00  }
0x6d: {  	_ =	swait.ge [sflag:s19], $0x28  }
0x6e: {  	[sflag:s19] =	ssyncset.done $0x0  }
0x6f: {  	[sflag:s19] =	ssyncadd.s32 $0xFFFFFFD8  }
0x70: {  	_ =	swait.ge [sflag:s20], $0x1400  }
0x71: {  	[sflag:s20] =	ssyncset.done $0x0  }
0x72: {  	[sflag:s20] =	ssyncadd.s32 $0xFFFFEC00  }
0x73: {  	[spmem:s2] =	stream.indirect.scatter.add.f32 [tilespmem:s16], [sflag:$0x5], $0x80, s3, s21, $0xb8;
	[tilespmem:$0x16500] =	vst v63  }
0x74: {  	_ =	swait.ge [sflag:s15], $0x1400  }
0x75: {  	s24 =	sadd.s32 $0x1, s24;
	[sflag:s15] =	ssyncset.done $0x0  }
0x76: {  	p0 =	sne.s32 s24, s10;
	[sflag:s15] =	ssyncadd.s32 $0xFFFFEC00  }
.Ltmp1:
0x77: {  	[bflag:$0x0] =	sbarrier.arrive $0xFFFF;
	(pc) =	sbr.rel @p0 .LBB2_1-.Ltmp1, $4  }
0x78: {  	[hbm:s9], [sflag:s6] =	dma.local [spmem:s14], $0x2780  }
0x79: {  	_ =	swait.ge [sflag:s15], $0x2780  }
0x7a: {  	[sflag:s15] =	ssyncset.done $0x0  }
0x7b: {  	[sflag:s15] =	ssyncadd.s32 $0xFFFFD880  }
0x7c: {  	_ =	sfence.sel $0x180000  }
0x7d: {  	[bflag:$0x0] =	sbarrier.arrive $0xFFFF  }
0x7e: {  	p0 =	sne.s32 s1, $0x0;
	_ =	strace $0x90000050  }
0x7f: {  	s0 =	sadd.s32 @!p0 $0x100000, s0;
	[bflag:$0x2] =	sbarrier.arrive $0xFFFF  }
0x80: {  	[sflag:s0] =	ssyncadd.tile.s32 @!p0 $0x1;
	_ =	shalt  }
.Lfunc_end2:
_tile_overlayer_lowered:
.L_overlay_start_2:
0x81: {  	(tag) =	ssettag $0x2  }
0x82: {  	s0 =	rddreg [dreg:$0x0];
	s2 =	stileid.u32  }
0x83: {  	s1 =	rddreg [dreg:$0x1];
	p0 =	sne.s32 s2, $0x0  }
0x84: {  	s3 =	rddreg [dreg:$0x2];
	[bflag:$0x3] =	sbarrier.arrive $0xFFFF;
	s2 =	simm.s32 @!p0 $0x1C05  }
0x85: {  	[timem:s3], [sflag:s2] =	dma.local @!p0 [hbm:s0], s1  }
0x86: {  	s0 =	simm.s32 @!p0 $0x5  }
0x87: {  	_ =	swait.ge @!p0 [sflag:s0], s1  }
0x88: {  	s1 =	ssub.s32 @!p0 $0x0, s1;
	[sflag:s0] =	ssyncset.done @!p0 $0x0  }
0x89: {  	[sflag:s0] =	ssyncadd.s32 @!p0 s1  }
0x8a: {  	[bflag:$0x3] =	sbarrier.arrive $0xFFFF  }
0x8b: {  	_ =	shalt  }

// kernel: kernel.16.cloned.1.call-start
scs
__scs_entry_jumppad:
0x0: {  	(pc) =	sbr.rel $0x88, $3  }
0x1: {  	(tag) =	ssettag $0x0;
	lr =	simm.s32 $0x1  }
0x2: {  	[smem:$0x3F96] =	sst lr;
	_ =	strace $0xD0000000  }
0x3: {  	_ = 	snop  }
0x4: {  	_ = 	snop  }
0x5: {  	_ = 	snop  }
0x6: {  	_ = 	snop  }
0x7: {  	_ = 	snop  }
__scs_overlays_trampoline_lowered:
0x8: {  	[smem:$0x3FA5] =	sst s0  }
0x9: {  	[smem:$0x3FA6] =	sst s1  }
0xa: {  	[smem:$0x3FA7] =	sst s2  }
0xb: {  	[smem:$0x3FA8] =	sst s3  }
0xc: {  	[smem:$0x3FA9] =	sst s4  }
0xd: {  	[smem:$0x3FAA] =	sst s5  }
0xe: {  	[smem:$0x3FAB] =	sst s6  }
0xf: {  	[smem:$0x3FAC] =	sst s7  }
0x10: {  	[smem:$0x3FAD] =	sst s8  }
0x11: {  	[smem:$0x3FAE] =	sst s9;
	s0 =	simm.s32 @!p0 $0x0  }
0x12: {  	s1 =	sld [smem:$0x3F94];
	s0 =	simm.s32 @p0 $0x1  }
0x13: {  	[smem:$0x3FAF] =	sst s0;
	s0 =	simm.s32 @!p1 $0x0  }
0x14: {  	s2 =	sld [smem:$0x3F93];
	s0 =	simm.s32 @p1 $0x1  }
0x15: {  	[smem:$0x3FB0] =	sst s0;
	s0 =	simm.s32 @!p2 $0x0  }
0x16: {  	s3 =	sld [smem:$0x3FDB];
	s0 =	simm.s32 @p2 $0x1  }
0x17: {  	s4 =	simm.s32 $0x1BF5;
	[smem:$0x3FB2] =	sst s0  }
0x18: {  	s0 =	sld [smem:$0x3F95];
	_ =	swait.ge [sflag:s4], $0x0  }
0x19: {  	s7 =	sld [smem:$0x3F96]  }
0x1a: {  	s8 =	sadd.s32 $0xFFFFE003, lr  }
0x1b: {  	s9 =	sadd.s32 $0xFFFFFEF7, lr;
	s5 =	simm.s32 $0xFFFFFFFF;
	p2 =	slt.u32 s8, $0xFFFFF086  }
0x1c: {  	p1 =	slt.u32 s9, $0xF7A;
	s5 =	simm.s32 @!p2 $0x0  }
0x1d: {  	s5 =	simm.s32 @p1 $0x1;
	p0 =	seq.s32 s7, s2  }
0x1e: {  	s7 =	smul.u32 @!p0 $0xF7A, s2;
	p2 =	seq.s32 @!p0 s5, $0x0  }
0x1f: {  	s9 =	smul.u32 $0xF7A, s1;
	s8 =	simm.s32 @!p0 $0x1BF5;
	p2 =	por !p2, p0  }
0x20: {  	[sflag:s8] =	ssyncset.s32 @!p0 $0xFFFFF086;
	s6 =	sadd.s32 @!p0 s3, s7;
	s7 =	simm.s32 @!p0 $0x108  }
0x21: {  	s3 =	sadd.s32 s3, s9;
	s6 =	sadd.s32 @!p0 $0x88, s6;
	s7 =	simm.s32 @p2 $0x1082  }
0x22: {  	[simem:s7], [sflag:s8] =	dma.local @!p0 [hbm:s6], $0xF7A  }
0x23: {  	s9 =	sor.u32 $0xD0000000, s2;
	s6 =	simm.s32 $0x108;
	_ =	swait.ge @!p0 [sflag:s8], $0x0  }
0x24: {  	s3 =	sadd.s32 $0x88, s3;
	s6 =	simm.s32 @!p1 $0x1082;
	[sflag:s4] =	ssyncset.s32 $0xFFFFF086  }
0x25: {  	[simem:s6], [sflag:s4] =	dma.local [hbm:s3], $0xF7A  }
0x26: {  	[smem:$0x3F96] =	sst s1;
	(tag) =	ssettag s2;
	_ =	strace s9  }
0x27: {  	s1 =	sld [smem:$0x3FA6]  }
0x28: {  	s2 =	sld [smem:$0x3FA7]  }
0x29: {  	s4 =	sld [smem:$0x3FA9]  }
0x2a: {  	p0 =	seq.s32 s5, $0x0;
	s5 =	sld [smem:$0x3FAA]  }
0x2b: {  	s6 =	sld [smem:$0x3FAB]  }
0x2c: {  	s7 =	sld [smem:$0x3FAC]  }
0x2d: {  	s3 =	simm.s32 $0x108;
	s8 =	sld [smem:$0x3FAD]  }
0x2e: {  	s3 =	simm.s32 @!p0 $0x1082;
	s9 =	sld [smem:$0x3FAE]  }
0x2f: {  	lr =	sadd.s32 s0, s3;
	s0 =	sld [smem:$0x3FA5]  }
0x30: {  	s3 =	sld [smem:$0x3FA8]  }
0x31: {  	[smem:$0x3FB1] =	sst s10  }
0x32: {  	s10 =	sld [smem:$0x3FAF];
	_ =	sdelay $0x3  }
0x33: {  	p0 =	seq.s32 s10, $0x1;
	s10 =	sld [smem:$0x3FB1];
	_ =	sdelay $0x3  }
0x34: {  	[smem:$0x3FB1] =	sst s10  }
0x35: {  	s10 =	sld [smem:$0x3FB0];
	_ =	sdelay $0x3  }
0x36: {  	p1 =	seq.s32 s10, $0x1;
	s10 =	sld [smem:$0x3FB1];
	_ =	sdelay $0x3  }
0x37: {  	[smem:$0x3FB1] =	sst s10  }
0x38: {  	s10 =	sld [smem:$0x3FB2]  }
0x39: {  	_ = 	snop;
	(pc) =	sbr.ind lr, $3  }
0x3a: {  	_ = 	snop  }
0x3b: {  	_ = 	snop  }
0x3c: {  	p2 =	seq.s32 s10, $0x1;
	s10 =	sld [smem:$0x3FB1]  }
0x3d: {  	_ =	shalt  }
0x3e: {  	_ =	shalt  }
0x3f: {  	_ =	shalt  }
0x40: {  	_ =	shalt  }
0x41: {  	_ =	shalt  }
0x42: {  	_ =	shalt  }
0x43: {  	_ =	shalt  }
0x44: {  	_ =	shalt  }
0x45: {  	_ =	shalt  }
0x46: {  	_ =	shalt  }
0x47: {  	_ =	shalt  }
0x48: {  	_ =	shalt  }
0x49: {  	_ =	shalt  }
0x4a: {  	_ =	shalt  }
0x4b: {  	_ =	shalt  }
0x4c: {  	_ =	shalt  }
0x4d: {  	_ =	shalt  }
0x4e: {  	_ =	shalt  }
0x4f: {  	_ =	shalt  }
0x50: {  	_ =	shalt  }
0x51: {  	_ =	shalt  }
0x52: {  	_ =	shalt  }
0x53: {  	_ =	shalt  }
0x54: {  	_ =	shalt  }
0x55: {  	_ =	shalt  }
0x56: {  	_ =	shalt  }
0x57: {  	_ =	shalt  }
0x58: {  	_ =	shalt  }
0x59: {  	_ =	shalt  }
0x5a: {  	_ =	shalt  }
0x5b: {  	_ =	shalt  }
0x5c: {  	_ =	shalt  }
0x5d: {  	_ =	shalt  }
0x5e: {  	_ =	shalt  }
0x5f: {  	_ =	shalt  }
0x60: {  	_ =	shalt  }
0x61: {  	_ =	shalt  }
0x62: {  	_ =	shalt  }
0x63: {  	_ =	shalt  }
0x64: {  	_ =	shalt  }
0x65: {  	_ =	shalt  }
0x66: {  	_ =	shalt  }
0x67: {  	_ =	shalt  }
0x68: {  	_ =	shalt  }
0x69: {  	_ =	shalt  }
0x6a: {  	_ =	shalt  }
0x6b: {  	_ =	shalt  }
0x6c: {  	_ =	shalt  }
0x6d: {  	_ =	shalt  }
0x6e: {  	_ =	shalt  }
0x6f: {  	_ =	shalt  }
0x70: {  	_ =	shalt  }
0x71: {  	_ =	shalt  }
0x72: {  	_ =	shalt  }
0x73: {  	_ =	shalt  }
0x74: {  	_ =	shalt  }
0x75: {  	_ =	shalt  }
0x76: {  	_ =	shalt  }
0x77: {  	_ =	shalt  }
0x78: {  	_ =	shalt  }
0x79: {  	_ =	shalt  }
0x7a: {  	_ =	shalt  }
0x7b: {  	_ =	shalt  }
0x7c: {  	_ =	shalt  }
0x7d: {  	_ =	shalt  }
0x7e: {  	_ =	shalt  }
0x7f: {  	_ =	shalt  }
0x80: {  	_ =	shalt  }
0x81: {  	_ =	shalt  }
0x82: {  	_ =	shalt  }
0x83: {  	_ =	shalt  }
0x84: {  	_ =	shalt  }
0x85: {  	_ =	shalt  }
0x86: {  	_ =	shalt  }
0x87: {  	_ =	shalt  }
.Lfunc_end0:
.L_simem_size_0:
called_computation.2_lowered:
.L_overlay_start_0:
0x88: {  	s2 =	sld [smem:$0x3FD9]  }
0x89: {  	s3 =	sld [smem:$0x3FFE];
	_ =	sdelay $0x1  }
0x8a: {  	s1 =	srdreg.scid  }
0x8b: {  	s0 =	sand.u32 $0x1, s1  }
0x8c: {  	s17 =	sshll.u32 s0, $0xA;
	s2 =	sadd.s32 s3, s2  }
0x8d: {  	s2 =	sadd.s32 s2, s17  }
0x8e: {  	[smem:$0x3FBD] =	sst s2  }
0x8f: {  	_ = 	snop  }
0x90: {  	s2 =	sld [smem:$0x3FD0];
	(tm) =	ssettm $0x1  }
0x91: {  	s18 =	sld [smem:$0x3FFB];
	_ =	sdelay $0x3  }
0x92: {  	_ =	strace s18  }
0x93: {  	s3 =	sld [smem:$0x3FFC];
	_ =	sdelay $0x3  }
0x94: {  	_ =	strace s3  }
0x95: {  	s3 =	sld [smem:$0x3FFD];
	_ =	sdelay $0x3  }
0x96: {  	_ =	strace s3  }
0x97: {  	_ =	strace $0x8FFFFFFF  }
0x98: {  	s19 =	sld [smem:$0x3FDB];
	_ =	sdelay $0x1  }
0x99: {  	s4 =	simm.s32 $_scs_section_size  }
0x9a: {  	s5 =	simm.s32 $_size__tile_overlayer_lowered;
	s6 =	simm.s32 $_tile_overlayer_lowered  }
0x9b: {  	s22 =	simm.s32 $0x1BFF;
	s21 =	sshll.u32 s6, $0x1;
	s3 =	sadd.s32 s4, s19  }
0x9c: {  	s7 =	simm.s32 $0x0;
	s20 =	sshll.u32 s5, $0x1;
	s5 =	sadd.s32 s21, s3  }
0x9d: {  	[timem:s7], [sflag:s22] =	dma.local [hbm:s5], s20  }
0x9e: {  	_ =	swait.ge [sflag:s22], s20  }
0x9f: {  	s4 =	ssub.s32 $0x0, s20;
	[sflag:s22] =	ssyncset.done $0x0  }
0xa0: {  	[sflag:s22] =	ssyncadd.s32 s4;
	_ =	sdelay $0x1  }
0xa1: {  	s23 =	simm.s32 $0x1B8B  }
0xa2: {  	_ =	swait.ge [sflag:s23], $0x1  }
0xa3: {  	[sflag:s23] =	ssyncset.done $0x0  }
0xa4: {  	s25 =	simm.s32 $0x1B8E;
	s24 =	sld [smem:$0x3FFE];
	[sflag:s23] =	ssyncadd.s32 $0xFFFFFFFF  }
0xa5: {  	s26 =	simm.s32 $execute0_lowered;
	[smem:$0x3FD2] =	sst s25  }
0xa6: {  	s5 =	sshll.u32 s26, $0x1;
	_ =	strace $0x80000046;
	[dreg:$0x1] =	wrdreg $0xFFFFFFFF  }
0xa7: {  	s28 =	simm.s32 $_size_execute0_lowered;
	s3 =	sadd.s32 s3, s5;
	[dreg:$0x0] =	wrdreg $0x0  }
0xa8: {  	s5 =	sshll.u32 s28, $0x1;
	[dreg:$0x2] =	wrdreg s3  }
0xa9: {  	[dreg:$0x3] =	wrdreg s5  }
0xaa: {  	[dreg:$0x4] =	wrdreg $0xC0  }
0xab: {  	_ =	task [dreg:s7], $0x5FFFF  }
0xac: {  	[dreg:$0x1] =	wrdreg $0xFFFFFFFF  }
0xad: {  	[dreg:$0x0] =	wrdreg $0x60  }
0xae: {  	[dreg:$0x2] =	wrdreg s2  }
0xaf: {  	[dreg:$0x3] =	wrdreg s24  }
0xb0: {  	[dreg:$0x4] =	wrdreg $0xA  }
0xb1: {  	_ =	task.clear_ibuf [dreg:s7], $0x5FFFF;
	_ =	strace $0x90000046  }
0xb2: {  	s29 =	simm.s32 $0xA;
	_ =	strace $0x80000048  }
0xb3: {  	_ =	swait.ge [sflag:s29], $0x1  }
0xb4: {  	[sflag:s29] =	ssyncadd.s32 $0xFFFFFFFF  }
0xb5: {  	_ =	strace $0x90000048  }
0xb6: {  	_ =	sfence  }
0xb7: {  	s30 =	sld [smem:$0x0];
	_ =	sdelay $0x2  }
0xb8: {  	s31 =	sshll.u32 s1, $0xD;
	s1 =	sshrl.u32 s1, $0x2  }
0xb9: {  	s3 =	sand.u32 $0x4000, s31;
	s1 =	sadd.s32 s1, s30  }
0xba: {  	s0 =	sor.u32 s3, s0;
	s1 =	sshll.u32 s1, $0x11  }
0xbb: {  	s0 =	sor.u32 s1, s0  }
0xbc: {  	s0 =	sadd.s32 $0x8F2B, s0  }
0xbd: {  	[sflag:s0] =	ssyncadd.remote.s32 $0x1  }
0xbe: {  	_ =	sfence.sel $0xFFFF  }
0xbf: {  	[dreg:$0x0] =	wrdreg $0xFFFFFFFF;
	(pc) =	sbr.abs _section_cstart, $3  }
0xc0: {  	[dreg:$0x1] =	wrdreg $0xFFFFFFFF  }
0xc1: {  	_ =	task.clear_ibuf [dreg:s7], $0x2FFFF;
	_ =	strace $0x9FFFFFFF  }
0xc2: {  	(tm) =	ssettm $0x7FFFFFFF  }
0xc3: {  	_ =	shalt  }
tec
execute0_lowered:
.L_overlay_start_1:
0x0: {  	(tag) =	ssettag $0x1  }
0x1: {  	s2 =	rddreg [dreg:$0x0];
	s0 =	srdreg.scid  }
0x2: {  	s12 =	stileid.u32;
	s1 =	rddreg [dreg:$0x1]  }
0x3: {  	s3 =	simm.s32 $0x0;
	s28 =	simm.s32 $0xA;
	s29 =	simm.s32 $0x5  }
0x4: {  	s30 =	simm.s32 $0x6;
	s31 =	simm.s32 $0xB;
	s0 =	sand.u32 $0x1, s0  }
0x5: {  	s4 =	sshll.u32 s12, $0x1;
	[smem:$0x7FF] =	sst s3;
	s9 =	smul.u32 $0x2710, s12  }
0x6: {  	s7 =	sadd.s32 $0x3000, s1;
	s21 =	smul.u32 $0x27100, s12;
	s12 =	simm.s32 $0x6590  }
0x7: {  	s5 =	sor.u32 s0, s4;
	_ =	strace $0x80000047;
	s11 =	smul.u32 $0x1388, s0  }
0x8: {  	s4 =	sadd.s32 $0x16A00, s1;
	s8 =	ssub.s32 $0x2, s0;
	s6 =	smul.u32 $0x1388, s5  }
0x9: {  	s1 =	sadd.s32 $0x2A400, s1;
	s5 =	smul.u32 $0x9C400, s5;
	s10 =	sshrl.u32 s8, $0x1  }
0xa: {  	s0 =	smul.u32 $0x13880, s0;
	s8 =	ssub.s32 s8, s10;
	s14 =	sadd.s32 s11, s9  }
0xb: {  	s11 =	simm.s32 $0xC8;
	s6 =	sshrl.u32 s6, $0x3;
	s5 =	sshrl.u32 s5, $0x3  }
0xc: {  	s15 =	sadd.s32 $0x271C8, s14;
	s17 =	sadd.s32 $0x753C8, s14;
	s8 =	smax.u32 s8, $0x1  }
0xd: {  	s22 =	sadd.s32 $0x27100, s14;
	s23 =	sadd.s32 $0x75300, s14;
	s14 =	simm.s32 $0x1  }
0xe: {  	s6 =	sadd.s32 s7, s6;
	s5 =	sadd.s32 s1, s5;
	s19 =	sshrl.u32 s17, $0x3  }
0xf: {  	[dreg:$0xb] =	wrdreg s8;
	s1 =	sadd.s32 s21, s1;
	s25 =	sshrl.u32 s23, $0x3  }
0x10: {  	s17 =	simm.s32 $0x3390;
	s21 =	simm.s32 $0x4;
	s13 =	sadd.s32 $0x5078, s6  }
0x11: {  	s23 =	simm.s32 $0x80;
	s6 =	sadd.s32 $0xECB8, s6;
	[dreg:$0x7] =	wrdreg s13  }
0x12: {  	s16 =	sadd.s32 $0x12C00, s5;
	s5 =	sadd.s32 $0x12C08, s5;
	[dreg:$0x8] =	wrdreg s6  }
0x13: {  	s20 =	sadd.s32 s19, s7;
	s0 =	sadd.s32 s0, s1;
	[dreg:$0x9] =	wrdreg s16  }
0x14: {  	s26 =	sadd.s32 s25, s7;
	s19 =	simm.s32 $0x8;
	[dreg:$0xa] =	wrdreg s5  }
0x15: {  	s25 =	simm.s32 $0x9920;
	s1 =	simm.s32 $0xC;
	[dreg:$0x4] =	wrdreg s20  }
0x16: {  	s6 =	sshrl.u32 s15, $0x3;
	s0 =	sadd.s32 $0xC88, s0;
	[dreg:$0x6] =	wrdreg s26  }
0x17: {  	s13 =	simm.s32 $0x6658;
	s15 =	simm.s32 $0x2;
	s16 =	simm.s32 $0x190  }
0x18: {  	s20 =	simm.s32 $0x3;
	s26 =	simm.s32 $0x9;
	s5 =	simm.s32 $0x0  }
0x19: {  	s18 =	sadd.s32 s6, s7;
	s6 =	sshrl.u32 s22, $0x3;
	[dreg:$0xc] =	wrdreg s0  }
0x1a: {  	s22 =	simm.s32 $0x40;
	[dreg:$0x3] =	wrdreg s18;
	s24 =	sadd.s32 s6, s7  }
0x1b: {  	s18 =	simm.s32 $0x7;
	[dreg:$0x5] =	wrdreg s24;
	s24 =	simm.s32 $0x6720  }
.LBB2_1:
0x1c: {  	s6 =	rddreg [dreg:$0x5]  }
0x1d: {  	s7 =	rddreg [dreg:$0x6];
	s6 =	sadd.s32 $0x0, s6  }
0x1e: {  	[tilespmem:s3], [sflag:$0x1] =	stream.linear.gather [hbm4b:s6+s3], $0xC8, $0x38;
	[tilespmem:$0xCB20] =	vst v63  }
0x1f: {  	s8 =	rddreg [dreg:$0x3];
	s9 =	sadd.s32 $0x0, s7  }
0x20: {  	[tilespmem:s11], [sflag:$0x2] =	stream.linear.gather [hbm4b:s9+s3], $0xC8, $0x38;
	[tilespmem:$0xCB20] =	vst v63  }
0x21: {  	s10 =	rddreg [dreg:$0x4];
	s0 =	sadd.s32 $0x0, s8  }
0x22: {  	[tilespmem:s12], [sflag:$0x7] =	stream.linear.gather [hbm4b:s0+s3], $0xC8, $0x38;
	[tilespmem:$0xCB20] =	vst v63  }
0x23: {  	[dreg:$0xd] =	wrdreg s5;
	s5 =	sadd.s32 $0x0, s10  }
0x24: {  	[tilespmem:s13], [sflag:$0x8] =	stream.linear.gather [hbm4b:s5+s3], $0xC8, $0x38;
	[tilespmem:$0xCB20] =	vst v63  }
0x25: {  	_ =	swait.ge [sflag:s14], $0xC8  }
0x26: {  	[sflag:s14] =	ssyncset.done $0x0  }
0x27: {  	[sflag:s14] =	ssyncadd.s32 $0xFFFFFF38  }
0x28: {  	_ =	swait.ge [sflag:s15], $0xC8  }
0x29: {  	[sflag:s15] =	ssyncset.done $0x0  }
0x2a: {  	[sflag:s15] =	ssyncadd.s32 $0xFFFFFF38  }
0x2b: {  	[tilespmem:s16], [sflag:$0x3] =	stream.indirect.gather [hbm4b:s2+s11], $0x40, s3, s11, $0xb8;
	[tilespmem:$0xCB20] =	vst v63  }
0x2c: {  	_ = 	snop  }
0x2d: {  	[tilespmem:s17], [sflag:$0x4] =	stream.indirect.gather [hbm4b:s4+s11], $0x40, s11, s11, $0xb8;
	[tilespmem:$0xCB20] =	vst v63  }
0x2e: {  	_ =	swait.ge [sflag:s18], $0xC8  }
0x2f: {  	[sflag:s18] =	ssyncset.done $0x0  }
0x30: {  	[sflag:s18] =	ssyncadd.s32 $0xFFFFFF38  }
0x31: {  	_ =	swait.ge [sflag:s19], $0xC8  }
0x32: {  	[sflag:s19] =	ssyncset.done $0x0  }
0x33: {  	[sflag:s19] =	ssyncadd.s32 $0xFFFFFF38  }
0x34: {  	_ =	swait.ge [sflag:s20], $0x3200  }
0x35: {  	[sflag:s20] =	ssyncset.done $0x0  }
0x36: {  	[sflag:s20] =	ssyncadd.s32 $0xFFFFCE00  }
0x37: {  	_ =	swait.ge [sflag:s21], $0x3200  }
0x38: {  	[sflag:s21] =	ssyncset.done $0x0;
	s10 =	rddreg [dreg:$0xc]  }
0x39: {  	[sflag:s21] =	ssyncadd.s32 $0xFFFFCE00;
	s7 =	sadd.s32 $0xFFFFF378, s10  }
0x3a: {  	[hbm4b:s7+s22] =	stream.strided.scatter [tilespmem:s16], [sflag:$0x5], $0x3200, s23, s22, $0x38;
	[tilespmem:$0xCB20] =	vst v63  }
0x3b: {  	s8 =	sadd.s32 $0xFFFFF380, s10  }
0x3c: {  	[hbm4b:s8+s22] =	stream.strided.scatter [tilespmem:s17], [sflag:$0x6], $0x3200, s23, s22, $0x38;
	[tilespmem:$0xCB20] =	vst v63  }
0x3d: {  	_ = 	snop  }
0x3e: {  	[tilespmem:s24], [sflag:$0x9] =	stream.indirect.gather [hbm4b:s2+s11], $0x40, s12, s11, $0xb8;
	[tilespmem:$0xCB20] =	vst v63  }
0x3f: {  	_ = 	snop  }
0x40: {  	[tilespmem:s25], [sflag:$0xA] =	stream.indirect.gather [hbm4b:s4+s11], $0x40, s13, s11, $0xb8;
	[tilespmem:$0xCB20] =	vst v63  }
0x41: {  	_ =	swait.ge [sflag:s26], $0x3200  }
0x42: {  	[sflag:s26] =	ssyncset.done $0x0  }
0x43: {  	[sflag:s26] =	ssyncadd.s32 $0xFFFFCE00  }
0x44: {  	_ =	swait.ge [sflag:s28], $0x3200  }
0x45: {  	[sflag:s28] =	ssyncset.done $0x0  }
0x46: {  	s9 =	sadd.s32 $0xFFFFFFF8, s10;
	[sflag:s28] =	ssyncadd.s32 $0xFFFFCE00  }
0x47: {  	[hbm4b:s9+s22] =	stream.strided.scatter [tilespmem:s24], [sflag:$0xB], $0x3200, s23, s22, $0x38;
	[tilespmem:$0xCB20] =	vst v63  }
0x48: {  	_ = 	snop  }
0x49: {  	[hbm4b:s10+s22] =	stream.strided.scatter [tilespmem:s25], [sflag:$0xC], $0x3200, s23, s22, $0x38;
	[tilespmem:$0xCB20] =	vst v63  }
0x4a: {  	_ =	swait.ge [sflag:s29], $0x3200  }
0x4b: {  	[sflag:s29] =	ssyncset.done $0x0  }
0x4c: {  	[sflag:s29] =	ssyncadd.s32 $0xFFFFCE00  }
0x4d: {  	_ =	swait.ge [sflag:s30], $0x3200  }
0x4e: {  	[sflag:s30] =	ssyncset.done $0x0  }
0x4f: {  	[sflag:s30] =	ssyncadd.s32 $0xFFFFCE00  }
0x50: {  	_ =	swait.ge [sflag:s31], $0x3200  }
0x51: {  	[sflag:s31] =	ssyncset.done $0x0  }
0x52: {  	[sflag:s31] =	ssyncadd.s32 $0xFFFFCE00  }
0x53: {  	s6 =	simm.s32 $0x32;
	_ =	swait.ge [sflag:s1], $0x3200  }
0x54: {  	s7 =	simm.s32 $0x64;
	s8 =	rddreg [dreg:$0x5];
	[sflag:s1] =	ssyncset.done $0x0  }
.LBB2_2:
0x55: {  	[sflag:s1] =	ssyncadd.s32 $0xFFFFCE00;
	s9 =	rddreg [dreg:$0x6];
	s8 =	sadd.s32 s6, s8  }
0x56: {  	[tilespmem:s3], [sflag:$0x1] =	stream.linear.gather [hbm4b:s8+s3], $0xC8, $0x38;
	[tilespmem:$0xCB20] =	vst v63  }
0x57: {  	s0 =	rddreg [dreg:$0x3];
	s8 =	sadd.s32 s6, s9  }
0x58: {  	[tilespmem:s11], [sflag:$0x2] =	stream.linear.gather [hbm4b:s8+s3], $0xC8, $0x38;
	[tilespmem:$0xCB20] =	vst v63  }
0x59: {  	s9 =	rddreg [dreg:$0x4];
	s0 =	sadd.s32 s6, s0  }
0x5a: {  	[tilespmem:s12], [sflag:$0x7] =	stream.linear.gather [hbm4b:s0+s3], $0xC8, $0x38;
	[tilespmem:$0xCB20] =	vst v63  }
0x5b: {  	s9 =	sadd.s32 s6, s9  }
0x5c: {  	[tilespmem:s13], [sflag:$0x8] =	stream.linear.gather [hbm4b:s9+s3], $0xC8, $0x38;
	[tilespmem:$0xCB20] =	vst v63  }
0x5d: {  	_ =	swait.ge [sflag:s14], $0xC8  }
0x5e: {  	[sflag:s14] =	ssyncset.done $0x0  }
0x5f: {  	[sflag:s14] =	ssyncadd.s32 $0xFFFFFF38  }
0x60: {  	_ =	swait.ge [sflag:s15], $0xC8  }
0x61: {  	[sflag:s15] =	ssyncset.done $0x0  }
0x62: {  	[sflag:s15] =	ssyncadd.s32 $0xFFFFFF38  }
0x63: {  	[tilespmem:s16], [sflag:$0x3] =	stream.indirect.gather [hbm4b:s2+s11], $0x40, s3, s11, $0xb8;
	[tilespmem:$0xCB20] =	vst v63  }
0x64: {  	_ = 	snop  }
0x65: {  	[tilespmem:s17], [sflag:$0x4] =	stream.indirect.gather [hbm4b:s4+s11], $0x40, s11, s11, $0xb8;
	[tilespmem:$0xCB20] =	vst v63  }
0x66: {  	_ =	swait.ge [sflag:s18], $0xC8  }
0x67: {  	[sflag:s18] =	ssyncset.done $0x0  }
0x68: {  	[sflag:s18] =	ssyncadd.s32 $0xFFFFFF38  }
0x69: {  	_ =	swait.ge [sflag:s19], $0xC8  }
0x6a: {  	[sflag:s19] =	ssyncset.done $0x0  }
0x6b: {  	[sflag:s19] =	ssyncadd.s32 $0xFFFFFF38  }
0x6c: {  	_ =	swait.ge [sflag:s20], $0x3200  }
0x6d: {  	[sflag:s20] =	ssyncset.done $0x0  }
0x6e: {  	[sflag:s20] =	ssyncadd.s32 $0xFFFFCE00  }
0x6f: {  	_ =	swait.ge [sflag:s21], $0x3200  }
0x70: {  	s10 =	sadd.s32 $0x1900, s10;
	s5 =	smov.u32 s7;
	[sflag:s21] =	ssyncset.done $0x0  }
0x71: {  	s6 =	smov.u32 s5;
	s5 =	sadd.s32 $0xFFFFF378, s10;
	[sflag:s21] =	ssyncadd.s32 $0xFFFFCE00  }
0x72: {  	[hbm4b:s5+s22] =	stream.strided.scatter [tilespmem:s16], [sflag:$0x5], $0x3200, s23, s22, $0x38;
	[tilespmem:$0xCB20] =	vst v63  }
0x73: {  	s8 =	sadd.s32 $0xFFFFF380, s10  }
0x74: {  	[hbm4b:s8+s22] =	stream.strided.scatter [tilespmem:s17], [sflag:$0x6], $0x3200, s23, s22, $0x38;
	[tilespmem:$0xCB20] =	vst v63  }
0x75: {  	_ = 	snop  }
0x76: {  	[tilespmem:s24], [sflag:$0x9] =	stream.indirect.gather [hbm4b:s2+s11], $0x40, s12, s11, $0xb8;
	[tilespmem:$0xCB20] =	vst v63  }
0x77: {  	_ = 	snop  }
0x78: {  	[tilespmem:s25], [sflag:$0xA] =	stream.indirect.gather [hbm4b:s4+s11], $0x40, s13, s11, $0xb8;
	[tilespmem:$0xCB20] =	vst v63  }
0x79: {  	_ =	swait.ge [sflag:s26], $0x3200  }
0x7a: {  	[sflag:s26] =	ssyncset.done $0x0  }
0x7b: {  	[sflag:s26] =	ssyncadd.s32 $0xFFFFCE00  }
0x7c: {  	_ =	swait.ge [sflag:s28], $0x3200  }
0x7d: {  	[sflag:s28] =	ssyncset.done $0x0  }
0x7e: {  	s9 =	sadd.s32 $0xFFFFFFF8, s10;
	[sflag:s28] =	ssyncadd.s32 $0xFFFFCE00  }
0x7f: {  	[hbm4b:s9+s22] =	stream.strided.scatter [tilespmem:s24], [sflag:$0xB], $0x3200, s23, s22, $0x38;
	[tilespmem:$0xCB20] =	vst v63  }
0x80: {  	_ = 	snop  }
0x81: {  	[hbm4b:s10+s22] =	stream.strided.scatter [tilespmem:s25], [sflag:$0xC], $0x3200, s23, s22, $0x38;
	[tilespmem:$0xCB20] =	vst v63  }
0x82: {  	_ =	swait.ge [sflag:s29], $0x3200  }
0x83: {  	[sflag:s29] =	ssyncset.done $0x0  }
0x84: {  	[sflag:s29] =	ssyncadd.s32 $0xFFFFCE00  }
0x85: {  	_ =	swait.ge [sflag:s30], $0x3200  }
0x86: {  	[sflag:s30] =	ssyncset.done $0x0  }
0x87: {  	p0 =	sne.s32 s7, $0x226;
	[sflag:s30] =	ssyncadd.s32 $0xFFFFCE00  }
.Ltmp0:
0x88: {  	_ =	swait.ge [sflag:s31], $0x3200;
	(pc) =	sbr.rel @p0 .LBB2_2-.Ltmp0, $4  }
0x89: {  	[sflag:s31] =	ssyncset.done $0x0  }
0x8a: {  	[sflag:s31] =	ssyncadd.s32 $0xFFFFCE00  }
0x8b: {  	_ =	swait.ge [sflag:s1], $0x3200  }
0x8c: {  	s7 =	sadd.s32 $0x32, s7;
	s8 =	rddreg [dreg:$0x5];
	[sflag:s1] =	ssyncset.done $0x0  }
0x8d: {  	s0 =	rddreg [dreg:$0x6];
	[sflag:s1] =	ssyncadd.s32 $0xFFFFCE00;
	s5 =	sadd.s32 s6, s8  }
0x8e: {  	[tilespmem:s3], [sflag:$0x1] =	stream.linear.gather [hbm4b:s5+s3], $0xC8, $0x38;
	[tilespmem:$0xCB20] =	vst v63  }
0x8f: {  	s8 =	rddreg [dreg:$0x3];
	s0 =	sadd.s32 s6, s0  }
0x90: {  	[tilespmem:s11], [sflag:$0x2] =	stream.linear.gather [hbm4b:s0+s3], $0xC8, $0x38;
	[tilespmem:$0xCB20] =	vst v63  }
0x91: {  	s9 =	rddreg [dreg:$0x4];
	s5 =	sadd.s32 s6, s8  }
0x92: {  	[tilespmem:s12], [sflag:$0x7] =	stream.linear.gather [hbm4b:s5+s3], $0xC8, $0x38;
	[tilespmem:$0xCB20] =	vst v63  }
0x93: {  	s0 =	sadd.s32 s6, s9  }
0x94: {  	[tilespmem:s13], [sflag:$0x8] =	stream.linear.gather [hbm4b:s0+s3], $0xC8, $0x38;
	[tilespmem:$0xCB20] =	vst v63  }
0x95: {  	_ =	swait.ge [sflag:s14], $0xC8  }
0x96: {  	[sflag:s14] =	ssyncset.done $0x0  }
0x97: {  	[sflag:s14] =	ssyncadd.s32 $0xFFFFFF38  }
0x98: {  	_ =	swait.ge [sflag:s15], $0xC8  }
0x99: {  	[sflag:s15] =	ssyncset.done $0x0  }
0x9a: {  	[sflag:s15] =	ssyncadd.s32 $0xFFFFFF38  }
0x9b: {  	[tilespmem:s16], [sflag:$0x3] =	stream.indirect.gather [hbm4b:s2+s11], $0x40, s3, s11, $0xb8;
	[tilespmem:$0xCB20] =	vst v63  }
0x9c: {  	_ = 	snop  }
0x9d: {  	[tilespmem:s17], [sflag:$0x4] =	stream.indirect.gather [hbm4b:s4+s11], $0x40, s11, s11, $0xb8;
	[tilespmem:$0xCB20] =	vst v63  }
0x9e: {  	_ =	swait.ge [sflag:s18], $0xC8  }
0x9f: {  	[sflag:s18] =	ssyncset.done $0x0  }
0xa0: {  	[sflag:s18] =	ssyncadd.s32 $0xFFFFFF38  }
0xa1: {  	_ =	swait.ge [sflag:s19], $0xC8  }
0xa2: {  	[sflag:s19] =	ssyncset.done $0x0  }
0xa3: {  	[sflag:s19] =	ssyncadd.s32 $0xFFFFFF38  }
0xa4: {  	_ =	swait.ge [sflag:s20], $0x3200  }
0xa5: {  	[sflag:s20] =	ssyncset.done $0x0  }
0xa6: {  	[sflag:s20] =	ssyncadd.s32 $0xFFFFCE00  }
0xa7: {  	_ =	swait.ge [sflag:s21], $0x3200  }
0xa8: {  	s7 =	sadd.s32 $0x1900, s10;
	[sflag:s21] =	ssyncset.done $0x0  }
0xa9: {  	s8 =	sadd.s32 $0xFFFFF378, s7;
	[sflag:s21] =	ssyncadd.s32 $0xFFFFCE00  }
0xaa: {  	[hbm4b:s8+s22] =	stream.strided.scatter [tilespmem:s16], [sflag:$0x5], $0x3200, s23, s22, $0x38;
	[tilespmem:$0xCB20] =	vst v63  }
0xab: {  	s9 =	sadd.s32 $0xFFFFF380, s7  }
0xac: {  	[hbm4b:s9+s22] =	stream.strided.scatter [tilespmem:s17], [sflag:$0x6], $0x3200, s23, s22, $0x38;
	[tilespmem:$0xCB20] =	vst v63  }
0xad: {  	_ = 	snop  }
0xae: {  	[tilespmem:s24], [sflag:$0x9] =	stream.indirect.gather [hbm4b:s2+s11], $0x40, s12, s11, $0xb8;
	[tilespmem:$0xCB20] =	vst v63  }
0xaf: {  	_ = 	snop  }
0xb0: {  	[tilespmem:s25], [sflag:$0xA] =	stream.indirect.gather [hbm4b:s4+s11], $0x40, s13, s11, $0xb8;
	[tilespmem:$0xCB20] =	vst v63  }
0xb1: {  	_ =	swait.ge [sflag:s26], $0x3200  }
0xb2: {  	[sflag:s26] =	ssyncset.done $0x0  }
0xb3: {  	[sflag:s26] =	ssyncadd.s32 $0xFFFFCE00  }
0xb4: {  	_ =	swait.ge [sflag:s28], $0x3200  }
0xb5: {  	[sflag:s28] =	ssyncset.done $0x0  }
0xb6: {  	s10 =	sadd.s32 $0xFFFFFFF8, s7;
	[sflag:s28] =	ssyncadd.s32 $0xFFFFCE00  }
0xb7: {  	[hbm4b:s10+s22] =	stream.strided.scatter [tilespmem:s24], [sflag:$0xB], $0x3200, s23, s22, $0x38;
	[tilespmem:$0xCB20] =	vst v63  }
0xb8: {  	_ = 	snop  }
0xb9: {  	[hbm4b:s7+s22] =	stream.strided.scatter [tilespmem:s25], [sflag:$0xC], $0x3200, s23, s22, $0x38;
	[tilespmem:$0xCB20] =	vst v63  }
0xba: {  	_ =	swait.ge [sflag:s29], $0x3200  }
0xbb: {  	[sflag:s29] =	ssyncset.done $0x0  }
0xbc: {  	[sflag:s29] =	ssyncadd.s32 $0xFFFFCE00  }
0xbd: {  	_ =	swait.ge [sflag:s30], $0x3200  }
0xbe: {  	[sflag:s30] =	ssyncset.done $0x0  }
0xbf: {  	[sflag:s30] =	ssyncadd.s32 $0xFFFFCE00  }
0xc0: {  	_ =	swait.ge [sflag:s31], $0x3200  }
0xc1: {  	[sflag:s31] =	ssyncset.done $0x0  }
0xc2: {  	[sflag:s31] =	ssyncadd.s32 $0xFFFFCE00  }
0xc3: {  	_ =	swait.ge [sflag:s1], $0x3200  }
0xc4: {  	[sflag:s1] =	ssyncset.done $0x0  }
0xc5: {  	s5 =	rddreg [dreg:$0x7];
	[sflag:s1] =	ssyncadd.s32 $0xFFFFCE00  }
0xc6: {  	[tilespmem:s3], [sflag:$0x1] =	stream.linear.gather [hbm4b:s5+s3], $0xC8, $0x38;
	[tilespmem:$0xCB20] =	vst v63  }
0xc7: {  	s6 =	rddreg [dreg:$0x8]  }
0xc8: {  	[tilespmem:s11], [sflag:$0x2] =	stream.linear.gather [hbm4b:s6+s3], $0xC8, $0x38;
	[tilespmem:$0xCB20] =	vst v63  }
0xc9: {  	_ =	swait.ge [sflag:s14], $0xC8  }
0xca: {  	[sflag:s14] =	ssyncset.done $0x0  }
0xcb: {  	[sflag:s14] =	ssyncadd.s32 $0xFFFFFF38  }
0xcc: {  	_ =	swait.ge [sflag:s15], $0xC8  }
0xcd: {  	[sflag:s15] =	ssyncset.done $0x0  }
0xce: {  	[sflag:s15] =	ssyncadd.s32 $0xFFFFFF38  }
0xcf: {  	[tilespmem:s16], [sflag:$0x3] =	stream.indirect.gather [hbm4b:s2+s11], $0x40, s3, s11, $0xb8;
	[tilespmem:$0xCB20] =	vst v63  }
0xd0: {  	_ = 	snop  }
0xd1: {  	[tilespmem:s17], [sflag:$0x4] =	stream.indirect.gather [hbm4b:s4+s11], $0x40, s11, s11, $0xb8;
	[tilespmem:$0xCB20] =	vst v63  }
0xd2: {  	_ =	swait.ge [sflag:s20], $0x3200  }
0xd3: {  	[sflag:s20] =	ssyncset.done $0x0  }
0xd4: {  	[sflag:s20] =	ssyncadd.s32 $0xFFFFCE00  }
0xd5: {  	_ =	swait.ge [sflag:s21], $0x3200  }
0xd6: {  	[sflag:s21] =	ssyncset.done $0x0  }
0xd7: {  	s7 =	rddreg [dreg:$0x9];
	[sflag:s21] =	ssyncadd.s32 $0xFFFFCE00  }
0xd8: {  	[hbm4b:s7+s22] =	stream.strided.scatter [tilespmem:s16], [sflag:$0x5], $0x3200, s23, s22, $0x38;
	[tilespmem:$0xCB20] =	vst v63  }
0xd9: {  	s8 =	rddreg [dreg:$0xa]  }
0xda: {  	[hbm4b:s8+s22] =	stream.strided.scatter [tilespmem:s17], [sflag:$0x6], $0x3200, s23, s22, $0x38;
	[tilespmem:$0xCB20] =	vst v63  }
0xdb: {  	_ =	swait.ge [sflag:s29], $0x3200  }
0xdc: {  	[sflag:s29] =	ssyncset.done $0x0  }
0xdd: {  	[sflag:s29] =	ssyncadd.s32 $0xFFFFCE00  }
0xde: {  	_ =	swait.ge [sflag:s30], $0x3200  }
0xdf: {  	s9 =	rddreg [dreg:$0xd]  }
0xe0: {  	s10 =	rddreg [dreg:$0xb];
	s5 =	sadd.s32 $0x1, s9  }
0xe1: {  	p0 =	sne.s32 s5, s10  }
.Ltmp1:
0xe2: {  	_ = 	snop;
	(pc) =	sbr.rel @p0 .LBB2_1-.Ltmp1, $3  }
0xe3: {  	_ =	sdelay $0x1  }
0xe4: {  	[sflag:s30] =	ssyncset.done $0x0  }
0xe5: {  	[sflag:s30] =	ssyncadd.s32 $0xFFFFCE00  }
0xe6: {  	_ =	sfence.sel $0x180000  }
0xe7: {  	[bflag:$0x0] =	sbarrier.arrive $0xFFFF  }
0xe8: {  	_ =	strace $0x90000047  }
0xe9: {  	s0 =	stileid.u32;
	[bflag:$0x2] =	sbarrier.arrive $0xFFFF  }
0xea: {  	p0 =	sne.s32 s0, $0x0;
	s0 =	rddreg [dreg:$0x2]  }
0xeb: {  	s0 =	sadd.s32 @!p0 $0x100000, s0  }
0xec: {  	[sflag:s0] =	ssyncadd.tile.s32 @!p0 $0x1;
	_ =	shalt  }
.Lfunc_end2:
_tile_overlayer_lowered:
.L_overlay_start_2:
0xed: {  	(tag) =	ssettag $0x2  }
0xee: {  	s0 =	rddreg [dreg:$0x0];
	s2 =	stileid.u32  }
0xef: {  	s1 =	rddreg [dreg:$0x1];
	p0 =	sne.s32 s2, $0x0  }
0xf0: {  	s3 =	rddreg [dreg:$0x2];
	[bflag:$0x3] =	sbarrier.arrive $0xFFFF;
	s2 =	simm.s32 @!p0 $0x1C0D  }
0xf1: {  	[timem:s3], [sflag:s2] =	dma.local @!p0 [hbm:s0], s1  }
0xf2: {  	s0 =	simm.s32 @!p0 $0xD  }
0xf3: {  	_ =	swait.ge @!p0 [sflag:s0], s1  }
0xf4: {  	s1 =	ssub.s32 @!p0 $0x0, s1;
	[sflag:s0] =	ssyncset.done @!p0 $0x0  }
0xf5: {  	[sflag:s0] =	ssyncadd.s32 @!p0 s1  }
0xf6: {  	[bflag:$0x3] =	sbarrier.arrive $0xFFFF  }
0xf7: {  	_ =	shalt  }

// kernel: kernel.19.cloned.1.call-start
scs
__scs_entry_jumppad:
0x0: {  	(pc) =	sbr.rel $0x88, $3  }
0x1: {  	(tag) =	ssettag $0x0;
	lr =	simm.s32 $0x1  }
0x2: {  	[smem:$0x3F96] =	sst lr;
	_ =	strace $0xD0000000  }
0x3: {  	_ = 	snop  }
0x4: {  	_ = 	snop  }
0x5: {  	_ = 	snop  }
0x6: {  	_ = 	snop  }
0x7: {  	_ = 	snop  }
__scs_overlays_trampoline_lowered:
0x8: {  	[smem:$0x3FA5] =	sst s0  }
0x9: {  	[smem:$0x3FA6] =	sst s1  }
0xa: {  	[smem:$0x3FA7] =	sst s2  }
0xb: {  	[smem:$0x3FA8] =	sst s3  }
0xc: {  	[smem:$0x3FA9] =	sst s4  }
0xd: {  	[smem:$0x3FAA] =	sst s5  }
0xe: {  	[smem:$0x3FAB] =	sst s6  }
0xf: {  	[smem:$0x3FAC] =	sst s7  }
0x10: {  	[smem:$0x3FAD] =	sst s8  }
0x11: {  	[smem:$0x3FAE] =	sst s9;
	s0 =	simm.s32 @!p0 $0x0  }
0x12: {  	s1 =	sld [smem:$0x3F94];
	s0 =	simm.s32 @p0 $0x1  }
0x13: {  	[smem:$0x3FAF] =	sst s0;
	s0 =	simm.s32 @!p1 $0x0  }
0x14: {  	s2 =	sld [smem:$0x3F93];
	s0 =	simm.s32 @p1 $0x1  }
0x15: {  	[smem:$0x3FB0] =	sst s0;
	s0 =	simm.s32 @!p2 $0x0  }
0x16: {  	s3 =	sld [smem:$0x3FDB];
	s0 =	simm.s32 @p2 $0x1  }
0x17: {  	s4 =	simm.s32 $0x1BF5;
	[smem:$0x3FB2] =	sst s0  }
0x18: {  	s0 =	sld [smem:$0x3F95];
	_ =	swait.ge [sflag:s4], $0x0  }
0x19: {  	s7 =	sld [smem:$0x3F96]  }
0x1a: {  	s8 =	sadd.s32 $0xFFFFE003, lr  }
0x1b: {  	s9 =	sadd.s32 $0xFFFFFEF7, lr;
	s5 =	simm.s32 $0xFFFFFFFF;
	p2 =	slt.u32 s8, $0xFFFFF086  }
0x1c: {  	p1 =	slt.u32 s9, $0xF7A;
	s5 =	simm.s32 @!p2 $0x0  }
0x1d: {  	s5 =	simm.s32 @p1 $0x1;
	p0 =	seq.s32 s7, s2  }
0x1e: {  	s7 =	smul.u32 @!p0 $0xF7A, s2;
	p2 =	seq.s32 @!p0 s5, $0x0  }
0x1f: {  	s9 =	smul.u32 $0xF7A, s1;
	s8 =	simm.s32 @!p0 $0x1BF5;
	p2 =	por !p2, p0  }
0x20: {  	[sflag:s8] =	ssyncset.s32 @!p0 $0xFFFFF086;
	s6 =	sadd.s32 @!p0 s3, s7;
	s7 =	simm.s32 @!p0 $0x108  }
0x21: {  	s3 =	sadd.s32 s3, s9;
	s6 =	sadd.s32 @!p0 $0x88, s6;
	s7 =	simm.s32 @p2 $0x1082  }
0x22: {  	[simem:s7], [sflag:s8] =	dma.local @!p0 [hbm:s6], $0xF7A  }
0x23: {  	s9 =	sor.u32 $0xD0000000, s2;
	s6 =	simm.s32 $0x108;
	_ =	swait.ge @!p0 [sflag:s8], $0x0  }
0x24: {  	s3 =	sadd.s32 $0x88, s3;
	s6 =	simm.s32 @!p1 $0x1082;
	[sflag:s4] =	ssyncset.s32 $0xFFFFF086  }
0x25: {  	[simem:s6], [sflag:s4] =	dma.local [hbm:s3], $0xF7A  }
0x26: {  	[smem:$0x3F96] =	sst s1;
	(tag) =	ssettag s2;
	_ =	strace s9  }
0x27: {  	s1 =	sld [smem:$0x3FA6]  }
0x28: {  	s2 =	sld [smem:$0x3FA7]  }
0x29: {  	s4 =	sld [smem:$0x3FA9]  }
0x2a: {  	p0 =	seq.s32 s5, $0x0;
	s5 =	sld [smem:$0x3FAA]  }
0x2b: {  	s6 =	sld [smem:$0x3FAB]  }
0x2c: {  	s7 =	sld [smem:$0x3FAC]  }
0x2d: {  	s3 =	simm.s32 $0x108;
	s8 =	sld [smem:$0x3FAD]  }
0x2e: {  	s3 =	simm.s32 @!p0 $0x1082;
	s9 =	sld [smem:$0x3FAE]  }
0x2f: {  	lr =	sadd.s32 s0, s3;
	s0 =	sld [smem:$0x3FA5]  }
0x30: {  	s3 =	sld [smem:$0x3FA8]  }
0x31: {  	[smem:$0x3FB1] =	sst s10  }
0x32: {  	s10 =	sld [smem:$0x3FAF];
	_ =	sdelay $0x3  }
0x33: {  	p0 =	seq.s32 s10, $0x1;
	s10 =	sld [smem:$0x3FB1];
	_ =	sdelay $0x3  }
0x34: {  	[smem:$0x3FB1] =	sst s10  }
0x35: {  	s10 =	sld [smem:$0x3FB0];
	_ =	sdelay $0x3  }
0x36: {  	p1 =	seq.s32 s10, $0x1;
	s10 =	sld [smem:$0x3FB1];
	_ =	sdelay $0x3  }
0x37: {  	[smem:$0x3FB1] =	sst s10  }
0x38: {  	s10 =	sld [smem:$0x3FB2]  }
0x39: {  	_ = 	snop;
	(pc) =	sbr.ind lr, $3  }
0x3a: {  	_ = 	snop  }
0x3b: {  	_ = 	snop  }
0x3c: {  	p2 =	seq.s32 s10, $0x1;
	s10 =	sld [smem:$0x3FB1]  }
0x3d: {  	_ =	shalt  }
0x3e: {  	_ =	shalt  }
0x3f: {  	_ =	shalt  }
0x40: {  	_ =	shalt  }
0x41: {  	_ =	shalt  }
0x42: {  	_ =	shalt  }
0x43: {  	_ =	shalt  }
0x44: {  	_ =	shalt  }
0x45: {  	_ =	shalt  }
0x46: {  	_ =	shalt  }
0x47: {  	_ =	shalt  }
0x48: {  	_ =	shalt  }
0x49: {  	_ =	shalt  }
0x4a: {  	_ =	shalt  }
0x4b: {  	_ =	shalt  }
0x4c: {  	_ =	shalt  }
0x4d: {  	_ =	shalt  }
0x4e: {  	_ =	shalt  }
0x4f: {  	_ =	shalt  }
0x50: {  	_ =	shalt  }
0x51: {  	_ =	shalt  }
0x52: {  	_ =	shalt  }
0x53: {  	_ =	shalt  }
0x54: {  	_ =	shalt  }
0x55: {  	_ =	shalt  }
0x56: {  	_ =	shalt  }
0x57: {  	_ =	shalt  }
0x58: {  	_ =	shalt  }
0x59: {  	_ =	shalt  }
0x5a: {  	_ =	shalt  }
0x5b: {  	_ =	shalt  }
0x5c: {  	_ =	shalt  }
0x5d: {  	_ =	shalt  }
0x5e: {  	_ =	shalt  }
0x5f: {  	_ =	shalt  }
0x60: {  	_ =	shalt  }
0x61: {  	_ =	shalt  }
0x62: {  	_ =	shalt  }
0x63: {  	_ =	shalt  }
0x64: {  	_ =	shalt  }
0x65: {  	_ =	shalt  }
0x66: {  	_ =	shalt  }
0x67: {  	_ =	shalt  }
0x68: {  	_ =	shalt  }
0x69: {  	_ =	shalt  }
0x6a: {  	_ =	shalt  }
0x6b: {  	_ =	shalt  }
0x6c: {  	_ =	shalt  }
0x6d: {  	_ =	shalt  }
0x6e: {  	_ =	shalt  }
0x6f: {  	_ =	shalt  }
0x70: {  	_ =	shalt  }
0x71: {  	_ =	shalt  }
0x72: {  	_ =	shalt  }
0x73: {  	_ =	shalt  }
0x74: {  	_ =	shalt  }
0x75: {  	_ =	shalt  }
0x76: {  	_ =	shalt  }
0x77: {  	_ =	shalt  }
0x78: {  	_ =	shalt  }
0x79: {  	_ =	shalt  }
0x7a: {  	_ =	shalt  }
0x7b: {  	_ =	shalt  }
0x7c: {  	_ =	shalt  }
0x7d: {  	_ =	shalt  }
0x7e: {  	_ =	shalt  }
0x7f: {  	_ =	shalt  }
0x80: {  	_ =	shalt  }
0x81: {  	_ =	shalt  }
0x82: {  	_ =	shalt  }
0x83: {  	_ =	shalt  }
0x84: {  	_ =	shalt  }
0x85: {  	_ =	shalt  }
0x86: {  	_ =	shalt  }
0x87: {  	_ =	shalt  }
.Lfunc_end0:
.L_simem_size_0:
called_computation.3_lowered:
.L_overlay_start_0:
0x88: {  	s2 =	sld [smem:$0x3FD9]  }
0x89: {  	s3 =	sld [smem:$0x3FFE];
	_ =	sdelay $0x1  }
0x8a: {  	s1 =	srdreg.scid  }
0x8b: {  	s0 =	sand.u32 $0x1, s1  }
0x8c: {  	s17 =	sshll.u32 s0, $0xA;
	s2 =	sadd.s32 s3, s2  }
0x8d: {  	s2 =	sadd.s32 s2, s17  }
0x8e: {  	[smem:$0x3FBD] =	sst s2  }
0x8f: {  	_ = 	snop  }
0x90: {  	(tm) =	ssettm $0x1  }
0x91: {  	s18 =	sld [smem:$0x3FFB];
	_ =	sdelay $0x3  }
0x92: {  	_ =	strace s18  }
0x93: {  	s2 =	sld [smem:$0x3FFC];
	_ =	sdelay $0x3  }
0x94: {  	_ =	strace s2  }
0x95: {  	s2 =	sld [smem:$0x3FFD];
	_ =	sdelay $0x3  }
0x96: {  	_ =	strace s2  }
0x97: {  	_ =	strace $0x8FFFFFFF  }
0x98: {  	s19 =	sld [smem:$0x3FDB];
	_ =	sdelay $0x1  }
0x99: {  	s20 =	simm.s32 $_scs_section_size  }
0x9a: {  	s4 =	simm.s32 $_size__tile_overlayer_lowered;
	s5 =	simm.s32 $_tile_overlayer_lowered  }
0x9b: {  	s6 =	simm.s32 $0x1BFF;
	s21 =	sshll.u32 s5, $0x1;
	s3 =	sadd.s32 s20, s19  }
0x9c: {  	s22 =	simm.s32 $0x0;
	s4 =	sshll.u32 s4, $0x1;
	s5 =	sadd.s32 s21, s3  }
0x9d: {  	[timem:s22], [sflag:s6] =	dma.local [hbm:s5], s4  }
0x9e: {  	_ =	swait.ge [sflag:s6], s4  }
0x9f: {  	s4 =	ssub.s32 $0x0, s4;
	[sflag:s6] =	ssyncset.done $0x0  }
0xa0: {  	[sflag:s6] =	ssyncadd.s32 s4;
	_ =	sdelay $0x1  }
0xa1: {  	s23 =	simm.s32 $0x1B8B  }
0xa2: {  	_ =	swait.ge [sflag:s23], $0x1  }
0xa3: {  	[sflag:s23] =	ssyncset.done $0x0  }
0xa4: {  	[sflag:s23] =	ssyncadd.s32 $0xFFFFFFFF  }
0xa5: {  	s4 =	sld [smem:$0x0]  }
0xa6: {  	s5 =	sand.u32 $0xFFFFFFFE, s1  }
0xa7: {  	p0 =	sne.s32 s1, s5  }
0xa8: {  	s5 =	sshll.u32 @p0 s5, $0xE  }
0xa9: {  	s5 =	sadd.s32 @p0 $0x11B8D, s5;
	s6 =	sshll.u32 @p0 s4, $0x11  }
0xaa: {  	s5 =	sor.u32 @p0 s6, s5  }
0xab: {  	[sflag:s5] =	ssyncadd.remote.s32 @p0 $0x1;
	_ =	sdelay $0x1  }
0xac: {  	s5 =	simm.s32 @p0 $0x1B8D  }
0xad: {  	_ =	swait.eq @p0 [sflag:s5], $0x1  }
0xae: {  	[sflag:s5] =	ssyncadd.s32 @p0 $0xFFFFFFFF  }
0xaf: {  	s6 =	sshll.u32 @!p0 s1, $0xE  }
0xb0: {  	s6 =	sor.u32 @!p0 $0x4000, s6;
	s5 =	simm.s32 @!p0 $0x1B8D  }
0xb1: {  	s4 =	sshll.u32 @!p0 s4, $0x11;
	s6 =	sadd.s32 @!p0 $0x11B8D, s6;
	_ =	swait.eq @!p0 [sflag:s5], $0x1  }
0xb2: {  	s4 =	sor.u32 @!p0 s4, s6;
	[sflag:s5] =	ssyncadd.s32 @!p0 $0xFFFFFFFF  }
0xb3: {  	s25 =	simm.s32 $0x1B8E;
	s24 =	sld [smem:$0x3FFE];
	[sflag:s4] =	ssyncadd.remote.s32 @!p0 $0x1  }
0xb4: {  	s26 =	simm.s32 $execute0_lowered;
	[smem:$0x3FD2] =	sst s25  }
0xb5: {  	s5 =	sshll.u32 s26, $0x1;
	_ =	strace $0x8000004C;
	[dreg:$0x1] =	wrdreg $0xFFFFFFFF  }
0xb6: {  	s28 =	simm.s32 $_size_execute0_lowered;
	s3 =	sadd.s32 s3, s5;
	[dreg:$0x0] =	wrdreg $0x0  }
0xb7: {  	s5 =	sshll.u32 s28, $0x1;
	[dreg:$0x2] =	wrdreg s3  }
0xb8: {  	[dreg:$0x3] =	wrdreg s5  }
0xb9: {  	[dreg:$0x4] =	wrdreg $0xC0  }
0xba: {  	_ =	task [dreg:s22], $0x5FFFF  }
0xbb: {  	[dreg:$0x1] =	wrdreg $0xFFFFFFFF  }
0xbc: {  	[dreg:$0x0] =	wrdreg $0x60  }
0xbd: {  	[dreg:$0x2] =	wrdreg s24  }
0xbe: {  	[dreg:$0x3] =	wrdreg $0x29000  }
0xbf: {  	[dreg:$0x4] =	wrdreg $0xA  }
0xc0: {  	_ =	task.clear_ibuf [dreg:s22], $0x5FFFF;
	_ =	strace $0x9000004C  }
0xc1: {  	s29 =	simm.s32 $0xA;
	_ =	strace $0x8000004E  }
0xc2: {  	_ =	swait.ge [sflag:s29], $0x1  }
0xc3: {  	[sflag:s29] =	ssyncadd.s32 $0xFFFFFFFF  }
0xc4: {  	_ =	strace $0x9000004E  }
0xc5: {  	_ =	sfence  }
0xc6: {  	s30 =	sld [smem:$0x0];
	_ =	sdelay $0x2  }
0xc7: {  	s31 =	sshll.u32 s1, $0xD;
	s1 =	sshrl.u32 s1, $0x2  }
0xc8: {  	s4 =	sand.u32 $0x4000, s31;
	s1 =	sadd.s32 s1, s30  }
0xc9: {  	s0 =	sor.u32 s4, s0;
	s1 =	sshll.u32 s1, $0x11  }
0xca: {  	s0 =	sor.u32 s1, s0  }
0xcb: {  	s0 =	sadd.s32 $0x8F2B, s0  }
0xcc: {  	[sflag:s0] =	ssyncadd.remote.s32 $0x1  }
0xcd: {  	_ =	sfence.sel $0xFFFF  }
0xce: {  	[dreg:$0x0] =	wrdreg $0xFFFFFFFF;
	(pc) =	sbr.abs _section_cstart, $3  }
0xcf: {  	[dreg:$0x1] =	wrdreg $0xFFFFFFFF  }
0xd0: {  	_ =	task.clear_ibuf [dreg:s22], $0x2FFFF;
	_ =	strace $0x9FFFFFFF  }
0xd1: {  	(tm) =	ssettm $0x7FFFFFFF  }
tec
execute0_lowered:
.L_overlay_start_1:
0x0: {  	(tag) =	ssettag $0x1  }
0x1: {  	s4 =	rddreg [dreg:$0x0]  }
0x2: {  	s2 =	rddreg [dreg:$0x1]  }
0x3: {  	s0 =	rddreg [dreg:$0x2];
	s3 =	simm.s32 $0x0;
	s1 =	stileid.u32  }
0x4: {  	s5 =	srdreg.scid;
	s17 =	simm.s32 $0x1500;
	s18 =	simm.s32 $0x1  }
0x5: {  	s19 =	simm.s32 $0x3;
	s20 =	simm.s32 $0x28;
	s6 =	smul.u32 $0x13C00, s1  }
0x6: {  	s21 =	simm.s32 $0x2;
	s22 =	simm.s32 $0x4;
	s8 =	smul.u32 $0x4F000, s1  }
0x7: {  	s23 =	simm.s32 $0x0;
	[smem:$0x7FF] =	sst s3;
	s13 =	smul.u32 $0x1388, s1  }
0x8: {  	s7 =	sand.u32 $0x1, s5;
	s10 =	sadd.s32 $0x50C400, s4;
	s30 =	smul.u32 $0x13880, s1  }
0x9: {  	s12 =	sadd.s32 $0x3000, s4;
	s28 =	sshll.u32 s1, $0x6;
	s5 =	smul.u32 $0x13C000, s7  }
0xa: {  	_ =	strace $0x8000004D;
	s24 =	smul.u32 $0x13880, s7;
	s11 =	ssub.s32 $0x2, s7  }
0xb: {  	s16 =	smul.u32 $0x138800, s7;
	s9 =	sshrl.u32 s6, $0x3;
	s25 =	sshrl.u32 s11, $0x1  }
0xc: {  	s26 =	sshrl.u32 s8, $0x2;
	s5 =	sadd.s32 s6, s5;
	s9 =	sadd.s32 s9, s4  }
0xd: {  	s11 =	ssub.s32 s11, s25;
	s13 =	sadd.s32 s13, s24;
	s15 =	sadd.s32 s26, s2  }
0xe: {  	s5 =	sshrl.u32 s5, $0x3;
	s6 =	sshrl.u32 s13, $0x3;
	s29 =	sshll.u32 s13, $0x4  }
0xf: {  	s31 =	sadd.s32 $0x27150, s13;
	s13 =	sadd.s32 $0x27128, s13;
	s14 =	sadd.s32 s5, s4  }
0x10: {  	s4 =	sadd.s32 $0x2A400, s9;
	s5 =	sor.u32 $0x1C05, s28;
	s6 =	sadd.s32 s12, s6  }
0x11: {  	s7 =	sadd.s32 s10, s29;
	s9 =	smax.u32 s11, $0x1;
	s10 =	sadd.s32 s16, s10  }
0x12: {  	s11 =	sshrl.u32 s31, $0x3;
	s13 =	sshrl.u32 s13, $0x3;
	s16 =	simm.s32 $0x80  }
0x13: {  	s6 =	sadd.s32 $0x4E20, s6;
	s8 =	sadd.s32 $0x51C00, s14;
	s10 =	sadd.s32 s30, s10  }
0x14: {  	s11 =	sadd.s32 s11, s12;
	s12 =	sadd.s32 s13, s12;
	s13 =	sshrl.u32 s15, $0x3  }
0x15: {  	s14 =	simm.s32 $0x5;
	s15 =	simm.s32 $0x100;
	s10 =	sadd.s32 $0x500, s10  }
.LBB2_1:
0x16: {  	[spmem:s13], [sflag:s5] =	dma.local [hbm:s4], $0x2780  }
0x17: {  	_ =	swait.ge [sflag:s14], $0x2780  }
0x18: {  	[sflag:s14] =	ssyncset.done $0x0  }
0x19: {  	[sflag:s14] =	ssyncadd.s32 $0xFFFFD880  }
0x1a: {  	[bflag:$0x0] =	sbarrier.arrive $0xFFFF  }
0x1b: {  	[tilespmem:s3], [sflag:$0x1] =	stream.linear.gather [hbm4b:s6+s3], $0x28, $0x38;
	[tilespmem:$0x16500] =	vst v63  }
0x1c: {  	_ = 	snop  }
0x1d: {  	[tilespmem:s15], [sflag:$0x3] =	stream.linear.gather [hbm4b:s7+s3], $0x1400, $0x38;
	[tilespmem:$0x16500] =	vst v63  }
0x1e: {  	s24 =	sadd.s32 $0x0, s12  }
0x1f: {  	[tilespmem:s16], [sflag:$0x2] =	stream.linear.gather [hbm4b:s24+s3], $0x28, $0x38;
	[tilespmem:$0x16500] =	vst v63  }
0x20: {  	s30 =	sadd.s32 $0xFFFFFD80, s10  }
0x21: {  	[tilespmem:s17], [sflag:$0x4] =	stream.linear.gather [hbm4b:s30+s3], $0x1400, $0x38;
	[tilespmem:$0x16500] =	vst v63  }
0x22: {  	_ =	swait.ge [sflag:s18], $0x28  }
0x23: {  	[sflag:s18] =	ssyncset.done $0x0  }
0x24: {  	[sflag:s18] =	ssyncadd.s32 $0xFFFFFFD8  }
0x25: {  	_ =	swait.ge [sflag:s19], $0x1400  }
0x26: {  	[sflag:s19] =	ssyncset.done $0x0  }
0x27: {  	[sflag:s19] =	ssyncadd.s32 $0xFFFFEC00  }
0x28: {  	[spmem:s2] =	stream.indirect.scatter.add.f32 [tilespmem:s15], [sflag:$0x5], $0x80, s3, s20, $0xb8;
	[tilespmem:$0x16500] =	vst v63  }
0x29: {  	_ =	swait.ge [sflag:s14], $0x1400  }
0x2a: {  	[sflag:s14] =	ssyncset.done $0x0  }
0x2b: {  	s31 =	sadd.s32 $0x0, s11;
	[sflag:s14] =	ssyncadd.s32 $0xFFFFEC00  }
0x2c: {  	[tilespmem:s3], [sflag:$0x1] =	stream.linear.gather [hbm4b:s31+s3], $0x28, $0x38;
	[tilespmem:$0x16500] =	vst v63  }
0x2d: {  	_ = 	snop  }
0x2e: {  	[tilespmem:s15], [sflag:$0x3] =	stream.linear.gather [hbm4b:s10+s3], $0x1400, $0x38;
	[tilespmem:$0x16500] =	vst v63  }
0x2f: {  	_ =	swait.ge [sflag:s21], $0x28  }
0x30: {  	[sflag:s21] =	ssyncset.done $0x0  }
0x31: {  	[sflag:s21] =	ssyncadd.s32 $0xFFFFFFD8  }
0x32: {  	_ =	swait.ge [sflag:s22], $0x1400  }
0x33: {  	[sflag:s22] =	ssyncset.done $0x0  }
0x34: {  	[sflag:s22] =	ssyncadd.s32 $0xFFFFEC00  }
0x35: {  	[spmem:s2] =	stream.indirect.scatter.add.f32 [tilespmem:s17], [sflag:$0x5], $0x80, s16, s20, $0xb8;
	[tilespmem:$0x16500] =	vst v63  }
0x36: {  	s26 =	simm.s32 $0x14;
	_ =	swait.ge [sflag:s14], $0x1400  }
0x37: {  	s25 =	sadd.s32 $0x500, s10;
	s24 =	simm.s32 $0xA;
	[sflag:s14] =	ssyncset.done $0x0  }
.LBB2_2:
0x38: {  	s28 =	sadd.s32 s24, s12  }
0x39: {  	[sflag:s14] =	ssyncadd.s32 $0xFFFFEC00;
	s29 =	smov.u32 s26;
	s30 =	sadd.s32 $0xA, s26  }
0x3a: {  	[tilespmem:s16], [sflag:$0x2] =	stream.linear.gather [hbm4b:s28+s3], $0x28, $0x38;
	[tilespmem:$0x16500] =	vst v63  }
0x3b: {  	p0 =	sne.s32 s26, $0x262;
	s26 =	sadd.s32 $0xFFFFFD80, s25  }
0x3c: {  	[tilespmem:s17], [sflag:$0x4] =	stream.linear.gather [hbm4b:s26+s3], $0x1400, $0x38;
	[tilespmem:$0x16500] =	vst v63  }
0x3d: {  	_ =	swait.ge [sflag:s18], $0x28  }
0x3e: {  	[sflag:s18] =	ssyncset.done $0x0  }
0x3f: {  	[sflag:s18] =	ssyncadd.s32 $0xFFFFFFD8  }
0x40: {  	_ =	swait.ge [sflag:s19], $0x1400  }
0x41: {  	[sflag:s19] =	ssyncset.done $0x0  }
0x42: {  	[sflag:s19] =	ssyncadd.s32 $0xFFFFEC00  }
0x43: {  	[spmem:s2] =	stream.indirect.scatter.add.f32 [tilespmem:s15], [sflag:$0x5], $0x80, s3, s20, $0xb8;
	[tilespmem:$0x16500] =	vst v63  }
0x44: {  	_ =	swait.ge [sflag:s14], $0x1400  }
0x45: {  	[sflag:s14] =	ssyncset.done $0x0  }
0x46: {  	s26 =	sadd.s32 s24, s11;
	s24 =	smov.u32 s29;
	[sflag:s14] =	ssyncadd.s32 $0xFFFFEC00  }
0x47: {  	[tilespmem:s3], [sflag:$0x1] =	stream.linear.gather [hbm4b:s26+s3], $0x28, $0x38;
	[tilespmem:$0x16500] =	vst v63  }
0x48: {  	_ = 	snop  }
0x49: {  	[tilespmem:s15], [sflag:$0x3] =	stream.linear.gather [hbm4b:s25+s3], $0x1400, $0x38;
	[tilespmem:$0x16500] =	vst v63  }
0x4a: {  	_ =	swait.ge [sflag:s21], $0x28  }
0x4b: {  	[sflag:s21] =	ssyncset.done $0x0  }
0x4c: {  	[sflag:s21] =	ssyncadd.s32 $0xFFFFFFD8  }
0x4d: {  	_ =	swait.ge [sflag:s22], $0x1400  }
.Ltmp0:
0x4e: {  	[sflag:s22] =	ssyncset.done $0x0;
	(pc) =	sbr.rel @p0 .LBB2_2-.Ltmp0, $4  }
0x4f: {  	[sflag:s22] =	ssyncadd.s32 $0xFFFFEC00  }
0x50: {  	[spmem:s2] =	stream.indirect.scatter.add.f32 [tilespmem:s17], [sflag:$0x5], $0x80, s16, s20, $0xb8;
	[tilespmem:$0x16500] =	vst v63  }
0x51: {  	_ =	swait.ge [sflag:s14], $0x1400  }
0x52: {  	s26 =	smov.u32 s30;
	s25 =	sadd.s32 $0x500, s25;
	[sflag:s14] =	ssyncset.done $0x0  }
0x53: {  	s26 =	sadd.s32 s24, s12;
	[sflag:s14] =	ssyncadd.s32 $0xFFFFEC00  }
0x54: {  	[tilespmem:s16], [sflag:$0x2] =	stream.linear.gather [hbm4b:s26+s3], $0x28, $0x38;
	[tilespmem:$0x16500] =	vst v63  }
0x55: {  	s30 =	sadd.s32 $0xFFFFFD80, s25  }
0x56: {  	[tilespmem:s17], [sflag:$0x4] =	stream.linear.gather [hbm4b:s30+s3], $0x1400, $0x38;
	[tilespmem:$0x16500] =	vst v63  }
0x57: {  	_ =	swait.ge [sflag:s18], $0x28  }
0x58: {  	[sflag:s18] =	ssyncset.done $0x0  }
0x59: {  	[sflag:s18] =	ssyncadd.s32 $0xFFFFFFD8  }
0x5a: {  	_ =	swait.ge [sflag:s19], $0x1400  }
0x5b: {  	[sflag:s19] =	ssyncset.done $0x0  }
0x5c: {  	[sflag:s19] =	ssyncadd.s32 $0xFFFFEC00  }
0x5d: {  	[spmem:s2] =	stream.indirect.scatter.add.f32 [tilespmem:s15], [sflag:$0x5], $0x80, s3, s20, $0xb8;
	[tilespmem:$0x16500] =	vst v63  }
0x5e: {  	_ =	swait.ge [sflag:s14], $0x1400  }
0x5f: {  	[sflag:s14] =	ssyncset.done $0x0  }
0x60: {  	s31 =	sadd.s32 s24, s11;
	[sflag:s14] =	ssyncadd.s32 $0xFFFFEC00  }
0x61: {  	[tilespmem:s3], [sflag:$0x1] =	stream.linear.gather [hbm4b:s31+s3], $0x28, $0x38;
	[tilespmem:$0x16500] =	vst v63  }
0x62: {  	_ = 	snop  }
0x63: {  	[tilespmem:s15], [sflag:$0x3] =	stream.linear.gather [hbm4b:s25+s3], $0x1400, $0x38;
	[tilespmem:$0x16500] =	vst v63  }
0x64: {  	_ =	swait.ge [sflag:s21], $0x28  }
0x65: {  	[sflag:s21] =	ssyncset.done $0x0  }
0x66: {  	[sflag:s21] =	ssyncadd.s32 $0xFFFFFFD8  }
0x67: {  	_ =	swait.ge [sflag:s22], $0x1400  }
0x68: {  	[sflag:s22] =	ssyncset.done $0x0  }
0x69: {  	[sflag:s22] =	ssyncadd.s32 $0xFFFFEC00  }
0x6a: {  	[spmem:s2] =	stream.indirect.scatter.add.f32 [tilespmem:s17], [sflag:$0x5], $0x80, s16, s20, $0xb8;
	[tilespmem:$0x16500] =	vst v63  }
0x6b: {  	_ =	swait.ge [sflag:s14], $0x1400  }
0x6c: {  	[sflag:s14] =	ssyncset.done $0x0  }
0x6d: {  	[sflag:s14] =	ssyncadd.s32 $0xFFFFEC00  }
0x6e: {  	_ =	swait.ge [sflag:s18], $0x28  }
0x6f: {  	[sflag:s18] =	ssyncset.done $0x0  }
0x70: {  	[sflag:s18] =	ssyncadd.s32 $0xFFFFFFD8  }
0x71: {  	_ =	swait.ge [sflag:s19], $0x1400  }
0x72: {  	[sflag:s19] =	ssyncset.done $0x0  }
0x73: {  	[sflag:s19] =	ssyncadd.s32 $0xFFFFEC00  }
0x74: {  	[spmem:s2] =	stream.indirect.scatter.add.f32 [tilespmem:s15], [sflag:$0x5], $0x80, s3, s20, $0xb8;
	[tilespmem:$0x16500] =	vst v63  }
0x75: {  	_ =	swait.ge [sflag:s14], $0x1400  }
0x76: {  	s23 =	sadd.s32 $0x1, s23;
	[sflag:s14] =	ssyncset.done $0x0  }
0x77: {  	p0 =	sne.s32 s23, s9;
	[sflag:s14] =	ssyncadd.s32 $0xFFFFEC00  }
.Ltmp1:
0x78: {  	[bflag:$0x0] =	sbarrier.arrive $0xFFFF;
	(pc) =	sbr.rel @p0 .LBB2_1-.Ltmp1, $4  }
0x79: {  	[hbm:s8], [sflag:s5] =	dma.local [spmem:s13], $0x2780  }
0x7a: {  	_ =	swait.ge [sflag:s14], $0x2780  }
0x7b: {  	[sflag:s14] =	ssyncset.done $0x0  }
0x7c: {  	[sflag:s14] =	ssyncadd.s32 $0xFFFFD880  }
0x7d: {  	_ =	sfence.sel $0x180000  }
0x7e: {  	[bflag:$0x0] =	sbarrier.arrive $0xFFFF  }
0x7f: {  	p0 =	sne.s32 s1, $0x0;
	_ =	strace $0x9000004D  }
0x80: {  	s0 =	sadd.s32 @!p0 $0x100000, s0;
	[bflag:$0x2] =	sbarrier.arrive $0xFFFF  }
0x81: {  	[sflag:s0] =	ssyncadd.tile.s32 @!p0 $0x1;
	_ =	shalt  }
.Lfunc_end2:
_tile_overlayer_lowered:
.L_overlay_start_2:
0x82: {  	(tag) =	ssettag $0x2  }
0x83: {  	s0 =	rddreg [dreg:$0x0];
	s2 =	stileid.u32  }
0x84: {  	s1 =	rddreg [dreg:$0x1];
	p0 =	sne.s32 s2, $0x0  }
0x85: {  	s3 =	rddreg [dreg:$0x2];
	[bflag:$0x3] =	sbarrier.arrive $0xFFFF;
	s2 =	simm.s32 @!p0 $0x1C05  }
0x86: {  	[timem:s3], [sflag:s2] =	dma.local @!p0 [hbm:s0], s1  }
0x87: {  	s0 =	simm.s32 @!p0 $0x5  }
0x88: {  	_ =	swait.ge @!p0 [sflag:s0], s1  }
0x89: {  	s1 =	ssub.s32 @!p0 $0x0, s1;
	[sflag:s0] =	ssyncset.done @!p0 $0x0  }
0x8a: {  	[sflag:s0] =	ssyncadd.s32 @!p0 s1  }
0x8b: {  	[bflag:$0x3] =	sbarrier.arrive $0xFFFF  }
0x8c: {  	_ =	shalt  }

</sc_bundles>
